<compile_context>
chip_gen: v7x
topology: tpu7x:2x2x1
jax: 0.10.2.dev20260603
libtpu: 0.0.44.dev20260713+nightly
codegen_flags: <defaults>
</compile_context>

<pallas_src>
import functools

import jax
import jax.numpy as jnp
from jax import lax
from jax.experimental import pallas as pl
from jax.experimental.pallas import tpu as pltpu
from jax.experimental.pallas import tpu_sc as plsc

B = 16384
N = 200
D = 64
MAXP = 200


RBL = 512
NG = N // 8
NPAD = 256


def _sortable_keys(x):
    u = lax.bitcast_convert_type(x, jnp.int32)
    sgn = lax.shift_right_arithmetic(u, 31)
    return u ^ lax.shift_right_logical(sgn, 1)


def _rank_body(tw_ref, rank_ref, keys_ref, acc_ref):
    keys_ref[...] = _sortable_keys(jnp.transpose(tw_ref[...], (1, 0)))
    acc_ref[...] = jnp.zeros((N, RBL), jnp.int32)

    iot_loc = lax.broadcasted_iota(jnp.int32, (8, RBL), 0)

    def gbody(g, _):
        base = pl.multiple_of(g * 8, 8)
        vg = keys_ref[pl.ds(base, 8), :]
        vkb = [jnp.broadcast_to(vg[s:s + 1, :], (8, RBL)) for s in range(8)]
        for jt in range(NG):
            tj = keys_ref[jt * 8:(jt + 1) * 8, :]
            thr = tj + jnp.where(jt > g, 1, 0).astype(jnp.int32)
            acc = acc_ref[jt * 8:(jt + 1) * 8, :]
            for s in range(8):
                c = vkb[s] < thr
                acc = jnp.where(c, acc + 1, acc)
            acc_ref[jt * 8:(jt + 1) * 8, :] = acc
        accd = acc_ref[pl.ds(base, 8), :]
        for s in range(8):
            m = (vkb[s] == vg) & (iot_loc > s)
            accd = jnp.where(m, accd + 1, accd)
        acc_ref[pl.ds(base, 8), :] = accd
        return 0

    lax.fori_loop(0, NG, gbody, 0)
    rank_ref[...] = lax.concatenate(
        [jnp.transpose(acc_ref[...], (1, 0)),
         jnp.zeros((RBL, NPAD - N), jnp.int32)], 1)


def _ranks_tc(tw):
    return pl.pallas_call(
        _rank_body,
        out_shape=jax.ShapeDtypeStruct((B, NPAD), jnp.int32),
        grid=(B // RBL,),
        in_specs=[pl.BlockSpec((RBL, N), lambda i: (i, 0))],
        out_specs=pl.BlockSpec((RBL, NPAD), lambda i: (i, 0)),
        scratch_shapes=[
            pltpu.VMEM((N, RBL), jnp.int32),
            pltpu.VMEM((N, RBL), jnp.int32),
        ],
    )(tw)



NC = 2
NS = 16
NW = NC * NS
TOTAL = B * N
ROWS_W = B // NW
IB = 32
SB = 4
NBUF = 2


def _sc_gather_body(pe_hbm, idx_hbm, out_hbm, pe_sh, idx_v, rows_v, gsem, wsem):
    wid = lax.axis_index("s") * NC + lax.axis_index("c")
    row0 = wid * ROWS_W
    base = row0 * N

    @pl.when(lax.axis_index("s") == 0)
    def _():
        pltpu.sync_copy(pe_hbm, pe_sh)
    plsc.subcore_barrier()

    def outer(ob, carry):
        pltpu.sync_copy(idx_hbm.at[pl.ds(row0 + ob * IB, IB)], idx_v)

        def inner(t, carry2):
            for buf in range(NBUF):
                st = t * NBUF + buf
                i = row0 + ob * IB + st * SB

                @pl.when((ob > 0) | (t >= 1))
                def _():
                    pltpu.make_async_copy(
                        rows_v.at[buf], out_hbm.at[pl.ds(i, SB)],
                        wsem[buf]).wait()

                copies = []
                for q in range(SB):
                    r = st * SB + q
                    copies.append(pltpu.async_copy(
                        pe_sh.at[idx_v.at[r, pl.ds(0, 128)]],
                        rows_v.at[buf, q, pl.ds(0, 128)], gsem[buf]))
                    copies.append(pltpu.async_copy(
                        pe_sh.at[idx_v.at[r, pl.ds(128, N - 128)]],
                        rows_v.at[buf, q, pl.ds(128, N - 128)],
                        gsem[buf]))
                for c in copies:
                    c.wait()
                pltpu.async_copy(rows_v.at[buf],
                                 out_hbm.at[pl.ds(i, SB)], wsem[buf])
            return carry2

        lax.fori_loop(0, IB // (SB * NBUF), inner, 0)
        return carry

    lax.fori_loop(0, ROWS_W // IB, outer, 0)

    for buf in range(NBUF):
        i_last = row0 + ROWS_W - (NBUF - buf) * SB
        pltpu.make_async_copy(
            rows_v.at[buf],
            out_hbm.at[pl.ds(i_last, SB)], wsem[buf]).wait()


_sc_gather = functools.partial(
    pl.kernel,
    out_type=jax.ShapeDtypeStruct((B, N, D), jnp.float32),
    mesh=plsc.VectorSubcoreMesh(
        core_axis_name="c", subcore_axis_name="s", num_cores=NC,
        num_subcores=NS),
    scratch_types=[
        pltpu.VMEM_SHARED((MAXP, D), jnp.float32),
        pltpu.VMEM((IB, NPAD), jnp.int32),
        pltpu.VMEM((NBUF, SB, N, D), jnp.float32),
        [pltpu.SemaphoreType.DMA] * NBUF,
        [pltpu.SemaphoreType.DMA] * NBUF,
    ],
    compiler_params=pltpu.CompilerParams(use_tc_tiling_on_sc=False),
)(_sc_gather_body)




def kernel(tw_start, pe):
    rank = _ranks_tc(tw_start)
    return _sc_gather(pe, rank)

# --- scband reference (transcript-rebuilt; emitter-appended) ---
"""Pipeline reference for scband-learnable-temporal-positional-embedding-21534966022823 (READ-ONLY COPY).

The authoritative reference and input builder live on the scoring server;
editing this copy changes nothing except your own understanding.
"""

import jax, jax.numpy as jnp
import numpy as np

MAX_POSITIONS = 200
EMBED_DIM = 64
B = 16384
N = 200

def setup_inputs(seed: int = 0) -> dict:
    key = jax.random.key(seed)
    k1, k2 = jax.random.split(key)
    tw_start = jax.random.normal(k1, (B, N), dtype=jnp.float32)
    pe = jax.random.normal(k2, (MAX_POSITIONS, EMBED_DIM), dtype=jnp.float32) * 0.02
    return {"tw_start": tw_start, "pe": pe}

def reference(tw_start, pe):
    b, n = tw_start.shape
    # order = tw_start.argsort(dim=-1)
    order = jnp.argsort(tw_start, axis=-1)
    # rank.scatter_(-1, order, arange(n).expand_as(order))
    ar = jnp.broadcast_to(jnp.arange(n, dtype=order.dtype), (b, n))
    rows = jnp.broadcast_to(jnp.arange(b)[:, None], (b, n))
    rank = jnp.zeros((b, n), dtype=order.dtype)
    rank = rank.at[rows, order].set(ar)
    # rank = rank.clamp(max=num_embeddings - 1)
    rank = jnp.minimum(rank, MAX_POSITIONS - 1)
    # self.pe(rank): embedding lookup -> (B, N, D)
    out = jnp.take(pe, rank, axis=0)
    return out

if __name__ == "__main__":
    import jax
    _d = setup_inputs()
    print(jax.jit(kernel)(*tuple(_d.values())))

</pallas_src>

<mosaic_0001>
#map = affine_map<(d0, d1) -> (0, 0)>
#map1 = affine_map<(d0, d1) -> (0, 0, 0)>
module attributes {stable_mosaic.version = 14 : i64} {
  func.func @_sc_gather_body(%arg0: i32, %arg1: i32, %arg2: memref<200x64xf32, #tpu.memory_space<hbm>>, %arg3: memref<16384x256xi32, #tpu.memory_space<hbm>>, %arg4: memref<16384x200x64xf32, #tpu.memory_space<hbm>>, %arg5: memref<200x64xf32, #tpu.memory_space<vmem_shared>>, %arg6: memref<32x256xi32, #tpu.memory_space<vmem>>, %arg7: memref<2x4x200x64xf32, #tpu.memory_space<vmem>>, %arg8: memref<!tpu.dma_semaphore, #tpu.memory_space<semaphore_mem>>, %arg9: memref<!tpu.dma_semaphore, #tpu.memory_space<semaphore_mem>>, %arg10: memref<!tpu.dma_semaphore, #tpu.memory_space<semaphore_mem>>, %arg11: memref<!tpu.dma_semaphore, #tpu.memory_space<semaphore_mem>>) attributes {dimension_semantics = [#tpu.dimension_semantics<core_parallel>, #tpu.dimension_semantics<subcore_parallel>], iteration_bounds = array<i64: 2, 16>, scalar_prefetch = 0 : i64, scratch_operands = 7 : i64, tpu.core_type = #tpu.core_type<sc_vector_subcore>, window_params = [{transform_indices = #map}, {transform_indices = #map}, {transform_indices = #map1}]} {
    %mul3A = arith.constant 2 : i32
    %mul3A_0 = arith.muli %arg1, %mul3A : i32
    %add3A = arith.addi %mul3A_0, %arg0 : i32
    %mul3A_1 = arith.constant 512 : i32
    %mul3A_2 = arith.muli %add3A, %mul3A_1 : i32
    %mul3A_3 = arith.constant 200 : i32
    %mul3A_4 = arith.muli %mul3A_2, %mul3A_3 : i32
    %eq3A = arith.constant 0 : i32
    %eq3A_5 = arith.cmpi eq, %arg1, %eq3A : i32
    %convert_element_type3A = arith.extui %eq3A_5 : i1 to i32
    %cond3A = arith.constant 0 : i32
    %cond3A_6 = arith.cmpi ne, %convert_element_type3A, %cond3A : i32
    scf.if %cond3A_6 {
      "tpu.region"() ({
        %run_scoped3A = tpu.sem_alloc : memref<!tpu.dma_semaphore, #tpu.memory_space<semaphore_mem>>
        tpu.enqueue_dma source(%arg2 : memref<200x64xf32, #tpu.memory_space<hbm>>) target(%arg5 : memref<200x64xf32, #tpu.memory_space<vmem_shared>>) target_semaphore(%run_scoped3A : memref<!tpu.dma_semaphore, #tpu.memory_space<semaphore_mem>>)
        tpu.wait_dma2 semaphore(%run_scoped3A : memref<!tpu.dma_semaphore, #tpu.memory_space<semaphore_mem>>) src(%arg2 : memref<200x64xf32, #tpu.memory_space<hbm>>) dst(%arg5 : memref<200x64xf32, #tpu.memory_space<vmem_shared>>)
        tpu.yield
      }) : () -> ()
    } else {
    }
    %barrier3A = arith.constant 0 : index
    tpu.barrier barrier_id(%barrier3A)
    %scan3A = arith.constant 0 : i32
    %scan3A_7 = arith.constant 0 : i32
    %scan3A_8 = arith.constant 16 : i32
    %scan3A_9 = arith.addi %scan3A_7, %scan3A_8 : i32
    %scan3A_10 = arith.constant 1 : i32
    scf.for %scan3A_52 = %scan3A_7 to %scan3A_9 step %scan3A_10  : i32 {
      %mul3A_53 = arith.constant 32 : i32
      %mul3A_54 = arith.muli %scan3A_52, %mul3A_53 : i32
      %add3A_55 = arith.addi %mul3A_2, %mul3A_54 : i32
      "tpu.region"() ({
        %run_scoped3A = tpu.sem_alloc : memref<!tpu.dma_semaphore, #tpu.memory_space<semaphore_mem>>
        %dma_start3A = arith.constant 0 : i32
        %dma_start3A_62 = tpu.memref_slice %arg3[%add3A_55, %dma_start3A] : memref<16384x256xi32, #tpu.memory_space<hbm>> -> memref<32x256xi32, #tpu.memory_space<hbm>>
        %dma_start3A_63 = arith.constant 0 : i32
        %dma_start3A_64 = tpu.memref_slice %arg3[%add3A_55, %dma_start3A_63] : memref<16384x256xi32, #tpu.memory_space<hbm>> -> memref<32x256xi32, #tpu.memory_space<hbm>>
        tpu.enqueue_dma source(%dma_start3A_64 : memref<32x256xi32, #tpu.memory_space<hbm>>) target(%arg6 : memref<32x256xi32, #tpu.memory_space<vmem>>) target_semaphore(%run_scoped3A : memref<!tpu.dma_semaphore, #tpu.memory_space<semaphore_mem>>)
        %dma_wait3A_65 = arith.constant 0 : i32
        %dma_wait3A_66 = tpu.memref_slice %arg3[%add3A_55, %dma_wait3A_65] : memref<16384x256xi32, #tpu.memory_space<hbm>> -> memref<32x256xi32, #tpu.memory_space<hbm>>
        %dma_wait3A_67 = arith.constant 0 : i32
        %dma_wait3A_68 = tpu.memref_slice %arg3[%add3A_55, %dma_wait3A_67] : memref<16384x256xi32, #tpu.memory_space<hbm>> -> memref<32x256xi32, #tpu.memory_space<hbm>>
        tpu.wait_dma2 semaphore(%run_scoped3A : memref<!tpu.dma_semaphore, #tpu.memory_space<semaphore_mem>>) src(%dma_wait3A_68 : memref<32x256xi32, #tpu.memory_space<hbm>>) dst(%arg6 : memref<32x256xi32, #tpu.memory_space<vmem>>)
        tpu.yield
      }) : () -> ()
      %scan3A_56 = arith.constant 0 : i32
      %scan3A_57 = arith.constant 0 : i32
      %scan3A_58 = arith.constant 4 : i32
      %scan3A_59 = arith.addi %scan3A_57, %scan3A_58 : i32
      %scan3A_60 = arith.constant 1 : i32
      scf.for %scan3A_62 = %scan3A_57 to %scan3A_59 step %scan3A_60  : i32 {
        %mul3A_63 = arith.constant 2 : i32
        %mul3A_64 = arith.muli %scan3A_62, %mul3A_63 : i32
        %add3A_65 = arith.constant 0 : i32
        %add3A_66 = arith.addi %mul3A_64, %add3A_65 : i32
        %mul3A_67 = arith.constant 32 : i32
        %mul3A_68 = arith.muli %scan3A_52, %mul3A_67 : i32
        %add3A_69 = arith.addi %mul3A_2, %mul3A_68 : i32
        %mul3A_70 = arith.constant 4 : i32
        %mul3A_71 = arith.muli %add3A_66, %mul3A_70 : i32
        %add3A_72 = arith.addi %add3A_69, %mul3A_71 : i32
        %gt3A = arith.constant 0 : i32
        %gt3A_73 = arith.cmpi sgt, %scan3A_52, %gt3A : i32
        %ge3A = arith.constant 1 : i32
        %ge3A_74 = arith.cmpi sge, %scan3A_62, %ge3A : i32
        %or3A = arith.ori %gt3A_73, %ge3A_74 : i1
        %convert_element_type3A_75 = arith.extui %or3A : i1 to i32
        %cond3A_76 = arith.constant 0 : i32
        %cond3A_77 = arith.cmpi ne, %convert_element_type3A_75, %cond3A_76 : i32
        scf.if %cond3A_77 {
          %dma_wait3A_545 = arith.constant 0 : i32
          %dma_wait3A_546 = arith.constant 0 : i32
          %dma_wait3A_547 = arith.constant 0 : i32
          %dma_wait3A_548 = arith.constant 0 : i32
          %dma_wait3A_549 = tpu.memref_slice %arg7[%dma_wait3A_545, %dma_wait3A_546, %dma_wait3A_547, %dma_wait3A_548] : memref<2x4x200x64xf32, #tpu.memory_space<vmem>> -> memref<1x4x200x64xf32, #tpu.memory_space<vmem>>
          %dma_wait3A_550 = tpu.memref_squeeze %dma_wait3A_549 : memref<1x4x200x64xf32, #tpu.memory_space<vmem>> -> memref<4x200x64xf32, #tpu.memory_space<vmem>>
          %dma_wait3A_551 = arith.constant 0 : i32
          %dma_wait3A_552 = arith.constant 0 : i32
          %dma_wait3A_553 = tpu.memref_slice %arg4[%add3A_72, %dma_wait3A_551, %dma_wait3A_552] : memref<16384x200x64xf32, #tpu.memory_space<hbm>> -> memref<4x200x64xf32, #tpu.memory_space<hbm>>
          %dma_wait3A_554 = arith.constant 0 : i32
          %dma_wait3A_555 = arith.constant 0 : i32
          %dma_wait3A_556 = tpu.memref_slice %arg4[%add3A_72, %dma_wait3A_554, %dma_wait3A_555] : memref<16384x200x64xf32, #tpu.memory_space<hbm>> -> memref<4x200x64xf32, #tpu.memory_space<hbm>>
          %dma_wait3A_557 = arith.constant 0 : i32
          %dma_wait3A_558 = arith.constant 0 : i32
          %dma_wait3A_559 = arith.constant 0 : i32
          %dma_wait3A_560 = tpu.memref_slice %arg7[%dma_wait3A_545, %dma_wait3A_557, %dma_wait3A_558, %dma_wait3A_559] : memref<2x4x200x64xf32, #tpu.memory_space<vmem>> -> memref<1x4x200x64xf32, #tpu.memory_space<vmem>>
          %dma_wait3A_561 = tpu.memref_squeeze %dma_wait3A_560 : memref<1x4x200x64xf32, #tpu.memory_space<vmem>> -> memref<4x200x64xf32, #tpu.memory_space<vmem>>
          tpu.wait_dma2 semaphore(%arg10 : memref<!tpu.dma_semaphore, #tpu.memory_space<semaphore_mem>>) src(%dma_wait3A_561 : memref<4x200x64xf32, #tpu.memory_space<vmem>>) dst(%dma_wait3A_556 : memref<4x200x64xf32, #tpu.memory_space<hbm>>)
        } else {
        }
        %mul3A_78 = arith.constant 4 : i32
        %mul3A_79 = arith.muli %add3A_66, %mul3A_78 : i32
        %add3A_80 = arith.constant 0 : i32
        %add3A_81 = arith.addi %mul3A_79, %add3A_80 : i32
        %dma_start3A = arith.constant 0 : i32
        %dma_start3A_82 = arith.constant 0 : i32
        %dma_start3A_83 = arith.constant 0 : i32
        %dma_start3A_84 = arith.constant 0 : i32
        %dma_start3A_85 = tpu.memref_slice %arg7[%dma_start3A, %dma_start3A_82, %dma_start3A_83, %dma_start3A_84] : memref<2x4x200x64xf32, #tpu.memory_space<vmem>> -> memref<1x1x128x64xf32, #tpu.memory_space<vmem>>
        %dma_start3A_86 = tpu.memref_squeeze %dma_start3A_85 : memref<1x1x128x64xf32, #tpu.memory_space<vmem>> -> memref<128x64xf32, #tpu.memory_space<vmem>>
        %dma_start3A_87 = arith.constant 0 : i32
        %dma_start3A_88 = tpu.memref_slice %arg6[%add3A_81, %dma_start3A_87] : memref<32x256xi32, #tpu.memory_space<vmem>> -> memref<1x128xi32, #tpu.memory_space<vmem>>
        %dma_start3A_89 = tpu.memref_squeeze %dma_start3A_88 : memref<1x128xi32, #tpu.memory_space<vmem>> -> memref<128xi32, #tpu.memory_space<vmem>>
        %dma_start3A_90 = arith.constant 0 : i32
        %dma_start3A_91 = arith.constant 0 : i32
        %dma_start3A_92 = tpu.memref_slice %arg5[%dma_start3A_90, %dma_start3A_91] : memref<200x64xf32, #tpu.memory_space<vmem_shared>> -> memref<200x64xf32, #tpu.memory_space<vmem_shared>>
        tpu.enqueue_indirect_dma source(%dma_start3A_92 : memref<200x64xf32, #tpu.memory_space<vmem_shared>>) target(%dma_start3A_86 : memref<128x64xf32, #tpu.memory_space<vmem>>) offsets(%dma_start3A_89 : memref<128xi32, #tpu.memory_space<vmem>>) semaphore(%arg8 : memref<!tpu.dma_semaphore, #tpu.memory_space<semaphore_mem>>)
        %dma_start3A_93 = arith.constant 0 : i32
        %dma_start3A_94 = arith.constant 0 : i32
        %dma_start3A_95 = arith.constant 128 : i32
        %dma_start3A_96 = arith.constant 0 : i32
        %dma_start3A_97 = tpu.memref_slice %arg7[%dma_start3A_93, %dma_start3A_94, %dma_start3A_95, %dma_start3A_96] : memref<2x4x200x64xf32, #tpu.memory_space<vmem>> -> memref<1x1x72x64xf32, #tpu.memory_space<vmem>>
        %dma_start3A_98 = tpu.memref_squeeze %dma_start3A_97 : memref<1x1x72x64xf32, #tpu.memory_space<vmem>> -> memref<72x64xf32, #tpu.memory_space<vmem>>
        %dma_start3A_99 = arith.constant 128 : i32
        %dma_start3A_100 = tpu.memref_slice %arg6[%add3A_81, %dma_start3A_99] : memref<32x256xi32, #tpu.memory_space<vmem>> -> memref<1x72xi32, #tpu.memory_space<vmem>>
        %dma_start3A_101 = tpu.memref_squeeze %dma_start3A_100 : memref<1x72xi32, #tpu.memory_space<vmem>> -> memref<72xi32, #tpu.memory_space<vmem>>
        %dma_start3A_102 = arith.constant 0 : i32
        %dma_start3A_103 = arith.constant 0 : i32
        %dma_start3A_104 = tpu.memref_slice %arg5[%dma_start3A_102, %dma_start3A_103] : memref<200x64xf32, #tpu.memory_space<vmem_shared>> -> memref<200x64xf32, #tpu.memory_space<vmem_shared>>
        tpu.enqueue_indirect_dma source(%dma_start3A_104 : memref<200x64xf32, #tpu.memory_space<vmem_shared>>) target(%dma_start3A_98 : memref<72x64xf32, #tpu.memory_space<vmem>>) offsets(%dma_start3A_101 : memref<72xi32, #tpu.memory_space<vmem>>) semaphore(%arg8 : memref<!tpu.dma_semaphore, #tpu.memory_space<semaphore_mem>>)
        %mul3A_105 = arith.constant 4 : i32
        %mul3A_106 = arith.muli %add3A_66, %mul3A_105 : i32
        %add3A_107 = arith.constant 1 : i32
        %add3A_108 = arith.addi %mul3A_106, %add3A_107 : i32
        %dma_start3A_109 = arith.constant 0 : i32
        %dma_start3A_110 = arith.constant 1 : i32
        %dma_start3A_111 = arith.constant 0 : i32
        %dma_start3A_112 = arith.constant 0 : i32
        %dma_start3A_113 = tpu.memref_slice %arg7[%dma_start3A_109, %dma_start3A_110, %dma_start3A_111, %dma_start3A_112] : memref<2x4x200x64xf32, #tpu.memory_space<vmem>> -> memref<1x1x128x64xf32, #tpu.memory_space<vmem>>
        %dma_start3A_114 = tpu.memref_squeeze %dma_start3A_113 : memref<1x1x128x64xf32, #tpu.memory_space<vmem>> -> memref<128x64xf32, #tpu.memory_space<vmem>>
        %dma_start3A_115 = arith.constant 0 : i32
        %dma_start3A_116 = tpu.memref_slice %arg6[%add3A_108, %dma_start3A_115] : memref<32x256xi32, #tpu.memory_space<vmem>> -> memref<1x128xi32, #tpu.memory_space<vmem>>
        %dma_start3A_117 = tpu.memref_squeeze %dma_start3A_116 : memref<1x128xi32, #tpu.memory_space<vmem>> -> memref<128xi32, #tpu.memory_space<vmem>>
        %dma_start3A_118 = arith.constant 0 : i32
        %dma_start3A_119 = arith.constant 0 : i32
        %dma_start3A_120 = tpu.memref_slice %arg5[%dma_start3A_118, %dma_start3A_119] : memref<200x64xf32, #tpu.memory_space<vmem_shared>> -> memref<200x64xf32, #tpu.memory_space<vmem_shared>>
        tpu.enqueue_indirect_dma source(%dma_start3A_120 : memref<200x64xf32, #tpu.memory_space<vmem_shared>>) target(%dma_start3A_114 : memref<128x64xf32, #tpu.memory_space<vmem>>) offsets(%dma_start3A_117 : memref<128xi32, #tpu.memory_space<vmem>>) semaphore(%arg8 : memref<!tpu.dma_semaphore, #tpu.memory_space<semaphore_mem>>)
        %dma_start3A_121 = arith.constant 0 : i32
        %dma_start3A_122 = arith.constant 1 : i32
        %dma_start3A_123 = arith.constant 128 : i32
        %dma_start3A_124 = arith.constant 0 : i32
        %dma_start3A_125 = tpu.memref_slice %arg7[%dma_start3A_121, %dma_start3A_122, %dma_start3A_123, %dma_start3A_124] : memref<2x4x200x64xf32, #tpu.memory_space<vmem>> -> memref<1x1x72x64xf32, #tpu.memory_space<vmem>>
        %dma_start3A_126 = tpu.memref_squeeze %dma_start3A_125 : memref<1x1x72x64xf32, #tpu.memory_space<vmem>> -> memref<72x64xf32, #tpu.memory_space<vmem>>
        %dma_start3A_127 = arith.constant 128 : i32
        %dma_start3A_128 = tpu.memref_slice %arg6[%add3A_108, %dma_start3A_127] : memref<32x256xi32, #tpu.memory_space<vmem>> -> memref<1x72xi32, #tpu.memory_space<vmem>>
        %dma_start3A_129 = tpu.memref_squeeze %dma_start3A_128 : memref<1x72xi32, #tpu.memory_space<vmem>> -> memref<72xi32, #tpu.memory_space<vmem>>
        %dma_start3A_130 = arith.constant 0 : i32
        %dma_start3A_131 = arith.constant 0 : i32
        %dma_start3A_132 = tpu.memref_slice %arg5[%dma_start3A_130, %dma_start3A_131] : memref<200x64xf32, #tpu.memory_space<vmem_shared>> -> memref<200x64xf32, #tpu.memory_space<vmem_shared>>
        tpu.enqueue_indirect_dma source(%dma_start3A_132 : memref<200x64xf32, #tpu.memory_space<vmem_shared>>) target(%dma_start3A_126 : memref<72x64xf32, #tpu.memory_space<vmem>>) offsets(%dma_start3A_129 : memref<72xi32, #tpu.memory_space<vmem>>) semaphore(%arg8 : memref<!tpu.dma_semaphore, #tpu.memory_space<semaphore_mem>>)
        %mul3A_133 = arith.constant 4 : i32
        %mul3A_134 = arith.muli %add3A_66, %mul3A_133 : i32
        %add3A_135 = arith.constant 2 : i32
        %add3A_136 = arith.addi %mul3A_134, %add3A_135 : i32
        %dma_start3A_137 = arith.constant 0 : i32
        %dma_start3A_138 = arith.constant 2 : i32
        %dma_start3A_139 = arith.constant 0 : i32
        %dma_start3A_140 = arith.constant 0 : i32
        %dma_start3A_141 = tpu.memref_slice %arg7[%dma_start3A_137, %dma_start3A_138, %dma_start3A_139, %dma_start3A_140] : memref<2x4x200x64xf32, #tpu.memory_space<vmem>> -> memref<1x1x128x64xf32, #tpu.memory_space<vmem>>
        %dma_start3A_142 = tpu.memref_squeeze %dma_start3A_141 : memref<1x1x128x64xf32, #tpu.memory_space<vmem>> -> memref<128x64xf32, #tpu.memory_space<vmem>>
        %dma_start3A_143 = arith.constant 0 : i32
        %dma_start3A_144 = tpu.memref_slice %arg6[%add3A_136, %dma_start3A_143] : memref<32x256xi32, #tpu.memory_space<vmem>> -> memref<1x128xi32, #tpu.memory_space<vmem>>
        %dma_start3A_145 = tpu.memref_squeeze %dma_start3A_144 : memref<1x128xi32, #tpu.memory_space<vmem>> -> memref<128xi32, #tpu.memory_space<vmem>>
        %dma_start3A_146 = arith.constant 0 : i32
        %dma_start3A_147 = arith.constant 0 : i32
        %dma_start3A_148 = tpu.memref_slice %arg5[%dma_start3A_146, %dma_start3A_147] : memref<200x64xf32, #tpu.memory_space<vmem_shared>> -> memref<200x64xf32, #tpu.memory_space<vmem_shared>>
        tpu.enqueue_indirect_dma source(%dma_start3A_148 : memref<200x64xf32, #tpu.memory_space<vmem_shared>>) target(%dma_start3A_142 : memref<128x64xf32, #tpu.memory_space<vmem>>) offsets(%dma_start3A_145 : memref<128xi32, #tpu.memory_space<vmem>>) semaphore(%arg8 : memref<!tpu.dma_semaphore, #tpu.memory_space<semaphore_mem>>)
        %dma_start3A_149 = arith.constant 0 : i32
        %dma_start3A_150 = arith.constant 2 : i32
        %dma_start3A_151 = arith.constant 128 : i32
        %dma_start3A_152 = arith.constant 0 : i32
        %dma_start3A_153 = tpu.memref_slice %arg7[%dma_start3A_149, %dma_start3A_150, %dma_start3A_151, %dma_start3A_152] : memref<2x4x200x64xf32, #tpu.memory_space<vmem>> -> memref<1x1x72x64xf32, #tpu.memory_space<vmem>>
        %dma_start3A_154 = tpu.memref_squeeze %dma_start3A_153 : memref<1x1x72x64xf32, #tpu.memory_space<vmem>> -> memref<72x64xf32, #tpu.memory_space<vmem>>
        %dma_start3A_155 = arith.constant 128 : i32
        %dma_start3A_156 = tpu.memref_slice %arg6[%add3A_136, %dma_start3A_155] : memref<32x256xi32, #tpu.memory_space<vmem>> -> memref<1x72xi32, #tpu.memory_space<vmem>>
        %dma_start3A_157 = tpu.memref_squeeze %dma_start3A_156 : memref<1x72xi32, #tpu.memory_space<vmem>> -> memref<72xi32, #tpu.memory_space<vmem>>
        %dma_start3A_158 = arith.constant 0 : i32
        %dma_start3A_159 = arith.constant 0 : i32
        %dma_start3A_160 = tpu.memref_slice %arg5[%dma_start3A_158, %dma_start3A_159] : memref<200x64xf32, #tpu.memory_space<vmem_shared>> -> memref<200x64xf32, #tpu.memory_space<vmem_shared>>
        tpu.enqueue_indirect_dma source(%dma_start3A_160 : memref<200x64xf32, #tpu.memory_space<vmem_shared>>) target(%dma_start3A_154 : memref<72x64xf32, #tpu.memory_space<vmem>>) offsets(%dma_start3A_157 : memref<72xi32, #tpu.memory_space<vmem>>) semaphore(%arg8 : memref<!tpu.dma_semaphore, #tpu.memory_space<semaphore_mem>>)
        %mul3A_161 = arith.constant 4 : i32
        %mul3A_162 = arith.muli %add3A_66, %mul3A_161 : i32
        %add3A_163 = arith.constant 3 : i32
        %add3A_164 = arith.addi %mul3A_162, %add3A_163 : i32
        %dma_start3A_165 = arith.constant 0 : i32
        %dma_start3A_166 = arith.constant 3 : i32
        %dma_start3A_167 = arith.constant 0 : i32
        %dma_start3A_168 = arith.constant 0 : i32
        %dma_start3A_169 = tpu.memref_slice %arg7[%dma_start3A_165, %dma_start3A_166, %dma_start3A_167, %dma_start3A_168] : memref<2x4x200x64xf32, #tpu.memory_space<vmem>> -> memref<1x1x128x64xf32, #tpu.memory_space<vmem>>
        %dma_start3A_170 = tpu.memref_squeeze %dma_start3A_169 : memref<1x1x128x64xf32, #tpu.memory_space<vmem>> -> memref<128x64xf32, #tpu.memory_space<vmem>>
        %dma_start3A_171 = arith.constant 0 : i32
        %dma_start3A_172 = tpu.memref_slice %arg6[%add3A_164, %dma_start3A_171] : memref<32x256xi32, #tpu.memory_space<vmem>> -> memref<1x128xi32, #tpu.memory_space<vmem>>
        %dma_start3A_173 = tpu.memref_squeeze %dma_start3A_172 : memref<1x128xi32, #tpu.memory_space<vmem>> -> memref<128xi32, #tpu.memory_space<vmem>>
        %dma_start3A_174 = arith.constant 0 : i32
        %dma_start3A_175 = arith.constant 0 : i32
        %dma_start3A_176 = tpu.memref_slice %arg5[%dma_start3A_174, %dma_start3A_175] : memref<200x64xf32, #tpu.memory_space<vmem_shared>> -> memref<200x64xf32, #tpu.memory_space<vmem_shared>>
        tpu.enqueue_indirect_dma source(%dma_start3A_176 : memref<200x64xf32, #tpu.memory_space<vmem_shared>>) target(%dma_start3A_170 : memref<128x64xf32, #tpu.memory_space<vmem>>) offsets(%dma_start3A_173 : memref<128xi32, #tpu.memory_space<vmem>>) semaphore(%arg8 : memref<!tpu.dma_semaphore, #tpu.memory_space<semaphore_mem>>)
        %dma_start3A_177 = arith.constant 0 : i32
        %dma_start3A_178 = arith.constant 3 : i32
        %dma_start3A_179 = arith.constant 128 : i32
        %dma_start3A_180 = arith.constant 0 : i32
        %dma_start3A_181 = tpu.memref_slice %arg7[%dma_start3A_177, %dma_start3A_178, %dma_start3A_179, %dma_start3A_180] : memref<2x4x200x64xf32, #tpu.memory_space<vmem>> -> memref<1x1x72x64xf32, #tpu.memory_space<vmem>>
        %dma_start3A_182 = tpu.memref_squeeze %dma_start3A_181 : memref<1x1x72x64xf32, #tpu.memory_space<vmem>> -> memref<72x64xf32, #tpu.memory_space<vmem>>
        %dma_start3A_183 = arith.constant 128 : i32
        %dma_start3A_184 = tpu.memref_slice %arg6[%add3A_164, %dma_start3A_183] : memref<32x256xi32, #tpu.memory_space<vmem>> -> memref<1x72xi32, #tpu.memory_space<vmem>>
        %dma_start3A_185 = tpu.memref_squeeze %dma_start3A_184 : memref<1x72xi32, #tpu.memory_space<vmem>> -> memref<72xi32, #tpu.memory_space<vmem>>
        %dma_start3A_186 = arith.constant 0 : i32
        %dma_start3A_187 = arith.constant 0 : i32
        %dma_start3A_188 = tpu.memref_slice %arg5[%dma_start3A_186, %dma_start3A_187] : memref<200x64xf32, #tpu.memory_space<vmem_shared>> -> memref<200x64xf32, #tpu.memory_space<vmem_shared>>
        tpu.enqueue_indirect_dma source(%dma_start3A_188 : memref<200x64xf32, #tpu.memory_space<vmem_shared>>) target(%dma_start3A_182 : memref<72x64xf32, #tpu.memory_space<vmem>>) offsets(%dma_start3A_185 : memref<72xi32, #tpu.memory_space<vmem>>) semaphore(%arg8 : memref<!tpu.dma_semaphore, #tpu.memory_space<semaphore_mem>>)
        %dma_wait3A_189 = arith.constant 0 : i32
        %dma_wait3A_190 = arith.constant 0 : i32
        %dma_wait3A_191 = arith.constant 0 : i32
        %dma_wait3A_192 = arith.constant 0 : i32
        %dma_wait3A_193 = tpu.memref_slice %arg7[%dma_wait3A_189, %dma_wait3A_190, %dma_wait3A_191, %dma_wait3A_192] : memref<2x4x200x64xf32, #tpu.memory_space<vmem>> -> memref<1x1x128x64xf32, #tpu.memory_space<vmem>>
        %dma_wait3A_194 = tpu.memref_squeeze %dma_wait3A_193 : memref<1x1x128x64xf32, #tpu.memory_space<vmem>> -> memref<128x64xf32, #tpu.memory_space<vmem>>
        %dma_wait3A_195 = arith.constant 0 : i32
        %dma_wait3A_196 = tpu.memref_slice %arg6[%add3A_81, %dma_wait3A_195] : memref<32x256xi32, #tpu.memory_space<vmem>> -> memref<1x128xi32, #tpu.memory_space<vmem>>
        %dma_wait3A_197 = tpu.memref_squeeze %dma_wait3A_196 : memref<1x128xi32, #tpu.memory_space<vmem>> -> memref<128xi32, #tpu.memory_space<vmem>>
        %dma_wait3A_198 = arith.constant 0 : i32
        %dma_wait3A_199 = arith.constant 0 : i32
        %dma_wait3A_200 = tpu.memref_slice %arg5[%dma_wait3A_198, %dma_wait3A_199] : memref<200x64xf32, #tpu.memory_space<vmem_shared>> -> memref<200x64xf32, #tpu.memory_space<vmem_shared>>
        tpu.wait_indirect_dma semaphore(%arg8 : memref<!tpu.dma_semaphore, #tpu.memory_space<semaphore_mem>>) src(%dma_wait3A_200 : memref<200x64xf32, #tpu.memory_space<vmem_shared>>) dst(%dma_wait3A_194 : memref<128x64xf32, #tpu.memory_space<vmem>>)
        %dma_wait3A_201 = arith.constant 0 : i32
        %dma_wait3A_202 = arith.constant 0 : i32
        %dma_wait3A_203 = arith.constant 128 : i32
        %dma_wait3A_204 = arith.constant 0 : i32
        %dma_wait3A_205 = tpu.memref_slice %arg7[%dma_wait3A_201, %dma_wait3A_202, %dma_wait3A_203, %dma_wait3A_204] : memref<2x4x200x64xf32, #tpu.memory_space<vmem>> -> memref<1x1x72x64xf32, #tpu.memory_space<vmem>>
        %dma_wait3A_206 = tpu.memref_squeeze %dma_wait3A_205 : memref<1x1x72x64xf32, #tpu.memory_space<vmem>> -> memref<72x64xf32, #tpu.memory_space<vmem>>
        %dma_wait3A_207 = arith.constant 128 : i32
        %dma_wait3A_208 = tpu.memref_slice %arg6[%add3A_81, %dma_wait3A_207] : memref<32x256xi32, #tpu.memory_space<vmem>> -> memref<1x72xi32, #tpu.memory_space<vmem>>
        %dma_wait3A_209 = tpu.memref_squeeze %dma_wait3A_208 : memref<1x72xi32, #tpu.memory_space<vmem>> -> memref<72xi32, #tpu.memory_space<vmem>>
        %dma_wait3A_210 = arith.constant 0 : i32
        %dma_wait3A_211 = arith.constant 0 : i32
        %dma_wait3A_212 = tpu.memref_slice %arg5[%dma_wait3A_210, %dma_wait3A_211] : memref<200x64xf32, #tpu.memory_space<vmem_shared>> -> memref<200x64xf32, #tpu.memory_space<vmem_shared>>
        tpu.wait_indirect_dma semaphore(%arg8 : memref<!tpu.dma_semaphore, #tpu.memory_space<semaphore_mem>>) src(%dma_wait3A_212 : memref<200x64xf32, #tpu.memory_space<vmem_shared>>) dst(%dma_wait3A_206 : memref<72x64xf32, #tpu.memory_space<vmem>>)
        %dma_wait3A_213 = arith.constant 0 : i32
        %dma_wait3A_214 = arith.constant 1 : i32
        %dma_wait3A_215 = arith.constant 0 : i32
        %dma_wait3A_216 = arith.constant 0 : i32
        %dma_wait3A_217 = tpu.memref_slice %arg7[%dma_wait3A_213, %dma_wait3A_214, %dma_wait3A_215, %dma_wait3A_216] : memref<2x4x200x64xf32, #tpu.memory_space<vmem>> -> memref<1x1x128x64xf32, #tpu.memory_space<vmem>>
        %dma_wait3A_218 = tpu.memref_squeeze %dma_wait3A_217 : memref<1x1x128x64xf32, #tpu.memory_space<vmem>> -> memref<128x64xf32, #tpu.memory_space<vmem>>
        %dma_wait3A_219 = arith.constant 0 : i32
        %dma_wait3A_220 = tpu.memref_slice %arg6[%add3A_108, %dma_wait3A_219] : memref<32x256xi32, #tpu.memory_space<vmem>> -> memref<1x128xi32, #tpu.memory_space<vmem>>
        %dma_wait3A_221 = tpu.memref_squeeze %dma_wait3A_220 : memref<1x128xi32, #tpu.memory_space<vmem>> -> memref<128xi32, #tpu.memory_space<vmem>>
        %dma_wait3A_222 = arith.constant 0 : i32
        %dma_wait3A_223 = arith.constant 0 : i32
        %dma_wait3A_224 = tpu.memref_slice %arg5[%dma_wait3A_222, %dma_wait3A_223] : memref<200x64xf32, #tpu.memory_space<vmem_shared>> -> memref<200x64xf32, #tpu.memory_space<vmem_shared>>
        tpu.wait_indirect_dma semaphore(%arg8 : memref<!tpu.dma_semaphore, #tpu.memory_space<semaphore_mem>>) src(%dma_wait3A_224 : memref<200x64xf32, #tpu.memory_space<vmem_shared>>) dst(%dma_wait3A_218 : memref<128x64xf32, #tpu.memory_space<vmem>>)
        %dma_wait3A_225 = arith.constant 0 : i32
        %dma_wait3A_226 = arith.constant 1 : i32
        %dma_wait3A_227 = arith.constant 128 : i32
        %dma_wait3A_228 = arith.constant 0 : i32
        %dma_wait3A_229 = tpu.memref_slice %arg7[%dma_wait3A_225, %dma_wait3A_226, %dma_wait3A_227, %dma_wait3A_228] : memref<2x4x200x64xf32, #tpu.memory_space<vmem>> -> memref<1x1x72x64xf32, #tpu.memory_space<vmem>>
        %dma_wait3A_230 = tpu.memref_squeeze %dma_wait3A_229 : memref<1x1x72x64xf32, #tpu.memory_space<vmem>> -> memref<72x64xf32, #tpu.memory_space<vmem>>
        %dma_wait3A_231 = arith.constant 128 : i32
        %dma_wait3A_232 = tpu.memref_slice %arg6[%add3A_108, %dma_wait3A_231] : memref<32x256xi32, #tpu.memory_space<vmem>> -> memref<1x72xi32, #tpu.memory_space<vmem>>
        %dma_wait3A_233 = tpu.memref_squeeze %dma_wait3A_232 : memref<1x72xi32, #tpu.memory_space<vmem>> -> memref<72xi32, #tpu.memory_space<vmem>>
        %dma_wait3A_234 = arith.constant 0 : i32
        %dma_wait3A_235 = arith.constant 0 : i32
        %dma_wait3A_236 = tpu.memref_slice %arg5[%dma_wait3A_234, %dma_wait3A_235] : memref<200x64xf32, #tpu.memory_space<vmem_shared>> -> memref<200x64xf32, #tpu.memory_space<vmem_shared>>
        tpu.wait_indirect_dma semaphore(%arg8 : memref<!tpu.dma_semaphore, #tpu.memory_space<semaphore_mem>>) src(%dma_wait3A_236 : memref<200x64xf32, #tpu.memory_space<vmem_shared>>) dst(%dma_wait3A_230 : memref<72x64xf32, #tpu.memory_space<vmem>>)
        %dma_wait3A_237 = arith.constant 0 : i32
        %dma_wait3A_238 = arith.constant 2 : i32
        %dma_wait3A_239 = arith.constant 0 : i32
        %dma_wait3A_240 = arith.constant 0 : i32
        %dma_wait3A_241 = tpu.memref_slice %arg7[%dma_wait3A_237, %dma_wait3A_238, %dma_wait3A_239, %dma_wait3A_240] : memref<2x4x200x64xf32, #tpu.memory_space<vmem>> -> memref<1x1x128x64xf32, #tpu.memory_space<vmem>>
        %dma_wait3A_242 = tpu.memref_squeeze %dma_wait3A_241 : memref<1x1x128x64xf32, #tpu.memory_space<vmem>> -> memref<128x64xf32, #tpu.memory_space<vmem>>
        %dma_wait3A_243 = arith.constant 0 : i32
        %dma_wait3A_244 = tpu.memref_slice %arg6[%add3A_136, %dma_wait3A_243] : memref<32x256xi32, #tpu.memory_space<vmem>> -> memref<1x128xi32, #tpu.memory_space<vmem>>
        %dma_wait3A_245 = tpu.memref_squeeze %dma_wait3A_244 : memref<1x128xi32, #tpu.memory_space<vmem>> -> memref<128xi32, #tpu.memory_space<vmem>>
        %dma_wait3A_246 = arith.constant 0 : i32
        %dma_wait3A_247 = arith.constant 0 : i32
        %dma_wait3A_248 = tpu.memref_slice %arg5[%dma_wait3A_246, %dma_wait3A_247] : memref<200x64xf32, #tpu.memory_space<vmem_shared>> -> memref<200x64xf32, #tpu.memory_space<vmem_shared>>
        tpu.wait_indirect_dma semaphore(%arg8 : memref<!tpu.dma_semaphore, #tpu.memory_space<semaphore_mem>>) src(%dma_wait3A_248 : memref<200x64xf32, #tpu.memory_space<vmem_shared>>) dst(%dma_wait3A_242 : memref<128x64xf32, #tpu.memory_space<vmem>>)
        %dma_wait3A_249 = arith.constant 0 : i32
        %dma_wait3A_250 = arith.constant 2 : i32
        %dma_wait3A_251 = arith.constant 128 : i32
        %dma_wait3A_252 = arith.constant 0 : i32
        %dma_wait3A_253 = tpu.memref_slice %arg7[%dma_wait3A_249, %dma_wait3A_250, %dma_wait3A_251, %dma_wait3A_252] : memref<2x4x200x64xf32, #tpu.memory_space<vmem>> -> memref<1x1x72x64xf32, #tpu.memory_space<vmem>>
        %dma_wait3A_254 = tpu.memref_squeeze %dma_wait3A_253 : memref<1x1x72x64xf32, #tpu.memory_space<vmem>> -> memref<72x64xf32, #tpu.memory_space<vmem>>
        %dma_wait3A_255 = arith.constant 128 : i32
        %dma_wait3A_256 = tpu.memref_slice %arg6[%add3A_136, %dma_wait3A_255] : memref<32x256xi32, #tpu.memory_space<vmem>> -> memref<1x72xi32, #tpu.memory_space<vmem>>
        %dma_wait3A_257 = tpu.memref_squeeze %dma_wait3A_256 : memref<1x72xi32, #tpu.memory_space<vmem>> -> memref<72xi32, #tpu.memory_space<vmem>>
        %dma_wait3A_258 = arith.constant 0 : i32
        %dma_wait3A_259 = arith.constant 0 : i32
        %dma_wait3A_260 = tpu.memref_slice %arg5[%dma_wait3A_258, %dma_wait3A_259] : memref<200x64xf32, #tpu.memory_space<vmem_shared>> -> memref<200x64xf32, #tpu.memory_space<vmem_shared>>
        tpu.wait_indirect_dma semaphore(%arg8 : memref<!tpu.dma_semaphore, #tpu.memory_space<semaphore_mem>>) src(%dma_wait3A_260 : memref<200x64xf32, #tpu.memory_space<vmem_shared>>) dst(%dma_wait3A_254 : memref<72x64xf32, #tpu.memory_space<vmem>>)
        %dma_wait3A_261 = arith.constant 0 : i32
        %dma_wait3A_262 = arith.constant 3 : i32
        %dma_wait3A_263 = arith.constant 0 : i32
        %dma_wait3A_264 = arith.constant 0 : i32
        %dma_wait3A_265 = tpu.memref_slice %arg7[%dma_wait3A_261, %dma_wait3A_262, %dma_wait3A_263, %dma_wait3A_264] : memref<2x4x200x64xf32, #tpu.memory_space<vmem>> -> memref<1x1x128x64xf32, #tpu.memory_space<vmem>>
        %dma_wait3A_266 = tpu.memref_squeeze %dma_wait3A_265 : memref<1x1x128x64xf32, #tpu.memory_space<vmem>> -> memref<128x64xf32, #tpu.memory_space<vmem>>
        %dma_wait3A_267 = arith.constant 0 : i32
        %dma_wait3A_268 = tpu.memref_slice %arg6[%add3A_164, %dma_wait3A_267] : memref<32x256xi32, #tpu.memory_space<vmem>> -> memref<1x128xi32, #tpu.memory_space<vmem>>
        %dma_wait3A_269 = tpu.memref_squeeze %dma_wait3A_268 : memref<1x128xi32, #tpu.memory_space<vmem>> -> memref<128xi32, #tpu.memory_space<vmem>>
        %dma_wait3A_270 = arith.constant 0 : i32
        %dma_wait3A_271 = arith.constant 0 : i32
        %dma_wait3A_272 = tpu.memref_slice %arg5[%dma_wait3A_270, %dma_wait3A_271] : memref<200x64xf32, #tpu.memory_space<vmem_shared>> -> memref<200x64xf32, #tpu.memory_space<vmem_shared>>
        tpu.wait_indirect_dma semaphore(%arg8 : memref<!tpu.dma_semaphore, #tpu.memory_space<semaphore_mem>>) src(%dma_wait3A_272 : memref<200x64xf32, #tpu.memory_space<vmem_shared>>) dst(%dma_wait3A_266 : memref<128x64xf32, #tpu.memory_space<vmem>>)
        %dma_wait3A_273 = arith.constant 0 : i32
        %dma_wait3A_274 = arith.constant 3 : i32
        %dma_wait3A_275 = arith.constant 128 : i32
        %dma_wait3A_276 = arith.constant 0 : i32
        %dma_wait3A_277 = tpu.memref_slice %arg7[%dma_wait3A_273, %dma_wait3A_274, %dma_wait3A_275, %dma_wait3A_276] : memref<2x4x200x64xf32, #tpu.memory_space<vmem>> -> memref<1x1x72x64xf32, #tpu.memory_space<vmem>>
        %dma_wait3A_278 = tpu.memref_squeeze %dma_wait3A_277 : memref<1x1x72x64xf32, #tpu.memory_space<vmem>> -> memref<72x64xf32, #tpu.memory_space<vmem>>
        %dma_wait3A_279 = arith.constant 128 : i32
        %dma_wait3A_280 = tpu.memref_slice %arg6[%add3A_164, %dma_wait3A_279] : memref<32x256xi32, #tpu.memory_space<vmem>> -> memref<1x72xi32, #tpu.memory_space<vmem>>
        %dma_wait3A_281 = tpu.memref_squeeze %dma_wait3A_280 : memref<1x72xi32, #tpu.memory_space<vmem>> -> memref<72xi32, #tpu.memory_space<vmem>>
        %dma_wait3A_282 = arith.constant 0 : i32
        %dma_wait3A_283 = arith.constant 0 : i32
        %dma_wait3A_284 = tpu.memref_slice %arg5[%dma_wait3A_282, %dma_wait3A_283] : memref<200x64xf32, #tpu.memory_space<vmem_shared>> -> memref<200x64xf32, #tpu.memory_space<vmem_shared>>
        tpu.wait_indirect_dma semaphore(%arg8 : memref<!tpu.dma_semaphore, #tpu.memory_space<semaphore_mem>>) src(%dma_wait3A_284 : memref<200x64xf32, #tpu.memory_space<vmem_shared>>) dst(%dma_wait3A_278 : memref<72x64xf32, #tpu.memory_space<vmem>>)
        %dma_start3A_285 = arith.constant 0 : i32
        %dma_start3A_286 = arith.constant 0 : i32
        %dma_start3A_287 = arith.constant 0 : i32
        %dma_start3A_288 = arith.constant 0 : i32
        %dma_start3A_289 = tpu.memref_slice %arg7[%dma_start3A_285, %dma_start3A_286, %dma_start3A_287, %dma_start3A_288] : memref<2x4x200x64xf32, #tpu.memory_space<vmem>> -> memref<1x4x200x64xf32, #tpu.memory_space<vmem>>
        %dma_start3A_290 = tpu.memref_squeeze %dma_start3A_289 : memref<1x4x200x64xf32, #tpu.memory_space<vmem>> -> memref<4x200x64xf32, #tpu.memory_space<vmem>>
        %dma_start3A_291 = arith.constant 0 : i32
        %dma_start3A_292 = arith.constant 0 : i32
        %dma_start3A_293 = tpu.memref_slice %arg4[%add3A_72, %dma_start3A_291, %dma_start3A_292] : memref<16384x200x64xf32, #tpu.memory_space<hbm>> -> memref<4x200x64xf32, #tpu.memory_space<hbm>>
        %dma_start3A_294 = arith.constant 0 : i32
        %dma_start3A_295 = arith.constant 0 : i32
        %dma_start3A_296 = tpu.memref_slice %arg4[%add3A_72, %dma_start3A_294, %dma_start3A_295] : memref<16384x200x64xf32, #tpu.memory_space<hbm>> -> memref<4x200x64xf32, #tpu.memory_space<hbm>>
        %dma_start3A_297 = arith.constant 0 : i32
        %dma_start3A_298 = arith.constant 0 : i32
        %dma_start3A_299 = arith.constant 0 : i32
        %dma_start3A_300 = tpu.memref_slice %arg7[%dma_start3A_285, %dma_start3A_297, %dma_start3A_298, %dma_start3A_299] : memref<2x4x200x64xf32, #tpu.memory_space<vmem>> -> memref<1x4x200x64xf32, #tpu.memory_space<vmem>>
        %dma_start3A_301 = tpu.memref_squeeze %dma_start3A_300 : memref<1x4x200x64xf32, #tpu.memory_space<vmem>> -> memref<4x200x64xf32, #tpu.memory_space<vmem>>
        tpu.enqueue_dma source(%dma_start3A_301 : memref<4x200x64xf32, #tpu.memory_space<vmem>>) target(%dma_start3A_296 : memref<4x200x64xf32, #tpu.memory_space<hbm>>) target_semaphore(%arg10 : memref<!tpu.dma_semaphore, #tpu.memory_space<semaphore_mem>>)
        %mul3A_302 = arith.constant 2 : i32
        %mul3A_303 = arith.muli %scan3A_62, %mul3A_302 : i32
        %add3A_304 = arith.constant 1 : i32
        %add3A_305 = arith.addi %mul3A_303, %add3A_304 : i32
        %mul3A_306 = arith.constant 32 : i32
        %mul3A_307 = arith.muli %scan3A_52, %mul3A_306 : i32
        %add3A_308 = arith.addi %mul3A_2, %mul3A_307 : i32
        %mul3A_309 = arith.constant 4 : i32
        %mul3A_310 = arith.muli %add3A_305, %mul3A_309 : i32
        %add3A_311 = arith.addi %add3A_308, %mul3A_310 : i32
        %gt3A_312 = arith.constant 0 : i32
        %gt3A_313 = arith.cmpi sgt, %scan3A_52, %gt3A_312 : i32
        %ge3A_314 = arith.constant 1 : i32
        %ge3A_315 = arith.cmpi sge, %scan3A_62, %ge3A_314 : i32
        %or3A_316 = arith.ori %gt3A_313, %ge3A_315 : i1
        %convert_element_type3A_317 = arith.extui %or3A_316 : i1 to i32
        %cond3A_318 = arith.constant 0 : i32
        %cond3A_319 = arith.cmpi ne, %convert_element_type3A_317, %cond3A_318 : i32
        scf.if %cond3A_319 {
          %dma_wait3A_545 = arith.constant 1 : i32
          %dma_wait3A_546 = arith.constant 0 : i32
          %dma_wait3A_547 = arith.constant 0 : i32
          %dma_wait3A_548 = arith.constant 0 : i32
          %dma_wait3A_549 = tpu.memref_slice %arg7[%dma_wait3A_545, %dma_wait3A_546, %dma_wait3A_547, %dma_wait3A_548] : memref<2x4x200x64xf32, #tpu.memory_space<vmem>> -> memref<1x4x200x64xf32, #tpu.memory_space<vmem>>
          %dma_wait3A_550 = tpu.memref_squeeze %dma_wait3A_549 : memref<1x4x200x64xf32, #tpu.memory_space<vmem>> -> memref<4x200x64xf32, #tpu.memory_space<vmem>>
          %dma_wait3A_551 = arith.constant 0 : i32
          %dma_wait3A_552 = arith.constant 0 : i32
          %dma_wait3A_553 = tpu.memref_slice %arg4[%add3A_311, %dma_wait3A_551, %dma_wait3A_552] : memref<16384x200x64xf32, #tpu.memory_space<hbm>> -> memref<4x200x64xf32, #tpu.memory_space<hbm>>
          %dma_wait3A_554 = arith.constant 0 : i32
          %dma_wait3A_555 = arith.constant 0 : i32
          %dma_wait3A_556 = tpu.memref_slice %arg4[%add3A_311, %dma_wait3A_554, %dma_wait3A_555] : memref<16384x200x64xf32, #tpu.memory_space<hbm>> -> memref<4x200x64xf32, #tpu.memory_space<hbm>>
          %dma_wait3A_557 = arith.constant 0 : i32
          %dma_wait3A_558 = arith.constant 0 : i32
          %dma_wait3A_559 = arith.constant 0 : i32
          %dma_wait3A_560 = tpu.memref_slice %arg7[%dma_wait3A_545, %dma_wait3A_557, %dma_wait3A_558, %dma_wait3A_559] : memref<2x4x200x64xf32, #tpu.memory_space<vmem>> -> memref<1x4x200x64xf32, #tpu.memory_space<vmem>>
          %dma_wait3A_561 = tpu.memref_squeeze %dma_wait3A_560 : memref<1x4x200x64xf32, #tpu.memory_space<vmem>> -> memref<4x200x64xf32, #tpu.memory_space<vmem>>
          tpu.wait_dma2 semaphore(%arg11 : memref<!tpu.dma_semaphore, #tpu.memory_space<semaphore_mem>>) src(%dma_wait3A_561 : memref<4x200x64xf32, #tpu.memory_space<vmem>>) dst(%dma_wait3A_556 : memref<4x200x64xf32, #tpu.memory_space<hbm>>)
        } else {
        }
        %mul3A_320 = arith.constant 4 : i32
        %mul3A_321 = arith.muli %add3A_305, %mul3A_320 : i32
        %add3A_322 = arith.constant 0 : i32
        %add3A_323 = arith.addi %mul3A_321, %add3A_322 : i32
        %dma_start3A_324 = arith.constant 1 : i32
        %dma_start3A_325 = arith.constant 0 : i32
        %dma_start3A_326 = arith.constant 0 : i32
        %dma_start3A_327 = arith.constant 0 : i32
        %dma_start3A_328 = tpu.memref_slice %arg7[%dma_start3A_324, %dma_start3A_325, %dma_start3A_326, %dma_start3A_327] : memref<2x4x200x64xf32, #tpu.memory_space<vmem>> -> memref<1x1x128x64xf32, #tpu.memory_space<vmem>>
        %dma_start3A_329 = tpu.memref_squeeze %dma_start3A_328 : memref<1x1x128x64xf32, #tpu.memory_space<vmem>> -> memref<128x64xf32, #tpu.memory_space<vmem>>
        %dma_start3A_330 = arith.constant 0 : i32
        %dma_start3A_331 = tpu.memref_slice %arg6[%add3A_323, %dma_start3A_330] : memref<32x256xi32, #tpu.memory_space<vmem>> -> memref<1x128xi32, #tpu.memory_space<vmem>>
        %dma_start3A_332 = tpu.memref_squeeze %dma_start3A_331 : memref<1x128xi32, #tpu.memory_space<vmem>> -> memref<128xi32, #tpu.memory_space<vmem>>
        %dma_start3A_333 = arith.constant 0 : i32
        %dma_start3A_334 = arith.constant 0 : i32
        %dma_start3A_335 = tpu.memref_slice %arg5[%dma_start3A_333, %dma_start3A_334] : memref<200x64xf32, #tpu.memory_space<vmem_shared>> -> memref<200x64xf32, #tpu.memory_space<vmem_shared>>
        tpu.enqueue_indirect_dma source(%dma_start3A_335 : memref<200x64xf32, #tpu.memory_space<vmem_shared>>) target(%dma_start3A_329 : memref<128x64xf32, #tpu.memory_space<vmem>>) offsets(%dma_start3A_332 : memref<128xi32, #tpu.memory_space<vmem>>) semaphore(%arg9 : memref<!tpu.dma_semaphore, #tpu.memory_space<semaphore_mem>>)
        %dma_start3A_336 = arith.constant 1 : i32
        %dma_start3A_337 = arith.constant 0 : i32
        %dma_start3A_338 = arith.constant 128 : i32
        %dma_start3A_339 = arith.constant 0 : i32
        %dma_start3A_340 = tpu.memref_slice %arg7[%dma_start3A_336, %dma_start3A_337, %dma_start3A_338, %dma_start3A_339] : memref<2x4x200x64xf32, #tpu.memory_space<vmem>> -> memref<1x1x72x64xf32, #tpu.memory_space<vmem>>
        %dma_start3A_341 = tpu.memref_squeeze %dma_start3A_340 : memref<1x1x72x64xf32, #tpu.memory_space<vmem>> -> memref<72x64xf32, #tpu.memory_space<vmem>>
        %dma_start3A_342 = arith.constant 128 : i32
        %dma_start3A_343 = tpu.memref_slice %arg6[%add3A_323, %dma_start3A_342] : memref<32x256xi32, #tpu.memory_space<vmem>> -> memref<1x72xi32, #tpu.memory_space<vmem>>
        %dma_start3A_344 = tpu.memref_squeeze %dma_start3A_343 : memref<1x72xi32, #tpu.memory_space<vmem>> -> memref<72xi32, #tpu.memory_space<vmem>>
        %dma_start3A_345 = arith.constant 0 : i32
        %dma_start3A_346 = arith.constant 0 : i32
        %dma_start3A_347 = tpu.memref_slice %arg5[%dma_start3A_345, %dma_start3A_346] : memref<200x64xf32, #tpu.memory_space<vmem_shared>> -> memref<200x64xf32, #tpu.memory_space<vmem_shared>>
        tpu.enqueue_indirect_dma source(%dma_start3A_347 : memref<200x64xf32, #tpu.memory_space<vmem_shared>>) target(%dma_start3A_341 : memref<72x64xf32, #tpu.memory_space<vmem>>) offsets(%dma_start3A_344 : memref<72xi32, #tpu.memory_space<vmem>>) semaphore(%arg9 : memref<!tpu.dma_semaphore, #tpu.memory_space<semaphore_mem>>)
        %mul3A_348 = arith.constant 4 : i32
        %mul3A_349 = arith.muli %add3A_305, %mul3A_348 : i32
        %add3A_350 = arith.constant 1 : i32
        %add3A_351 = arith.addi %mul3A_349, %add3A_350 : i32
        %dma_start3A_352 = arith.constant 1 : i32
        %dma_start3A_353 = arith.constant 1 : i32
        %dma_start3A_354 = arith.constant 0 : i32
        %dma_start3A_355 = arith.constant 0 : i32
        %dma_start3A_356 = tpu.memref_slice %arg7[%dma_start3A_352, %dma_start3A_353, %dma_start3A_354, %dma_start3A_355] : memref<2x4x200x64xf32, #tpu.memory_space<vmem>> -> memref<1x1x128x64xf32, #tpu.memory_space<vmem>>
        %dma_start3A_357 = tpu.memref_squeeze %dma_start3A_356 : memref<1x1x128x64xf32, #tpu.memory_space<vmem>> -> memref<128x64xf32, #tpu.memory_space<vmem>>
        %dma_start3A_358 = arith.constant 0 : i32
        %dma_start3A_359 = tpu.memref_slice %arg6[%add3A_351, %dma_start3A_358] : memref<32x256xi32, #tpu.memory_space<vmem>> -> memref<1x128xi32, #tpu.memory_space<vmem>>
        %dma_start3A_360 = tpu.memref_squeeze %dma_start3A_359 : memref<1x128xi32, #tpu.memory_space<vmem>> -> memref<128xi32, #tpu.memory_space<vmem>>
        %dma_start3A_361 = arith.constant 0 : i32
        %dma_start3A_362 = arith.constant 0 : i32
        %dma_start3A_363 = tpu.memref_slice %arg5[%dma_start3A_361, %dma_start3A_362] : memref<200x64xf32, #tpu.memory_space<vmem_shared>> -> memref<200x64xf32, #tpu.memory_space<vmem_shared>>
        tpu.enqueue_indirect_dma source(%dma_start3A_363 : memref<200x64xf32, #tpu.memory_space<vmem_shared>>) target(%dma_start3A_357 : memref<128x64xf32, #tpu.memory_space<vmem>>) offsets(%dma_start3A_360 : memref<128xi32, #tpu.memory_space<vmem>>) semaphore(%arg9 : memref<!tpu.dma_semaphore, #tpu.memory_space<semaphore_mem>>)
        %dma_start3A_364 = arith.constant 1 : i32
        %dma_start3A_365 = arith.constant 1 : i32
        %dma_start3A_366 = arith.constant 128 : i32
        %dma_start3A_367 = arith.constant 0 : i32
        %dma_start3A_368 = tpu.memref_slice %arg7[%dma_start3A_364, %dma_start3A_365, %dma_start3A_366, %dma_start3A_367] : memref<2x4x200x64xf32, #tpu.memory_space<vmem>> -> memref<1x1x72x64xf32, #tpu.memory_space<vmem>>
        %dma_start3A_369 = tpu.memref_squeeze %dma_start3A_368 : memref<1x1x72x64xf32, #tpu.memory_space<vmem>> -> memref<72x64xf32, #tpu.memory_space<vmem>>
        %dma_start3A_370 = arith.constant 128 : i32
        %dma_start3A_371 = tpu.memref_slice %arg6[%add3A_351, %dma_start3A_370] : memref<32x256xi32, #tpu.memory_space<vmem>> -> memref<1x72xi32, #tpu.memory_space<vmem>>
        %dma_start3A_372 = tpu.memref_squeeze %dma_start3A_371 : memref<1x72xi32, #tpu.memory_space<vmem>> -> memref<72xi32, #tpu.memory_space<vmem>>
        %dma_start3A_373 = arith.constant 0 : i32
        %dma_start3A_374 = arith.constant 0 : i32
        %dma_start3A_375 = tpu.memref_slice %arg5[%dma_start3A_373, %dma_start3A_374] : memref<200x64xf32, #tpu.memory_space<vmem_shared>> -> memref<200x64xf32, #tpu.memory_space<vmem_shared>>
        tpu.enqueue_indirect_dma source(%dma_start3A_375 : memref<200x64xf32, #tpu.memory_space<vmem_shared>>) target(%dma_start3A_369 : memref<72x64xf32, #tpu.memory_space<vmem>>) offsets(%dma_start3A_372 : memref<72xi32, #tpu.memory_space<vmem>>) semaphore(%arg9 : memref<!tpu.dma_semaphore, #tpu.memory_space<semaphore_mem>>)
        %mul3A_376 = arith.constant 4 : i32
        %mul3A_377 = arith.muli %add3A_305, %mul3A_376 : i32
        %add3A_378 = arith.constant 2 : i32
        %add3A_379 = arith.addi %mul3A_377, %add3A_378 : i32
        %dma_start3A_380 = arith.constant 1 : i32
        %dma_start3A_381 = arith.constant 2 : i32
        %dma_start3A_382 = arith.constant 0 : i32
        %dma_start3A_383 = arith.constant 0 : i32
        %dma_start3A_384 = tpu.memref_slice %arg7[%dma_start3A_380, %dma_start3A_381, %dma_start3A_382, %dma_start3A_383] : memref<2x4x200x64xf32, #tpu.memory_space<vmem>> -> memref<1x1x128x64xf32, #tpu.memory_space<vmem>>
        %dma_start3A_385 = tpu.memref_squeeze %dma_start3A_384 : memref<1x1x128x64xf32, #tpu.memory_space<vmem>> -> memref<128x64xf32, #tpu.memory_space<vmem>>
        %dma_start3A_386 = arith.constant 0 : i32
        %dma_start3A_387 = tpu.memref_slice %arg6[%add3A_379, %dma_start3A_386] : memref<32x256xi32, #tpu.memory_space<vmem>> -> memref<1x128xi32, #tpu.memory_space<vmem>>
        %dma_start3A_388 = tpu.memref_squeeze %dma_start3A_387 : memref<1x128xi32, #tpu.memory_space<vmem>> -> memref<128xi32, #tpu.memory_space<vmem>>
        %dma_start3A_389 = arith.constant 0 : i32
        %dma_start3A_390 = arith.constant 0 : i32
        %dma_start3A_391 = tpu.memref_slice %arg5[%dma_start3A_389, %dma_start3A_390] : memref<200x64xf32, #tpu.memory_space<vmem_shared>> -> memref<200x64xf32, #tpu.memory_space<vmem_shared>>
        tpu.enqueue_indirect_dma source(%dma_start3A_391 : memref<200x64xf32, #tpu.memory_space<vmem_shared>>) target(%dma_start3A_385 : memref<128x64xf32, #tpu.memory_space<vmem>>) offsets(%dma_start3A_388 : memref<128xi32, #tpu.memory_space<vmem>>) semaphore(%arg9 : memref<!tpu.dma_semaphore, #tpu.memory_space<semaphore_mem>>)
        %dma_start3A_392 = arith.constant 1 : i32
        %dma_start3A_393 = arith.constant 2 : i32
        %dma_start3A_394 = arith.constant 128 : i32
        %dma_start3A_395 = arith.constant 0 : i32
        %dma_start3A_396 = tpu.memref_slice %arg7[%dma_start3A_392, %dma_start3A_393, %dma_start3A_394, %dma_start3A_395] : memref<2x4x200x64xf32, #tpu.memory_space<vmem>> -> memref<1x1x72x64xf32, #tpu.memory_space<vmem>>
        %dma_start3A_397 = tpu.memref_squeeze %dma_start3A_396 : memref<1x1x72x64xf32, #tpu.memory_space<vmem>> -> memref<72x64xf32, #tpu.memory_space<vmem>>
        %dma_start3A_398 = arith.constant 128 : i32
        %dma_start3A_399 = tpu.memref_slice %arg6[%add3A_379, %dma_start3A_398] : memref<32x256xi32, #tpu.memory_space<vmem>> -> memref<1x72xi32, #tpu.memory_space<vmem>>
        %dma_start3A_400 = tpu.memref_squeeze %dma_start3A_399 : memref<1x72xi32, #tpu.memory_space<vmem>> -> memref<72xi32, #tpu.memory_space<vmem>>
        %dma_start3A_401 = arith.constant 0 : i32
        %dma_start3A_402 = arith.constant 0 : i32
        %dma_start3A_403 = tpu.memref_slice %arg5[%dma_start3A_401, %dma_start3A_402] : memref<200x64xf32, #tpu.memory_space<vmem_shared>> -> memref<200x64xf32, #tpu.memory_space<vmem_shared>>
        tpu.enqueue_indirect_dma source(%dma_start3A_403 : memref<200x64xf32, #tpu.memory_space<vmem_shared>>) target(%dma_start3A_397 : memref<72x64xf32, #tpu.memory_space<vmem>>) offsets(%dma_start3A_400 : memref<72xi32, #tpu.memory_space<vmem>>) semaphore(%arg9 : memref<!tpu.dma_semaphore, #tpu.memory_space<semaphore_mem>>)
        %mul3A_404 = arith.constant 4 : i32
        %mul3A_405 = arith.muli %add3A_305, %mul3A_404 : i32
        %add3A_406 = arith.constant 3 : i32
        %add3A_407 = arith.addi %mul3A_405, %add3A_406 : i32
        %dma_start3A_408 = arith.constant 1 : i32
        %dma_start3A_409 = arith.constant 3 : i32
        %dma_start3A_410 = arith.constant 0 : i32
        %dma_start3A_411 = arith.constant 0 : i32
        %dma_start3A_412 = tpu.memref_slice %arg7[%dma_start3A_408, %dma_start3A_409, %dma_start3A_410, %dma_start3A_411] : memref<2x4x200x64xf32, #tpu.memory_space<vmem>> -> memref<1x1x128x64xf32, #tpu.memory_space<vmem>>
        %dma_start3A_413 = tpu.memref_squeeze %dma_start3A_412 : memref<1x1x128x64xf32, #tpu.memory_space<vmem>> -> memref<128x64xf32, #tpu.memory_space<vmem>>
        %dma_start3A_414 = arith.constant 0 : i32
        %dma_start3A_415 = tpu.memref_slice %arg6[%add3A_407, %dma_start3A_414] : memref<32x256xi32, #tpu.memory_space<vmem>> -> memref<1x128xi32, #tpu.memory_space<vmem>>
        %dma_start3A_416 = tpu.memref_squeeze %dma_start3A_415 : memref<1x128xi32, #tpu.memory_space<vmem>> -> memref<128xi32, #tpu.memory_space<vmem>>
        %dma_start3A_417 = arith.constant 0 : i32
        %dma_start3A_418 = arith.constant 0 : i32
        %dma_start3A_419 = tpu.memref_slice %arg5[%dma_start3A_417, %dma_start3A_418] : memref<200x64xf32, #tpu.memory_space<vmem_shared>> -> memref<200x64xf32, #tpu.memory_space<vmem_shared>>
        tpu.enqueue_indirect_dma source(%dma_start3A_419 : memref<200x64xf32, #tpu.memory_space<vmem_shared>>) target(%dma_start3A_413 : memref<128x64xf32, #tpu.memory_space<vmem>>) offsets(%dma_start3A_416 : memref<128xi32, #tpu.memory_space<vmem>>) semaphore(%arg9 : memref<!tpu.dma_semaphore, #tpu.memory_space<semaphore_mem>>)
        %dma_start3A_420 = arith.constant 1 : i32
        %dma_start3A_421 = arith.constant 3 : i32
        %dma_start3A_422 = arith.constant 128 : i32
        %dma_start3A_423 = arith.constant 0 : i32
        %dma_start3A_424 = tpu.memref_slice %arg7[%dma_start3A_420, %dma_start3A_421, %dma_start3A_422, %dma_start3A_423] : memref<2x4x200x64xf32, #tpu.memory_space<vmem>> -> memref<1x1x72x64xf32, #tpu.memory_space<vmem>>
        %dma_start3A_425 = tpu.memref_squeeze %dma_start3A_424 : memref<1x1x72x64xf32, #tpu.memory_space<vmem>> -> memref<72x64xf32, #tpu.memory_space<vmem>>
        %dma_start3A_426 = arith.constant 128 : i32
        %dma_start3A_427 = tpu.memref_slice %arg6[%add3A_407, %dma_start3A_426] : memref<32x256xi32, #tpu.memory_space<vmem>> -> memref<1x72xi32, #tpu.memory_space<vmem>>
        %dma_start3A_428 = tpu.memref_squeeze %dma_start3A_427 : memref<1x72xi32, #tpu.memory_space<vmem>> -> memref<72xi32, #tpu.memory_space<vmem>>
        %dma_start3A_429 = arith.constant 0 : i32
        %dma_start3A_430 = arith.constant 0 : i32
        %dma_start3A_431 = tpu.memref_slice %arg5[%dma_start3A_429, %dma_start3A_430] : memref<200x64xf32, #tpu.memory_space<vmem_shared>> -> memref<200x64xf32, #tpu.memory_space<vmem_shared>>
        tpu.enqueue_indirect_dma source(%dma_start3A_431 : memref<200x64xf32, #tpu.memory_space<vmem_shared>>) target(%dma_start3A_425 : memref<72x64xf32, #tpu.memory_space<vmem>>) offsets(%dma_start3A_428 : memref<72xi32, #tpu.memory_space<vmem>>) semaphore(%arg9 : memref<!tpu.dma_semaphore, #tpu.memory_space<semaphore_mem>>)
        %dma_wait3A_432 = arith.constant 1 : i32
        %dma_wait3A_433 = arith.constant 0 : i32
        %dma_wait3A_434 = arith.constant 0 : i32
        %dma_wait3A_435 = arith.constant 0 : i32
        %dma_wait3A_436 = tpu.memref_slice %arg7[%dma_wait3A_432, %dma_wait3A_433, %dma_wait3A_434, %dma_wait3A_435] : memref<2x4x200x64xf32, #tpu.memory_space<vmem>> -> memref<1x1x128x64xf32, #tpu.memory_space<vmem>>
        %dma_wait3A_437 = tpu.memref_squeeze %dma_wait3A_436 : memref<1x1x128x64xf32, #tpu.memory_space<vmem>> -> memref<128x64xf32, #tpu.memory_space<vmem>>
        %dma_wait3A_438 = arith.constant 0 : i32
        %dma_wait3A_439 = tpu.memref_slice %arg6[%add3A_323, %dma_wait3A_438] : memref<32x256xi32, #tpu.memory_space<vmem>> -> memref<1x128xi32, #tpu.memory_space<vmem>>
        %dma_wait3A_440 = tpu.memref_squeeze %dma_wait3A_439 : memref<1x128xi32, #tpu.memory_space<vmem>> -> memref<128xi32, #tpu.memory_space<vmem>>
        %dma_wait3A_441 = arith.constant 0 : i32
        %dma_wait3A_442 = arith.constant 0 : i32
        %dma_wait3A_443 = tpu.memref_slice %arg5[%dma_wait3A_441, %dma_wait3A_442] : memref<200x64xf32, #tpu.memory_space<vmem_shared>> -> memref<200x64xf32, #tpu.memory_space<vmem_shared>>
        tpu.wait_indirect_dma semaphore(%arg9 : memref<!tpu.dma_semaphore, #tpu.memory_space<semaphore_mem>>) src(%dma_wait3A_443 : memref<200x64xf32, #tpu.memory_space<vmem_shared>>) dst(%dma_wait3A_437 : memref<128x64xf32, #tpu.memory_space<vmem>>)
        %dma_wait3A_444 = arith.constant 1 : i32
        %dma_wait3A_445 = arith.constant 0 : i32
        %dma_wait3A_446 = arith.constant 128 : i32
        %dma_wait3A_447 = arith.constant 0 : i32
        %dma_wait3A_448 = tpu.memref_slice %arg7[%dma_wait3A_444, %dma_wait3A_445, %dma_wait3A_446, %dma_wait3A_447] : memref<2x4x200x64xf32, #tpu.memory_space<vmem>> -> memref<1x1x72x64xf32, #tpu.memory_space<vmem>>
        %dma_wait3A_449 = tpu.memref_squeeze %dma_wait3A_448 : memref<1x1x72x64xf32, #tpu.memory_space<vmem>> -> memref<72x64xf32, #tpu.memory_space<vmem>>
        %dma_wait3A_450 = arith.constant 128 : i32
        %dma_wait3A_451 = tpu.memref_slice %arg6[%add3A_323, %dma_wait3A_450] : memref<32x256xi32, #tpu.memory_space<vmem>> -> memref<1x72xi32, #tpu.memory_space<vmem>>
        %dma_wait3A_452 = tpu.memref_squeeze %dma_wait3A_451 : memref<1x72xi32, #tpu.memory_space<vmem>> -> memref<72xi32, #tpu.memory_space<vmem>>
        %dma_wait3A_453 = arith.constant 0 : i32
        %dma_wait3A_454 = arith.constant 0 : i32
        %dma_wait3A_455 = tpu.memref_slice %arg5[%dma_wait3A_453, %dma_wait3A_454] : memref<200x64xf32, #tpu.memory_space<vmem_shared>> -> memref<200x64xf32, #tpu.memory_space<vmem_shared>>
        tpu.wait_indirect_dma semaphore(%arg9 : memref<!tpu.dma_semaphore, #tpu.memory_space<semaphore_mem>>) src(%dma_wait3A_455 : memref<200x64xf32, #tpu.memory_space<vmem_shared>>) dst(%dma_wait3A_449 : memref<72x64xf32, #tpu.memory_space<vmem>>)
        %dma_wait3A_456 = arith.constant 1 : i32
        %dma_wait3A_457 = arith.constant 1 : i32
        %dma_wait3A_458 = arith.constant 0 : i32
        %dma_wait3A_459 = arith.constant 0 : i32
        %dma_wait3A_460 = tpu.memref_slice %arg7[%dma_wait3A_456, %dma_wait3A_457, %dma_wait3A_458, %dma_wait3A_459] : memref<2x4x200x64xf32, #tpu.memory_space<vmem>> -> memref<1x1x128x64xf32, #tpu.memory_space<vmem>>
        %dma_wait3A_461 = tpu.memref_squeeze %dma_wait3A_460 : memref<1x1x128x64xf32, #tpu.memory_space<vmem>> -> memref<128x64xf32, #tpu.memory_space<vmem>>
        %dma_wait3A_462 = arith.constant 0 : i32
        %dma_wait3A_463 = tpu.memref_slice %arg6[%add3A_351, %dma_wait3A_462] : memref<32x256xi32, #tpu.memory_space<vmem>> -> memref<1x128xi32, #tpu.memory_space<vmem>>
        %dma_wait3A_464 = tpu.memref_squeeze %dma_wait3A_463 : memref<1x128xi32, #tpu.memory_space<vmem>> -> memref<128xi32, #tpu.memory_space<vmem>>
        %dma_wait3A_465 = arith.constant 0 : i32
        %dma_wait3A_466 = arith.constant 0 : i32
        %dma_wait3A_467 = tpu.memref_slice %arg5[%dma_wait3A_465, %dma_wait3A_466] : memref<200x64xf32, #tpu.memory_space<vmem_shared>> -> memref<200x64xf32, #tpu.memory_space<vmem_shared>>
        tpu.wait_indirect_dma semaphore(%arg9 : memref<!tpu.dma_semaphore, #tpu.memory_space<semaphore_mem>>) src(%dma_wait3A_467 : memref<200x64xf32, #tpu.memory_space<vmem_shared>>) dst(%dma_wait3A_461 : memref<128x64xf32, #tpu.memory_space<vmem>>)
        %dma_wait3A_468 = arith.constant 1 : i32
        %dma_wait3A_469 = arith.constant 1 : i32
        %dma_wait3A_470 = arith.constant 128 : i32
        %dma_wait3A_471 = arith.constant 0 : i32
        %dma_wait3A_472 = tpu.memref_slice %arg7[%dma_wait3A_468, %dma_wait3A_469, %dma_wait3A_470, %dma_wait3A_471] : memref<2x4x200x64xf32, #tpu.memory_space<vmem>> -> memref<1x1x72x64xf32, #tpu.memory_space<vmem>>
        %dma_wait3A_473 = tpu.memref_squeeze %dma_wait3A_472 : memref<1x1x72x64xf32, #tpu.memory_space<vmem>> -> memref<72x64xf32, #tpu.memory_space<vmem>>
        %dma_wait3A_474 = arith.constant 128 : i32
        %dma_wait3A_475 = tpu.memref_slice %arg6[%add3A_351, %dma_wait3A_474] : memref<32x256xi32, #tpu.memory_space<vmem>> -> memref<1x72xi32, #tpu.memory_space<vmem>>
        %dma_wait3A_476 = tpu.memref_squeeze %dma_wait3A_475 : memref<1x72xi32, #tpu.memory_space<vmem>> -> memref<72xi32, #tpu.memory_space<vmem>>
        %dma_wait3A_477 = arith.constant 0 : i32
        %dma_wait3A_478 = arith.constant 0 : i32
        %dma_wait3A_479 = tpu.memref_slice %arg5[%dma_wait3A_477, %dma_wait3A_478] : memref<200x64xf32, #tpu.memory_space<vmem_shared>> -> memref<200x64xf32, #tpu.memory_space<vmem_shared>>
        tpu.wait_indirect_dma semaphore(%arg9 : memref<!tpu.dma_semaphore, #tpu.memory_space<semaphore_mem>>) src(%dma_wait3A_479 : memref<200x64xf32, #tpu.memory_space<vmem_shared>>) dst(%dma_wait3A_473 : memref<72x64xf32, #tpu.memory_space<vmem>>)
        %dma_wait3A_480 = arith.constant 1 : i32
        %dma_wait3A_481 = arith.constant 2 : i32
        %dma_wait3A_482 = arith.constant 0 : i32
        %dma_wait3A_483 = arith.constant 0 : i32
        %dma_wait3A_484 = tpu.memref_slice %arg7[%dma_wait3A_480, %dma_wait3A_481, %dma_wait3A_482, %dma_wait3A_483] : memref<2x4x200x64xf32, #tpu.memory_space<vmem>> -> memref<1x1x128x64xf32, #tpu.memory_space<vmem>>
        %dma_wait3A_485 = tpu.memref_squeeze %dma_wait3A_484 : memref<1x1x128x64xf32, #tpu.memory_space<vmem>> -> memref<128x64xf32, #tpu.memory_space<vmem>>
        %dma_wait3A_486 = arith.constant 0 : i32
        %dma_wait3A_487 = tpu.memref_slice %arg6[%add3A_379, %dma_wait3A_486] : memref<32x256xi32, #tpu.memory_space<vmem>> -> memref<1x128xi32, #tpu.memory_space<vmem>>
        %dma_wait3A_488 = tpu.memref_squeeze %dma_wait3A_487 : memref<1x128xi32, #tpu.memory_space<vmem>> -> memref<128xi32, #tpu.memory_space<vmem>>
        %dma_wait3A_489 = arith.constant 0 : i32
        %dma_wait3A_490 = arith.constant 0 : i32
        %dma_wait3A_491 = tpu.memref_slice %arg5[%dma_wait3A_489, %dma_wait3A_490] : memref<200x64xf32, #tpu.memory_space<vmem_shared>> -> memref<200x64xf32, #tpu.memory_space<vmem_shared>>
        tpu.wait_indirect_dma semaphore(%arg9 : memref<!tpu.dma_semaphore, #tpu.memory_space<semaphore_mem>>) src(%dma_wait3A_491 : memref<200x64xf32, #tpu.memory_space<vmem_shared>>) dst(%dma_wait3A_485 : memref<128x64xf32, #tpu.memory_space<vmem>>)
        %dma_wait3A_492 = arith.constant 1 : i32
        %dma_wait3A_493 = arith.constant 2 : i32
        %dma_wait3A_494 = arith.constant 128 : i32
        %dma_wait3A_495 = arith.constant 0 : i32
        %dma_wait3A_496 = tpu.memref_slice %arg7[%dma_wait3A_492, %dma_wait3A_493, %dma_wait3A_494, %dma_wait3A_495] : memref<2x4x200x64xf32, #tpu.memory_space<vmem>> -> memref<1x1x72x64xf32, #tpu.memory_space<vmem>>
        %dma_wait3A_497 = tpu.memref_squeeze %dma_wait3A_496 : memref<1x1x72x64xf32, #tpu.memory_space<vmem>> -> memref<72x64xf32, #tpu.memory_space<vmem>>
        %dma_wait3A_498 = arith.constant 128 : i32
        %dma_wait3A_499 = tpu.memref_slice %arg6[%add3A_379, %dma_wait3A_498] : memref<32x256xi32, #tpu.memory_space<vmem>> -> memref<1x72xi32, #tpu.memory_space<vmem>>
        %dma_wait3A_500 = tpu.memref_squeeze %dma_wait3A_499 : memref<1x72xi32, #tpu.memory_space<vmem>> -> memref<72xi32, #tpu.memory_space<vmem>>
        %dma_wait3A_501 = arith.constant 0 : i32
        %dma_wait3A_502 = arith.constant 0 : i32
        %dma_wait3A_503 = tpu.memref_slice %arg5[%dma_wait3A_501, %dma_wait3A_502] : memref<200x64xf32, #tpu.memory_space<vmem_shared>> -> memref<200x64xf32, #tpu.memory_space<vmem_shared>>
        tpu.wait_indirect_dma semaphore(%arg9 : memref<!tpu.dma_semaphore, #tpu.memory_space<semaphore_mem>>) src(%dma_wait3A_503 : memref<200x64xf32, #tpu.memory_space<vmem_shared>>) dst(%dma_wait3A_497 : memref<72x64xf32, #tpu.memory_space<vmem>>)
        %dma_wait3A_504 = arith.constant 1 : i32
        %dma_wait3A_505 = arith.constant 3 : i32
        %dma_wait3A_506 = arith.constant 0 : i32
        %dma_wait3A_507 = arith.constant 0 : i32
        %dma_wait3A_508 = tpu.memref_slice %arg7[%dma_wait3A_504, %dma_wait3A_505, %dma_wait3A_506, %dma_wait3A_507] : memref<2x4x200x64xf32, #tpu.memory_space<vmem>> -> memref<1x1x128x64xf32, #tpu.memory_space<vmem>>
        %dma_wait3A_509 = tpu.memref_squeeze %dma_wait3A_508 : memref<1x1x128x64xf32, #tpu.memory_space<vmem>> -> memref<128x64xf32, #tpu.memory_space<vmem>>
        %dma_wait3A_510 = arith.constant 0 : i32
        %dma_wait3A_511 = tpu.memref_slice %arg6[%add3A_407, %dma_wait3A_510] : memref<32x256xi32, #tpu.memory_space<vmem>> -> memref<1x128xi32, #tpu.memory_space<vmem>>
        %dma_wait3A_512 = tpu.memref_squeeze %dma_wait3A_511 : memref<1x128xi32, #tpu.memory_space<vmem>> -> memref<128xi32, #tpu.memory_space<vmem>>
        %dma_wait3A_513 = arith.constant 0 : i32
        %dma_wait3A_514 = arith.constant 0 : i32
        %dma_wait3A_515 = tpu.memref_slice %arg5[%dma_wait3A_513, %dma_wait3A_514] : memref<200x64xf32, #tpu.memory_space<vmem_shared>> -> memref<200x64xf32, #tpu.memory_space<vmem_shared>>
        tpu.wait_indirect_dma semaphore(%arg9 : memref<!tpu.dma_semaphore, #tpu.memory_space<semaphore_mem>>) src(%dma_wait3A_515 : memref<200x64xf32, #tpu.memory_space<vmem_shared>>) dst(%dma_wait3A_509 : memref<128x64xf32, #tpu.memory_space<vmem>>)
        %dma_wait3A_516 = arith.constant 1 : i32
        %dma_wait3A_517 = arith.constant 3 : i32
        %dma_wait3A_518 = arith.constant 128 : i32
        %dma_wait3A_519 = arith.constant 0 : i32
        %dma_wait3A_520 = tpu.memref_slice %arg7[%dma_wait3A_516, %dma_wait3A_517, %dma_wait3A_518, %dma_wait3A_519] : memref<2x4x200x64xf32, #tpu.memory_space<vmem>> -> memref<1x1x72x64xf32, #tpu.memory_space<vmem>>
        %dma_wait3A_521 = tpu.memref_squeeze %dma_wait3A_520 : memref<1x1x72x64xf32, #tpu.memory_space<vmem>> -> memref<72x64xf32, #tpu.memory_space<vmem>>
        %dma_wait3A_522 = arith.constant 128 : i32
        %dma_wait3A_523 = tpu.memref_slice %arg6[%add3A_407, %dma_wait3A_522] : memref<32x256xi32, #tpu.memory_space<vmem>> -> memref<1x72xi32, #tpu.memory_space<vmem>>
        %dma_wait3A_524 = tpu.memref_squeeze %dma_wait3A_523 : memref<1x72xi32, #tpu.memory_space<vmem>> -> memref<72xi32, #tpu.memory_space<vmem>>
        %dma_wait3A_525 = arith.constant 0 : i32
        %dma_wait3A_526 = arith.constant 0 : i32
        %dma_wait3A_527 = tpu.memref_slice %arg5[%dma_wait3A_525, %dma_wait3A_526] : memref<200x64xf32, #tpu.memory_space<vmem_shared>> -> memref<200x64xf32, #tpu.memory_space<vmem_shared>>
        tpu.wait_indirect_dma semaphore(%arg9 : memref<!tpu.dma_semaphore, #tpu.memory_space<semaphore_mem>>) src(%dma_wait3A_527 : memref<200x64xf32, #tpu.memory_space<vmem_shared>>) dst(%dma_wait3A_521 : memref<72x64xf32, #tpu.memory_space<vmem>>)
        %dma_start3A_528 = arith.constant 1 : i32
        %dma_start3A_529 = arith.constant 0 : i32
        %dma_start3A_530 = arith.constant 0 : i32
        %dma_start3A_531 = arith.constant 0 : i32
        %dma_start3A_532 = tpu.memref_slice %arg7[%dma_start3A_528, %dma_start3A_529, %dma_start3A_530, %dma_start3A_531] : memref<2x4x200x64xf32, #tpu.memory_space<vmem>> -> memref<1x4x200x64xf32, #tpu.memory_space<vmem>>
        %dma_start3A_533 = tpu.memref_squeeze %dma_start3A_532 : memref<1x4x200x64xf32, #tpu.memory_space<vmem>> -> memref<4x200x64xf32, #tpu.memory_space<vmem>>
        %dma_start3A_534 = arith.constant 0 : i32
        %dma_start3A_535 = arith.constant 0 : i32
        %dma_start3A_536 = tpu.memref_slice %arg4[%add3A_311, %dma_start3A_534, %dma_start3A_535] : memref<16384x200x64xf32, #tpu.memory_space<hbm>> -> memref<4x200x64xf32, #tpu.memory_space<hbm>>
        %dma_start3A_537 = arith.constant 0 : i32
        %dma_start3A_538 = arith.constant 0 : i32
        %dma_start3A_539 = tpu.memref_slice %arg4[%add3A_311, %dma_start3A_537, %dma_start3A_538] : memref<16384x200x64xf32, #tpu.memory_space<hbm>> -> memref<4x200x64xf32, #tpu.memory_space<hbm>>
        %dma_start3A_540 = arith.constant 0 : i32
        %dma_start3A_541 = arith.constant 0 : i32
        %dma_start3A_542 = arith.constant 0 : i32
        %dma_start3A_543 = tpu.memref_slice %arg7[%dma_start3A_528, %dma_start3A_540, %dma_start3A_541, %dma_start3A_542] : memref<2x4x200x64xf32, #tpu.memory_space<vmem>> -> memref<1x4x200x64xf32, #tpu.memory_space<vmem>>
        %dma_start3A_544 = tpu.memref_squeeze %dma_start3A_543 : memref<1x4x200x64xf32, #tpu.memory_space<vmem>> -> memref<4x200x64xf32, #tpu.memory_space<vmem>>
        tpu.enqueue_dma source(%dma_start3A_544 : memref<4x200x64xf32, #tpu.memory_space<vmem>>) target(%dma_start3A_539 : memref<4x200x64xf32, #tpu.memory_space<hbm>>) target_semaphore(%arg11 : memref<!tpu.dma_semaphore, #tpu.memory_space<semaphore_mem>>)
      }
      %scan3A_61 = arith.constant 4 : i32
    }
    %scan3A_11 = arith.constant 16 : i32
    %add3A_12 = arith.constant 512 : i32
    %add3A_13 = arith.addi %mul3A_2, %add3A_12 : i32
    %sub3A = arith.constant 8 : i32
    %sub3A_14 = arith.subi %add3A_13, %sub3A : i32
    %dma_wait3A = arith.constant 0 : i32
    %dma_wait3A_15 = arith.constant 0 : i32
    %dma_wait3A_16 = arith.constant 0 : i32
    %dma_wait3A_17 = arith.constant 0 : i32
    %dma_wait3A_18 = tpu.memref_slice %arg7[%dma_wait3A, %dma_wait3A_15, %dma_wait3A_16, %dma_wait3A_17] : memref<2x4x200x64xf32, #tpu.memory_space<vmem>> -> memref<1x4x200x64xf32, #tpu.memory_space<vmem>>
    %dma_wait3A_19 = tpu.memref_squeeze %dma_wait3A_18 : memref<1x4x200x64xf32, #tpu.memory_space<vmem>> -> memref<4x200x64xf32, #tpu.memory_space<vmem>>
    %dma_wait3A_20 = arith.constant 0 : i32
    %dma_wait3A_21 = arith.constant 0 : i32
    %dma_wait3A_22 = tpu.memref_slice %arg4[%sub3A_14, %dma_wait3A_20, %dma_wait3A_21] : memref<16384x200x64xf32, #tpu.memory_space<hbm>> -> memref<4x200x64xf32, #tpu.memory_space<hbm>>
    %dma_wait3A_23 = arith.constant 0 : i32
    %dma_wait3A_24 = arith.constant 0 : i32
    %dma_wait3A_25 = tpu.memref_slice %arg4[%sub3A_14, %dma_wait3A_23, %dma_wait3A_24] : memref<16384x200x64xf32, #tpu.memory_space<hbm>> -> memref<4x200x64xf32, #tpu.memory_space<hbm>>
    %dma_wait3A_26 = arith.constant 0 : i32
    %dma_wait3A_27 = arith.constant 0 : i32
    %dma_wait3A_28 = arith.constant 0 : i32
    %dma_wait3A_29 = tpu.memref_slice %arg7[%dma_wait3A, %dma_wait3A_26, %dma_wait3A_27, %dma_wait3A_28] : memref<2x4x200x64xf32, #tpu.memory_space<vmem>> -> memref<1x4x200x64xf32, #tpu.memory_space<vmem>>
    %dma_wait3A_30 = tpu.memref_squeeze %dma_wait3A_29 : memref<1x4x200x64xf32, #tpu.memory_space<vmem>> -> memref<4x200x64xf32, #tpu.memory_space<vmem>>
    tpu.wait_dma2 semaphore(%arg10 : memref<!tpu.dma_semaphore, #tpu.memory_space<semaphore_mem>>) src(%dma_wait3A_30 : memref<4x200x64xf32, #tpu.memory_space<vmem>>) dst(%dma_wait3A_25 : memref<4x200x64xf32, #tpu.memory_space<hbm>>)
    %add3A_31 = arith.constant 512 : i32
    %add3A_32 = arith.addi %mul3A_2, %add3A_31 : i32
    %sub3A_33 = arith.constant 4 : i32
    %sub3A_34 = arith.subi %add3A_32, %sub3A_33 : i32
    %dma_wait3A_35 = arith.constant 1 : i32
    %dma_wait3A_36 = arith.constant 0 : i32
    %dma_wait3A_37 = arith.constant 0 : i32
    %dma_wait3A_38 = arith.constant 0 : i32
    %dma_wait3A_39 = tpu.memref_slice %arg7[%dma_wait3A_35, %dma_wait3A_36, %dma_wait3A_37, %dma_wait3A_38] : memref<2x4x200x64xf32, #tpu.memory_space<vmem>> -> memref<1x4x200x64xf32, #tpu.memory_space<vmem>>
    %dma_wait3A_40 = tpu.memref_squeeze %dma_wait3A_39 : memref<1x4x200x64xf32, #tpu.memory_space<vmem>> -> memref<4x200x64xf32, #tpu.memory_space<vmem>>
    %dma_wait3A_41 = arith.constant 0 : i32
    %dma_wait3A_42 = arith.constant 0 : i32
    %dma_wait3A_43 = tpu.memref_slice %arg4[%sub3A_34, %dma_wait3A_41, %dma_wait3A_42] : memref<16384x200x64xf32, #tpu.memory_space<hbm>> -> memref<4x200x64xf32, #tpu.memory_space<hbm>>
    %dma_wait3A_44 = arith.constant 0 : i32
    %dma_wait3A_45 = arith.constant 0 : i32
    %dma_wait3A_46 = tpu.memref_slice %arg4[%sub3A_34, %dma_wait3A_44, %dma_wait3A_45] : memref<16384x200x64xf32, #tpu.memory_space<hbm>> -> memref<4x200x64xf32, #tpu.memory_space<hbm>>
    %dma_wait3A_47 = arith.constant 0 : i32
    %dma_wait3A_48 = arith.constant 0 : i32
    %dma_wait3A_49 = arith.constant 0 : i32
    %dma_wait3A_50 = tpu.memref_slice %arg7[%dma_wait3A_35, %dma_wait3A_47, %dma_wait3A_48, %dma_wait3A_49] : memref<2x4x200x64xf32, #tpu.memory_space<vmem>> -> memref<1x4x200x64xf32, #tpu.memory_space<vmem>>
    %dma_wait3A_51 = tpu.memref_squeeze %dma_wait3A_50 : memref<1x4x200x64xf32, #tpu.memory_space<vmem>> -> memref<4x200x64xf32, #tpu.memory_space<vmem>>
    tpu.wait_dma2 semaphore(%arg11 : memref<!tpu.dma_semaphore, #tpu.memory_space<semaphore_mem>>) src(%dma_wait3A_51 : memref<4x200x64xf32, #tpu.memory_space<vmem>>) dst(%dma_wait3A_46 : memref<4x200x64xf32, #tpu.memory_space<hbm>>)
    return
  }
}

module attributes {stable_mosaic.version = 14 : i64} {
  func.func @_rank_body(%arg0: i32, %arg1: memref<512x200xf32, #tpu.memory_space<vmem>>, %arg2: memref<512x256xi32, #tpu.memory_space<vmem>>, %arg3: memref<200x512xi32, #tpu.memory_space<vmem>>, %arg4: memref<200x512xi32, #tpu.memory_space<vmem>>) attributes {dimension_semantics = [#tpu.dimension_semantics<arbitrary>], iteration_bounds = array<i64: 32>, scalar_prefetch = 0 : i64, scratch_operands = 2 : i64, tpu.core_type = #tpu.core_type<tc>, window_params = [{transform_indices = @transform_0, window_bounds = array<i64: 512, 200>}, {transform_indices = @transform_1, window_bounds = array<i64: 512, 256>}]} {
    %get3A = arith.constant 0 : index
    %get3A_0 = arith.constant 0 : index
    %get3A_1 = vector.load %arg1[%get3A, %get3A_0] : memref<512x200xf32, #tpu.memory_space<vmem>>, vector<512x200xf32>
    %transpose3A = tpu.transpose %get3A_1, [1, 0] : vector<512x200xf32> -> vector<200x512xf32>
    %bitcast_convert_type3A = tpu.bitcast %transpose3A : vector<200x512xf32> -> vector<200x512xi32>
    %shift_right_arithmetic3A = arith.constant 31 : i32
    %shift_right_arithmetic3A_2 = vector.broadcast %shift_right_arithmetic3A : i32 to vector<200x512xi32>
    %shift_right_arithmetic3A_3 = arith.shrsi %bitcast_convert_type3A, %shift_right_arithmetic3A_2 : vector<200x512xi32>
    %shift_right_logical3A = arith.constant 1 : i32
    %shift_right_logical3A_4 = vector.broadcast %shift_right_logical3A : i32 to vector<200x512xi32>
    %shift_right_logical3A_5 = arith.shrui %shift_right_arithmetic3A_3, %shift_right_logical3A_4 : vector<200x512xi32>
    %xor3A = arith.xori %bitcast_convert_type3A, %shift_right_logical3A_5 : vector<200x512xi32>
    %swap3A = arith.constant 0 : index
    %swap3A_6 = arith.constant 0 : index
    %swap3A_7 = vector.load %arg3[%swap3A, %swap3A_6] : memref<200x512xi32, #tpu.memory_space<vmem>>, vector<200x512xi32>
    tpu.vector_store %arg3[%swap3A, %swap3A_6], %xor3A {strides = array<i32>} : memref<200x512xi32, #tpu.memory_space<vmem>>, vector<200x512xi32>,
    %broadcast_in_dim3A = arith.constant 0 : i32
    %broadcast_in_dim3A_8 = vector.broadcast %broadcast_in_dim3A : i32 to vector<200x512xi32>
    %swap3A_9 = arith.constant 0 : index
    %swap3A_10 = arith.constant 0 : index
    %swap3A_11 = vector.load %arg4[%swap3A_9, %swap3A_10] : memref<200x512xi32, #tpu.memory_space<vmem>>, vector<200x512xi32>
    tpu.vector_store %arg4[%swap3A_9, %swap3A_10], %broadcast_in_dim3A_8 {strides = array<i32>} : memref<200x512xi32, #tpu.memory_space<vmem>>, vector<200x512xi32>,
    %iota3A = tpu.iota {dimensions = array<i32: 0>} : vector<8x512xi32>
    %scan3A = arith.constant 0 : i32
    %scan3A_12 = arith.constant 25 : i32
    %scan3A_13 = arith.addi %scan3A, %scan3A_12 : i32
    %scan3A_14 = arith.constant 1 : i32
    scf.for %scan3A_25 = %scan3A to %scan3A_13 step %scan3A_14  : i32 {
      %mul3A = arith.constant 8 : i32
      %mul3A_26 = arith.muli %scan3A_25, %mul3A : i32
      %multiple_of3A = tpu.assume_multiple %mul3A_26, 8 : i32
      %get3A_27 = arith.index_cast %multiple_of3A : i32 to index
      %get3A_28 = arith.constant 0 : index
      %get3A_29 = vector.load %arg3[%get3A_27, %get3A_28] : memref<200x512xi32, #tpu.memory_space<vmem>>, vector<8x512xi32>
      %slice3A = vector.extract_strided_slice %get3A_29 {offsets = [0, 0], sizes = [1, 512], strides = [1, 1]} : vector<8x512xi32> to vector<1x512xi32>
      %broadcast_in_dim3A_30 = vector.shape_cast %slice3A : vector<1x512xi32> to vector<1x512xi32>
      %broadcast_in_dim3A_31 = vector.broadcast %broadcast_in_dim3A_30 : vector<1x512xi32> to vector<8x512xi32>
      %slice3A_32 = vector.extract_strided_slice %get3A_29 {offsets = [1, 0], sizes = [1, 512], strides = [1, 1]} : vector<8x512xi32> to vector<1x512xi32>
      %broadcast_in_dim3A_33 = vector.shape_cast %slice3A_32 : vector<1x512xi32> to vector<1x512xi32>
      %broadcast_in_dim3A_34 = vector.broadcast %broadcast_in_dim3A_33 : vector<1x512xi32> to vector<8x512xi32>
      %slice3A_35 = vector.extract_strided_slice %get3A_29 {offsets = [2, 0], sizes = [1, 512], strides = [1, 1]} : vector<8x512xi32> to vector<1x512xi32>
      %broadcast_in_dim3A_36 = vector.shape_cast %slice3A_35 : vector<1x512xi32> to vector<1x512xi32>
      %broadcast_in_dim3A_37 = vector.broadcast %broadcast_in_dim3A_36 : vector<1x512xi32> to vector<8x512xi32>
      %slice3A_38 = vector.extract_strided_slice %get3A_29 {offsets = [3, 0], sizes = [1, 512], strides = [1, 1]} : vector<8x512xi32> to vector<1x512xi32>
      %broadcast_in_dim3A_39 = vector.shape_cast %slice3A_38 : vector<1x512xi32> to vector<1x512xi32>
      %broadcast_in_dim3A_40 = vector.broadcast %broadcast_in_dim3A_39 : vector<1x512xi32> to vector<8x512xi32>
      %slice3A_41 = vector.extract_strided_slice %get3A_29 {offsets = [4, 0], sizes = [1, 512], strides = [1, 1]} : vector<8x512xi32> to vector<1x512xi32>
      %broadcast_in_dim3A_42 = vector.shape_cast %slice3A_41 : vector<1x512xi32> to vector<1x512xi32>
      %broadcast_in_dim3A_43 = vector.broadcast %broadcast_in_dim3A_42 : vector<1x512xi32> to vector<8x512xi32>
      %slice3A_44 = vector.extract_strided_slice %get3A_29 {offsets = [5, 0], sizes = [1, 512], strides = [1, 1]} : vector<8x512xi32> to vector<1x512xi32>
      %broadcast_in_dim3A_45 = vector.shape_cast %slice3A_44 : vector<1x512xi32> to vector<1x512xi32>
      %broadcast_in_dim3A_46 = vector.broadcast %broadcast_in_dim3A_45 : vector<1x512xi32> to vector<8x512xi32>
      %slice3A_47 = vector.extract_strided_slice %get3A_29 {offsets = [6, 0], sizes = [1, 512], strides = [1, 1]} : vector<8x512xi32> to vector<1x512xi32>
      %broadcast_in_dim3A_48 = vector.shape_cast %slice3A_47 : vector<1x512xi32> to vector<1x512xi32>
      %broadcast_in_dim3A_49 = vector.broadcast %broadcast_in_dim3A_48 : vector<1x512xi32> to vector<8x512xi32>
      %slice3A_50 = vector.extract_strided_slice %get3A_29 {offsets = [7, 0], sizes = [1, 512], strides = [1, 1]} : vector<8x512xi32> to vector<1x512xi32>
      %broadcast_in_dim3A_51 = vector.shape_cast %slice3A_50 : vector<1x512xi32> to vector<1x512xi32>
      %broadcast_in_dim3A_52 = vector.broadcast %broadcast_in_dim3A_51 : vector<1x512xi32> to vector<8x512xi32>
      %get3A_53 = arith.constant 0 : index
      %get3A_54 = arith.constant 0 : index
      %get3A_55 = vector.load %arg3[%get3A_53, %get3A_54] : memref<200x512xi32, #tpu.memory_space<vmem>>, vector<8x512xi32>
      %lt3A = arith.constant 0 : i32
      %lt3A_56 = arith.cmpi slt, %scan3A_25, %lt3A : i32
      %jit3A = arith.constant 1 : i32
      %jit3A_57 = arith.constant 0 : i32
      %select_n3A = arith.select %lt3A_56, %jit3A, %jit3A_57 : i32
      %add3A = vector.broadcast %select_n3A : i32 to vector<8x512xi32>
      %add3A_58 = arith.addi %get3A_55, %add3A : vector<8x512xi32>
      %get3A_59 = arith.constant 0 : index
      %get3A_60 = arith.constant 0 : index
      %get3A_61 = vector.load %arg4[%get3A_59, %get3A_60] : memref<200x512xi32, #tpu.memory_space<vmem>>, vector<8x512xi32>
      %lt3A_62 = arith.cmpi slt, %broadcast_in_dim3A_31, %add3A_58 : vector<8x512xi32>
      %add3A_63 = arith.constant 1 : i32
      %add3A_64 = vector.broadcast %add3A_63 : i32 to vector<8x512xi32>
      %add3A_65 = arith.addi %get3A_61, %add3A_64 : vector<8x512xi32>
      %select_n3A_66 = arith.select %lt3A_62, %add3A_65, %get3A_61 : vector<8x512xi1>, vector<8x512xi32>
      %lt3A_67 = arith.cmpi slt, %broadcast_in_dim3A_34, %add3A_58 : vector<8x512xi32>
      %add3A_68 = arith.constant 1 : i32
      %add3A_69 = vector.broadcast %add3A_68 : i32 to vector<8x512xi32>
      %add3A_70 = arith.addi %select_n3A_66, %add3A_69 : vector<8x512xi32>
      %select_n3A_71 = arith.select %lt3A_67, %add3A_70, %select_n3A_66 : vector<8x512xi1>, vector<8x512xi32>
      %lt3A_72 = arith.cmpi slt, %broadcast_in_dim3A_37, %add3A_58 : vector<8x512xi32>
      %add3A_73 = arith.constant 1 : i32
      %add3A_74 = vector.broadcast %add3A_73 : i32 to vector<8x512xi32>
      %add3A_75 = arith.addi %select_n3A_71, %add3A_74 : vector<8x512xi32>
      %select_n3A_76 = arith.select %lt3A_72, %add3A_75, %select_n3A_71 : vector<8x512xi1>, vector<8x512xi32>
      %lt3A_77 = arith.cmpi slt, %broadcast_in_dim3A_40, %add3A_58 : vector<8x512xi32>
      %add3A_78 = arith.constant 1 : i32
      %add3A_79 = vector.broadcast %add3A_78 : i32 to vector<8x512xi32>
      %add3A_80 = arith.addi %select_n3A_76, %add3A_79 : vector<8x512xi32>
      %select_n3A_81 = arith.select %lt3A_77, %add3A_80, %select_n3A_76 : vector<8x512xi1>, vector<8x512xi32>
      %lt3A_82 = arith.cmpi slt, %broadcast_in_dim3A_43, %add3A_58 : vector<8x512xi32>
      %add3A_83 = arith.constant 1 : i32
      %add3A_84 = vector.broadcast %add3A_83 : i32 to vector<8x512xi32>
      %add3A_85 = arith.addi %select_n3A_81, %add3A_84 : vector<8x512xi32>
      %select_n3A_86 = arith.select %lt3A_82, %add3A_85, %select_n3A_81 : vector<8x512xi1>, vector<8x512xi32>
      %lt3A_87 = arith.cmpi slt, %broadcast_in_dim3A_46, %add3A_58 : vector<8x512xi32>
      %add3A_88 = arith.constant 1 : i32
      %add3A_89 = vector.broadcast %add3A_88 : i32 to vector<8x512xi32>
      %add3A_90 = arith.addi %select_n3A_86, %add3A_89 : vector<8x512xi32>
      %select_n3A_91 = arith.select %lt3A_87, %add3A_90, %select_n3A_86 : vector<8x512xi1>, vector<8x512xi32>
      %lt3A_92 = arith.cmpi slt, %broadcast_in_dim3A_49, %add3A_58 : vector<8x512xi32>
      %add3A_93 = arith.constant 1 : i32
      %add3A_94 = vector.broadcast %add3A_93 : i32 to vector<8x512xi32>
      %add3A_95 = arith.addi %select_n3A_91, %add3A_94 : vector<8x512xi32>
      %select_n3A_96 = arith.select %lt3A_92, %add3A_95, %select_n3A_91 : vector<8x512xi1>, vector<8x512xi32>
      %lt3A_97 = arith.cmpi slt, %broadcast_in_dim3A_52, %add3A_58 : vector<8x512xi32>
      %add3A_98 = arith.constant 1 : i32
      %add3A_99 = vector.broadcast %add3A_98 : i32 to vector<8x512xi32>
      %add3A_100 = arith.addi %select_n3A_96, %add3A_99 : vector<8x512xi32>
      %select_n3A_101 = arith.select %lt3A_97, %add3A_100, %select_n3A_96 : vector<8x512xi1>, vector<8x512xi32>
      %swap3A_102 = arith.constant 0 : index
      %swap3A_103 = arith.constant 0 : index
      %swap3A_104 = vector.load %arg4[%swap3A_102, %swap3A_103] : memref<200x512xi32, #tpu.memory_space<vmem>>, vector<8x512xi32>
      tpu.vector_store %arg4[%swap3A_102, %swap3A_103], %select_n3A_101 {strides = array<i32>} : memref<200x512xi32, #tpu.memory_space<vmem>>, vector<8x512xi32>,
      %get3A_105 = arith.constant 8 : index
      %get3A_106 = arith.constant 0 : index
      %get3A_107 = vector.load %arg3[%get3A_105, %get3A_106] : memref<200x512xi32, #tpu.memory_space<vmem>>, vector<8x512xi32>
      %lt3A_108 = arith.constant 1 : i32
      %lt3A_109 = arith.cmpi slt, %scan3A_25, %lt3A_108 : i32
      %jit3A_110 = arith.constant 1 : i32
      %jit3A_111 = arith.constant 0 : i32
      %select_n3A_112 = arith.select %lt3A_109, %jit3A_110, %jit3A_111 : i32
      %add3A_113 = vector.broadcast %select_n3A_112 : i32 to vector<8x512xi32>
      %add3A_114 = arith.addi %get3A_107, %add3A_113 : vector<8x512xi32>
      %get3A_115 = arith.constant 8 : index
      %get3A_116 = arith.constant 0 : index
      %get3A_117 = vector.load %arg4[%get3A_115, %get3A_116] : memref<200x512xi32, #tpu.memory_space<vmem>>, vector<8x512xi32>
      %lt3A_118 = arith.cmpi slt, %broadcast_in_dim3A_31, %add3A_114 : vector<8x512xi32>
      %add3A_119 = arith.constant 1 : i32
      %add3A_120 = vector.broadcast %add3A_119 : i32 to vector<8x512xi32>
      %add3A_121 = arith.addi %get3A_117, %add3A_120 : vector<8x512xi32>
      %select_n3A_122 = arith.select %lt3A_118, %add3A_121, %get3A_117 : vector<8x512xi1>, vector<8x512xi32>
      %lt3A_123 = arith.cmpi slt, %broadcast_in_dim3A_34, %add3A_114 : vector<8x512xi32>
      %add3A_124 = arith.constant 1 : i32
      %add3A_125 = vector.broadcast %add3A_124 : i32 to vector<8x512xi32>
      %add3A_126 = arith.addi %select_n3A_122, %add3A_125 : vector<8x512xi32>
      %select_n3A_127 = arith.select %lt3A_123, %add3A_126, %select_n3A_122 : vector<8x512xi1>, vector<8x512xi32>
      %lt3A_128 = arith.cmpi slt, %broadcast_in_dim3A_37, %add3A_114 : vector<8x512xi32>
      %add3A_129 = arith.constant 1 : i32
      %add3A_130 = vector.broadcast %add3A_129 : i32 to vector<8x512xi32>
      %add3A_131 = arith.addi %select_n3A_127, %add3A_130 : vector<8x512xi32>
      %select_n3A_132 = arith.select %lt3A_128, %add3A_131, %select_n3A_127 : vector<8x512xi1>, vector<8x512xi32>
      %lt3A_133 = arith.cmpi slt, %broadcast_in_dim3A_40, %add3A_114 : vector<8x512xi32>
      %add3A_134 = arith.constant 1 : i32
      %add3A_135 = vector.broadcast %add3A_134 : i32 to vector<8x512xi32>
      %add3A_136 = arith.addi %select_n3A_132, %add3A_135 : vector<8x512xi32>
      %select_n3A_137 = arith.select %lt3A_133, %add3A_136, %select_n3A_132 : vector<8x512xi1>, vector<8x512xi32>
      %lt3A_138 = arith.cmpi slt, %broadcast_in_dim3A_43, %add3A_114 : vector<8x512xi32>
      %add3A_139 = arith.constant 1 : i32
      %add3A_140 = vector.broadcast %add3A_139 : i32 to vector<8x512xi32>
      %add3A_141 = arith.addi %select_n3A_137, %add3A_140 : vector<8x512xi32>
      %select_n3A_142 = arith.select %lt3A_138, %add3A_141, %select_n3A_137 : vector<8x512xi1>, vector<8x512xi32>
      %lt3A_143 = arith.cmpi slt, %broadcast_in_dim3A_46, %add3A_114 : vector<8x512xi32>
      %add3A_144 = arith.constant 1 : i32
      %add3A_145 = vector.broadcast %add3A_144 : i32 to vector<8x512xi32>
      %add3A_146 = arith.addi %select_n3A_142, %add3A_145 : vector<8x512xi32>
      %select_n3A_147 = arith.select %lt3A_143, %add3A_146, %select_n3A_142 : vector<8x512xi1>, vector<8x512xi32>
      %lt3A_148 = arith.cmpi slt, %broadcast_in_dim3A_49, %add3A_114 : vector<8x512xi32>
      %add3A_149 = arith.constant 1 : i32
      %add3A_150 = vector.broadcast %add3A_149 : i32 to vector<8x512xi32>
      %add3A_151 = arith.addi %select_n3A_147, %add3A_150 : vector<8x512xi32>
      %select_n3A_152 = arith.select %lt3A_148, %add3A_151, %select_n3A_147 : vector<8x512xi1>, vector<8x512xi32>
      %lt3A_153 = arith.cmpi slt, %broadcast_in_dim3A_52, %add3A_114 : vector<8x512xi32>
      %add3A_154 = arith.constant 1 : i32
      %add3A_155 = vector.broadcast %add3A_154 : i32 to vector<8x512xi32>
      %add3A_156 = arith.addi %select_n3A_152, %add3A_155 : vector<8x512xi32>
      %select_n3A_157 = arith.select %lt3A_153, %add3A_156, %select_n3A_152 : vector<8x512xi1>, vector<8x512xi32>
      %swap3A_158 = arith.constant 8 : index
      %swap3A_159 = arith.constant 0 : index
      %swap3A_160 = vector.load %arg4[%swap3A_158, %swap3A_159] : memref<200x512xi32, #tpu.memory_space<vmem>>, vector<8x512xi32>
      tpu.vector_store %arg4[%swap3A_158, %swap3A_159], %select_n3A_157 {strides = array<i32>} : memref<200x512xi32, #tpu.memory_space<vmem>>, vector<8x512xi32>,
      %get3A_161 = arith.constant 16 : index
      %get3A_162 = arith.constant 0 : index
      %get3A_163 = vector.load %arg3[%get3A_161, %get3A_162] : memref<200x512xi32, #tpu.memory_space<vmem>>, vector<8x512xi32>
      %lt3A_164 = arith.constant 2 : i32
      %lt3A_165 = arith.cmpi slt, %scan3A_25, %lt3A_164 : i32
      %jit3A_166 = arith.constant 1 : i32
      %jit3A_167 = arith.constant 0 : i32
      %select_n3A_168 = arith.select %lt3A_165, %jit3A_166, %jit3A_167 : i32
      %add3A_169 = vector.broadcast %select_n3A_168 : i32 to vector<8x512xi32>
      %add3A_170 = arith.addi %get3A_163, %add3A_169 : vector<8x512xi32>
      %get3A_171 = arith.constant 16 : index
      %get3A_172 = arith.constant 0 : index
      %get3A_173 = vector.load %arg4[%get3A_171, %get3A_172] : memref<200x512xi32, #tpu.memory_space<vmem>>, vector<8x512xi32>
      %lt3A_174 = arith.cmpi slt, %broadcast_in_dim3A_31, %add3A_170 : vector<8x512xi32>
      %add3A_175 = arith.constant 1 : i32
      %add3A_176 = vector.broadcast %add3A_175 : i32 to vector<8x512xi32>
      %add3A_177 = arith.addi %get3A_173, %add3A_176 : vector<8x512xi32>
      %select_n3A_178 = arith.select %lt3A_174, %add3A_177, %get3A_173 : vector<8x512xi1>, vector<8x512xi32>
      %lt3A_179 = arith.cmpi slt, %broadcast_in_dim3A_34, %add3A_170 : vector<8x512xi32>
      %add3A_180 = arith.constant 1 : i32
      %add3A_181 = vector.broadcast %add3A_180 : i32 to vector<8x512xi32>
      %add3A_182 = arith.addi %select_n3A_178, %add3A_181 : vector<8x512xi32>
      %select_n3A_183 = arith.select %lt3A_179, %add3A_182, %select_n3A_178 : vector<8x512xi1>, vector<8x512xi32>
      %lt3A_184 = arith.cmpi slt, %broadcast_in_dim3A_37, %add3A_170 : vector<8x512xi32>
      %add3A_185 = arith.constant 1 : i32
      %add3A_186 = vector.broadcast %add3A_185 : i32 to vector<8x512xi32>
      %add3A_187 = arith.addi %select_n3A_183, %add3A_186 : vector<8x512xi32>
      %select_n3A_188 = arith.select %lt3A_184, %add3A_187, %select_n3A_183 : vector<8x512xi1>, vector<8x512xi32>
      %lt3A_189 = arith.cmpi slt, %broadcast_in_dim3A_40, %add3A_170 : vector<8x512xi32>
      %add3A_190 = arith.constant 1 : i32
      %add3A_191 = vector.broadcast %add3A_190 : i32 to vector<8x512xi32>
      %add3A_192 = arith.addi %select_n3A_188, %add3A_191 : vector<8x512xi32>
      %select_n3A_193 = arith.select %lt3A_189, %add3A_192, %select_n3A_188 : vector<8x512xi1>, vector<8x512xi32>
      %lt3A_194 = arith.cmpi slt, %broadcast_in_dim3A_43, %add3A_170 : vector<8x512xi32>
      %add3A_195 = arith.constant 1 : i32
      %add3A_196 = vector.broadcast %add3A_195 : i32 to vector<8x512xi32>
      %add3A_197 = arith.addi %select_n3A_193, %add3A_196 : vector<8x512xi32>
      %select_n3A_198 = arith.select %lt3A_194, %add3A_197, %select_n3A_193 : vector<8x512xi1>, vector<8x512xi32>
      %lt3A_199 = arith.cmpi slt, %broadcast_in_dim3A_46, %add3A_170 : vector<8x512xi32>
      %add3A_200 = arith.constant 1 : i32
      %add3A_201 = vector.broadcast %add3A_200 : i32 to vector<8x512xi32>
      %add3A_202 = arith.addi %select_n3A_198, %add3A_201 : vector<8x512xi32>
      %select_n3A_203 = arith.select %lt3A_199, %add3A_202, %select_n3A_198 : vector<8x512xi1>, vector<8x512xi32>
      %lt3A_204 = arith.cmpi slt, %broadcast_in_dim3A_49, %add3A_170 : vector<8x512xi32>
      %add3A_205 = arith.constant 1 : i32
      %add3A_206 = vector.broadcast %add3A_205 : i32 to vector<8x512xi32>
      %add3A_207 = arith.addi %select_n3A_203, %add3A_206 : vector<8x512xi32>
      %select_n3A_208 = arith.select %lt3A_204, %add3A_207, %select_n3A_203 : vector<8x512xi1>, vector<8x512xi32>
      %lt3A_209 = arith.cmpi slt, %broadcast_in_dim3A_52, %add3A_170 : vector<8x512xi32>
      %add3A_210 = arith.constant 1 : i32
      %add3A_211 = vector.broadcast %add3A_210 : i32 to vector<8x512xi32>
      %add3A_212 = arith.addi %select_n3A_208, %add3A_211 : vector<8x512xi32>
      %select_n3A_213 = arith.select %lt3A_209, %add3A_212, %select_n3A_208 : vector<8x512xi1>, vector<8x512xi32>
      %swap3A_214 = arith.constant 16 : index
      %swap3A_215 = arith.constant 0 : index
      %swap3A_216 = vector.load %arg4[%swap3A_214, %swap3A_215] : memref<200x512xi32, #tpu.memory_space<vmem>>, vector<8x512xi32>
      tpu.vector_store %arg4[%swap3A_214, %swap3A_215], %select_n3A_213 {strides = array<i32>} : memref<200x512xi32, #tpu.memory_space<vmem>>, vector<8x512xi32>,
      %get3A_217 = arith.constant 24 : index
      %get3A_218 = arith.constant 0 : index
      %get3A_219 = vector.load %arg3[%get3A_217, %get3A_218] : memref<200x512xi32, #tpu.memory_space<vmem>>, vector<8x512xi32>
      %lt3A_220 = arith.constant 3 : i32
      %lt3A_221 = arith.cmpi slt, %scan3A_25, %lt3A_220 : i32
      %jit3A_222 = arith.constant 1 : i32
      %jit3A_223 = arith.constant 0 : i32
      %select_n3A_224 = arith.select %lt3A_221, %jit3A_222, %jit3A_223 : i32
      %add3A_225 = vector.broadcast %select_n3A_224 : i32 to vector<8x512xi32>
      %add3A_226 = arith.addi %get3A_219, %add3A_225 : vector<8x512xi32>
      %get3A_227 = arith.constant 24 : index
      %get3A_228 = arith.constant 0 : index
      %get3A_229 = vector.load %arg4[%get3A_227, %get3A_228] : memref<200x512xi32, #tpu.memory_space<vmem>>, vector<8x512xi32>
      %lt3A_230 = arith.cmpi slt, %broadcast_in_dim3A_31, %add3A_226 : vector<8x512xi32>
      %add3A_231 = arith.constant 1 : i32
      %add3A_232 = vector.broadcast %add3A_231 : i32 to vector<8x512xi32>
      %add3A_233 = arith.addi %get3A_229, %add3A_232 : vector<8x512xi32>
      %select_n3A_234 = arith.select %lt3A_230, %add3A_233, %get3A_229 : vector<8x512xi1>, vector<8x512xi32>
      %lt3A_235 = arith.cmpi slt, %broadcast_in_dim3A_34, %add3A_226 : vector<8x512xi32>
      %add3A_236 = arith.constant 1 : i32
      %add3A_237 = vector.broadcast %add3A_236 : i32 to vector<8x512xi32>
      %add3A_238 = arith.addi %select_n3A_234, %add3A_237 : vector<8x512xi32>
      %select_n3A_239 = arith.select %lt3A_235, %add3A_238, %select_n3A_234 : vector<8x512xi1>, vector<8x512xi32>
      %lt3A_240 = arith.cmpi slt, %broadcast_in_dim3A_37, %add3A_226 : vector<8x512xi32>
      %add3A_241 = arith.constant 1 : i32
      %add3A_242 = vector.broadcast %add3A_241 : i32 to vector<8x512xi32>
      %add3A_243 = arith.addi %select_n3A_239, %add3A_242 : vector<8x512xi32>
      %select_n3A_244 = arith.select %lt3A_240, %add3A_243, %select_n3A_239 : vector<8x512xi1>, vector<8x512xi32>
      %lt3A_245 = arith.cmpi slt, %broadcast_in_dim3A_40, %add3A_226 : vector<8x512xi32>
      %add3A_246 = arith.constant 1 : i32
      %add3A_247 = vector.broadcast %add3A_246 : i32 to vector<8x512xi32>
      %add3A_248 = arith.addi %select_n3A_244, %add3A_247 : vector<8x512xi32>
      %select_n3A_249 = arith.select %lt3A_245, %add3A_248, %select_n3A_244 : vector<8x512xi1>, vector<8x512xi32>
      %lt3A_250 = arith.cmpi slt, %broadcast_in_dim3A_43, %add3A_226 : vector<8x512xi32>
      %add3A_251 = arith.constant 1 : i32
      %add3A_252 = vector.broadcast %add3A_251 : i32 to vector<8x512xi32>
      %add3A_253 = arith.addi %select_n3A_249, %add3A_252 : vector<8x512xi32>
      %select_n3A_254 = arith.select %lt3A_250, %add3A_253, %select_n3A_249 : vector<8x512xi1>, vector<8x512xi32>
      %lt3A_255 = arith.cmpi slt, %broadcast_in_dim3A_46, %add3A_226 : vector<8x512xi32>
      %add3A_256 = arith.constant 1 : i32
      %add3A_257 = vector.broadcast %add3A_256 : i32 to vector<8x512xi32>
      %add3A_258 = arith.addi %select_n3A_254, %add3A_257 : vector<8x512xi32>
      %select_n3A_259 = arith.select %lt3A_255, %add3A_258, %select_n3A_254 : vector<8x512xi1>, vector<8x512xi32>
      %lt3A_260 = arith.cmpi slt, %broadcast_in_dim3A_49, %add3A_226 : vector<8x512xi32>
      %add3A_261 = arith.constant 1 : i32
      %add3A_262 = vector.broadcast %add3A_261 : i32 to vector<8x512xi32>
      %add3A_263 = arith.addi %select_n3A_259, %add3A_262 : vector<8x512xi32>
      %select_n3A_264 = arith.select %lt3A_260, %add3A_263, %select_n3A_259 : vector<8x512xi1>, vector<8x512xi32>
      %lt3A_265 = arith.cmpi slt, %broadcast_in_dim3A_52, %add3A_226 : vector<8x512xi32>
      %add3A_266 = arith.constant 1 : i32
      %add3A_267 = vector.broadcast %add3A_266 : i32 to vector<8x512xi32>
      %add3A_268 = arith.addi %select_n3A_264, %add3A_267 : vector<8x512xi32>
      %select_n3A_269 = arith.select %lt3A_265, %add3A_268, %select_n3A_264 : vector<8x512xi1>, vector<8x512xi32>
      %swap3A_270 = arith.constant 24 : index
      %swap3A_271 = arith.constant 0 : index
      %swap3A_272 = vector.load %arg4[%swap3A_270, %swap3A_271] : memref<200x512xi32, #tpu.memory_space<vmem>>, vector<8x512xi32>
      tpu.vector_store %arg4[%swap3A_270, %swap3A_271], %select_n3A_269 {strides = array<i32>} : memref<200x512xi32, #tpu.memory_space<vmem>>, vector<8x512xi32>,
      %get3A_273 = arith.constant 32 : index
      %get3A_274 = arith.constant 0 : index
      %get3A_275 = vector.load %arg3[%get3A_273, %get3A_274] : memref<200x512xi32, #tpu.memory_space<vmem>>, vector<8x512xi32>
      %lt3A_276 = arith.constant 4 : i32
      %lt3A_277 = arith.cmpi slt, %scan3A_25, %lt3A_276 : i32
      %jit3A_278 = arith.constant 1 : i32
      %jit3A_279 = arith.constant 0 : i32
      %select_n3A_280 = arith.select %lt3A_277, %jit3A_278, %jit3A_279 : i32
      %add3A_281 = vector.broadcast %select_n3A_280 : i32 to vector<8x512xi32>
      %add3A_282 = arith.addi %get3A_275, %add3A_281 : vector<8x512xi32>
      %get3A_283 = arith.constant 32 : index
      %get3A_284 = arith.constant 0 : index
      %get3A_285 = vector.load %arg4[%get3A_283, %get3A_284] : memref<200x512xi32, #tpu.memory_space<vmem>>, vector<8x512xi32>
      %lt3A_286 = arith.cmpi slt, %broadcast_in_dim3A_31, %add3A_282 : vector<8x512xi32>
      %add3A_287 = arith.constant 1 : i32
      %add3A_288 = vector.broadcast %add3A_287 : i32 to vector<8x512xi32>
      %add3A_289 = arith.addi %get3A_285, %add3A_288 : vector<8x512xi32>
      %select_n3A_290 = arith.select %lt3A_286, %add3A_289, %get3A_285 : vector<8x512xi1>, vector<8x512xi32>
      %lt3A_291 = arith.cmpi slt, %broadcast_in_dim3A_34, %add3A_282 : vector<8x512xi32>
      %add3A_292 = arith.constant 1 : i32
      %add3A_293 = vector.broadcast %add3A_292 : i32 to vector<8x512xi32>
      %add3A_294 = arith.addi %select_n3A_290, %add3A_293 : vector<8x512xi32>
      %select_n3A_295 = arith.select %lt3A_291, %add3A_294, %select_n3A_290 : vector<8x512xi1>, vector<8x512xi32>
      %lt3A_296 = arith.cmpi slt, %broadcast_in_dim3A_37, %add3A_282 : vector<8x512xi32>
      %add3A_297 = arith.constant 1 : i32
      %add3A_298 = vector.broadcast %add3A_297 : i32 to vector<8x512xi32>
      %add3A_299 = arith.addi %select_n3A_295, %add3A_298 : vector<8x512xi32>
      %select_n3A_300 = arith.select %lt3A_296, %add3A_299, %select_n3A_295 : vector<8x512xi1>, vector<8x512xi32>
      %lt3A_301 = arith.cmpi slt, %broadcast_in_dim3A_40, %add3A_282 : vector<8x512xi32>
      %add3A_302 = arith.constant 1 : i32
      %add3A_303 = vector.broadcast %add3A_302 : i32 to vector<8x512xi32>
      %add3A_304 = arith.addi %select_n3A_300, %add3A_303 : vector<8x512xi32>
      %select_n3A_305 = arith.select %lt3A_301, %add3A_304, %select_n3A_300 : vector<8x512xi1>, vector<8x512xi32>
      %lt3A_306 = arith.cmpi slt, %broadcast_in_dim3A_43, %add3A_282 : vector<8x512xi32>
      %add3A_307 = arith.constant 1 : i32
      %add3A_308 = vector.broadcast %add3A_307 : i32 to vector<8x512xi32>
      %add3A_309 = arith.addi %select_n3A_305, %add3A_308 : vector<8x512xi32>
      %select_n3A_310 = arith.select %lt3A_306, %add3A_309, %select_n3A_305 : vector<8x512xi1>, vector<8x512xi32>
      %lt3A_311 = arith.cmpi slt, %broadcast_in_dim3A_46, %add3A_282 : vector<8x512xi32>
      %add3A_312 = arith.constant 1 : i32
      %add3A_313 = vector.broadcast %add3A_312 : i32 to vector<8x512xi32>
      %add3A_314 = arith.addi %select_n3A_310, %add3A_313 : vector<8x512xi32>
      %select_n3A_315 = arith.select %lt3A_311, %add3A_314, %select_n3A_310 : vector<8x512xi1>, vector<8x512xi32>
      %lt3A_316 = arith.cmpi slt, %broadcast_in_dim3A_49, %add3A_282 : vector<8x512xi32>
      %add3A_317 = arith.constant 1 : i32
      %add3A_318 = vector.broadcast %add3A_317 : i32 to vector<8x512xi32>
      %add3A_319 = arith.addi %select_n3A_315, %add3A_318 : vector<8x512xi32>
      %select_n3A_320 = arith.select %lt3A_316, %add3A_319, %select_n3A_315 : vector<8x512xi1>, vector<8x512xi32>
      %lt3A_321 = arith.cmpi slt, %broadcast_in_dim3A_52, %add3A_282 : vector<8x512xi32>
      %add3A_322 = arith.constant 1 : i32
      %add3A_323 = vector.broadcast %add3A_322 : i32 to vector<8x512xi32>
      %add3A_324 = arith.addi %select_n3A_320, %add3A_323 : vector<8x512xi32>
      %select_n3A_325 = arith.select %lt3A_321, %add3A_324, %select_n3A_320 : vector<8x512xi1>, vector<8x512xi32>
      %swap3A_326 = arith.constant 32 : index
      %swap3A_327 = arith.constant 0 : index
      %swap3A_328 = vector.load %arg4[%swap3A_326, %swap3A_327] : memref<200x512xi32, #tpu.memory_space<vmem>>, vector<8x512xi32>
      tpu.vector_store %arg4[%swap3A_326, %swap3A_327], %select_n3A_325 {strides = array<i32>} : memref<200x512xi32, #tpu.memory_space<vmem>>, vector<8x512xi32>,
      %get3A_329 = arith.constant 40 : index
      %get3A_330 = arith.constant 0 : index
      %get3A_331 = vector.load %arg3[%get3A_329, %get3A_330] : memref<200x512xi32, #tpu.memory_space<vmem>>, vector<8x512xi32>
      %lt3A_332 = arith.constant 5 : i32
      %lt3A_333 = arith.cmpi slt, %scan3A_25, %lt3A_332 : i32
      %jit3A_334 = arith.constant 1 : i32
      %jit3A_335 = arith.constant 0 : i32
      %select_n3A_336 = arith.select %lt3A_333, %jit3A_334, %jit3A_335 : i32
      %add3A_337 = vector.broadcast %select_n3A_336 : i32 to vector<8x512xi32>
      %add3A_338 = arith.addi %get3A_331, %add3A_337 : vector<8x512xi32>
      %get3A_339 = arith.constant 40 : index
      %get3A_340 = arith.constant 0 : index
      %get3A_341 = vector.load %arg4[%get3A_339, %get3A_340] : memref<200x512xi32, #tpu.memory_space<vmem>>, vector<8x512xi32>
      %lt3A_342 = arith.cmpi slt, %broadcast_in_dim3A_31, %add3A_338 : vector<8x512xi32>
      %add3A_343 = arith.constant 1 : i32
      %add3A_344 = vector.broadcast %add3A_343 : i32 to vector<8x512xi32>
      %add3A_345 = arith.addi %get3A_341, %add3A_344 : vector<8x512xi32>
      %select_n3A_346 = arith.select %lt3A_342, %add3A_345, %get3A_341 : vector<8x512xi1>, vector<8x512xi32>
      %lt3A_347 = arith.cmpi slt, %broadcast_in_dim3A_34, %add3A_338 : vector<8x512xi32>
      %add3A_348 = arith.constant 1 : i32
      %add3A_349 = vector.broadcast %add3A_348 : i32 to vector<8x512xi32>
      %add3A_350 = arith.addi %select_n3A_346, %add3A_349 : vector<8x512xi32>
      %select_n3A_351 = arith.select %lt3A_347, %add3A_350, %select_n3A_346 : vector<8x512xi1>, vector<8x512xi32>
      %lt3A_352 = arith.cmpi slt, %broadcast_in_dim3A_37, %add3A_338 : vector<8x512xi32>
      %add3A_353 = arith.constant 1 : i32
      %add3A_354 = vector.broadcast %add3A_353 : i32 to vector<8x512xi32>
      %add3A_355 = arith.addi %select_n3A_351, %add3A_354 : vector<8x512xi32>
      %select_n3A_356 = arith.select %lt3A_352, %add3A_355, %select_n3A_351 : vector<8x512xi1>, vector<8x512xi32>
      %lt3A_357 = arith.cmpi slt, %broadcast_in_dim3A_40, %add3A_338 : vector<8x512xi32>
      %add3A_358 = arith.constant 1 : i32
      %add3A_359 = vector.broadcast %add3A_358 : i32 to vector<8x512xi32>
      %add3A_360 = arith.addi %select_n3A_356, %add3A_359 : vector<8x512xi32>
      %select_n3A_361 = arith.select %lt3A_357, %add3A_360, %select_n3A_356 : vector<8x512xi1>, vector<8x512xi32>
      %lt3A_362 = arith.cmpi slt, %broadcast_in_dim3A_43, %add3A_338 : vector<8x512xi32>
      %add3A_363 = arith.constant 1 : i32
      %add3A_364 = vector.broadcast %add3A_363 : i32 to vector<8x512xi32>
      %add3A_365 = arith.addi %select_n3A_361, %add3A_364 : vector<8x512xi32>
      %select_n3A_366 = arith.select %lt3A_362, %add3A_365, %select_n3A_361 : vector<8x512xi1>, vector<8x512xi32>
      %lt3A_367 = arith.cmpi slt, %broadcast_in_dim3A_46, %add3A_338 : vector<8x512xi32>
      %add3A_368 = arith.constant 1 : i32
      %add3A_369 = vector.broadcast %add3A_368 : i32 to vector<8x512xi32>
      %add3A_370 = arith.addi %select_n3A_366, %add3A_369 : vector<8x512xi32>
      %select_n3A_371 = arith.select %lt3A_367, %add3A_370, %select_n3A_366 : vector<8x512xi1>, vector<8x512xi32>
      %lt3A_372 = arith.cmpi slt, %broadcast_in_dim3A_49, %add3A_338 : vector<8x512xi32>
      %add3A_373 = arith.constant 1 : i32
      %add3A_374 = vector.broadcast %add3A_373 : i32 to vector<8x512xi32>
      %add3A_375 = arith.addi %select_n3A_371, %add3A_374 : vector<8x512xi32>
      %select_n3A_376 = arith.select %lt3A_372, %add3A_375, %select_n3A_371 : vector<8x512xi1>, vector<8x512xi32>
      %lt3A_377 = arith.cmpi slt, %broadcast_in_dim3A_52, %add3A_338 : vector<8x512xi32>
      %add3A_378 = arith.constant 1 : i32
      %add3A_379 = vector.broadcast %add3A_378 : i32 to vector<8x512xi32>
      %add3A_380 = arith.addi %select_n3A_376, %add3A_379 : vector<8x512xi32>
      %select_n3A_381 = arith.select %lt3A_377, %add3A_380, %select_n3A_376 : vector<8x512xi1>, vector<8x512xi32>
      %swap3A_382 = arith.constant 40 : index
      %swap3A_383 = arith.constant 0 : index
      %swap3A_384 = vector.load %arg4[%swap3A_382, %swap3A_383] : memref<200x512xi32, #tpu.memory_space<vmem>>, vector<8x512xi32>
      tpu.vector_store %arg4[%swap3A_382, %swap3A_383], %select_n3A_381 {strides = array<i32>} : memref<200x512xi32, #tpu.memory_space<vmem>>, vector<8x512xi32>,
      %get3A_385 = arith.constant 48 : index
      %get3A_386 = arith.constant 0 : index
      %get3A_387 = vector.load %arg3[%get3A_385, %get3A_386] : memref<200x512xi32, #tpu.memory_space<vmem>>, vector<8x512xi32>
      %lt3A_388 = arith.constant 6 : i32
      %lt3A_389 = arith.cmpi slt, %scan3A_25, %lt3A_388 : i32
      %jit3A_390 = arith.constant 1 : i32
      %jit3A_391 = arith.constant 0 : i32
      %select_n3A_392 = arith.select %lt3A_389, %jit3A_390, %jit3A_391 : i32
      %add3A_393 = vector.broadcast %select_n3A_392 : i32 to vector<8x512xi32>
      %add3A_394 = arith.addi %get3A_387, %add3A_393 : vector<8x512xi32>
      %get3A_395 = arith.constant 48 : index
      %get3A_396 = arith.constant 0 : index
      %get3A_397 = vector.load %arg4[%get3A_395, %get3A_396] : memref<200x512xi32, #tpu.memory_space<vmem>>, vector<8x512xi32>
      %lt3A_398 = arith.cmpi slt, %broadcast_in_dim3A_31, %add3A_394 : vector<8x512xi32>
      %add3A_399 = arith.constant 1 : i32
      %add3A_400 = vector.broadcast %add3A_399 : i32 to vector<8x512xi32>
      %add3A_401 = arith.addi %get3A_397, %add3A_400 : vector<8x512xi32>
      %select_n3A_402 = arith.select %lt3A_398, %add3A_401, %get3A_397 : vector<8x512xi1>, vector<8x512xi32>
      %lt3A_403 = arith.cmpi slt, %broadcast_in_dim3A_34, %add3A_394 : vector<8x512xi32>
      %add3A_404 = arith.constant 1 : i32
      %add3A_405 = vector.broadcast %add3A_404 : i32 to vector<8x512xi32>
      %add3A_406 = arith.addi %select_n3A_402, %add3A_405 : vector<8x512xi32>
      %select_n3A_407 = arith.select %lt3A_403, %add3A_406, %select_n3A_402 : vector<8x512xi1>, vector<8x512xi32>
      %lt3A_408 = arith.cmpi slt, %broadcast_in_dim3A_37, %add3A_394 : vector<8x512xi32>
      %add3A_409 = arith.constant 1 : i32
      %add3A_410 = vector.broadcast %add3A_409 : i32 to vector<8x512xi32>
      %add3A_411 = arith.addi %select_n3A_407, %add3A_410 : vector<8x512xi32>
      %select_n3A_412 = arith.select %lt3A_408, %add3A_411, %select_n3A_407 : vector<8x512xi1>, vector<8x512xi32>
      %lt3A_413 = arith.cmpi slt, %broadcast_in_dim3A_40, %add3A_394 : vector<8x512xi32>
      %add3A_414 = arith.constant 1 : i32
      %add3A_415 = vector.broadcast %add3A_414 : i32 to vector<8x512xi32>
      %add3A_416 = arith.addi %select_n3A_412, %add3A_415 : vector<8x512xi32>
      %select_n3A_417 = arith.select %lt3A_413, %add3A_416, %select_n3A_412 : vector<8x512xi1>, vector<8x512xi32>
      %lt3A_418 = arith.cmpi slt, %broadcast_in_dim3A_43, %add3A_394 : vector<8x512xi32>
      %add3A_419 = arith.constant 1 : i32
      %add3A_420 = vector.broadcast %add3A_419 : i32 to vector<8x512xi32>
      %add3A_421 = arith.addi %select_n3A_417, %add3A_420 : vector<8x512xi32>
      %select_n3A_422 = arith.select %lt3A_418, %add3A_421, %select_n3A_417 : vector<8x512xi1>, vector<8x512xi32>
      %lt3A_423 = arith.cmpi slt, %broadcast_in_dim3A_46, %add3A_394 : vector<8x512xi32>
      %add3A_424 = arith.constant 1 : i32
      %add3A_425 = vector.broadcast %add3A_424 : i32 to vector<8x512xi32>
      %add3A_426 = arith.addi %select_n3A_422, %add3A_425 : vector<8x512xi32>
      %select_n3A_427 = arith.select %lt3A_423, %add3A_426, %select_n3A_422 : vector<8x512xi1>, vector<8x512xi32>
      %lt3A_428 = arith.cmpi slt, %broadcast_in_dim3A_49, %add3A_394 : vector<8x512xi32>
      %add3A_429 = arith.constant 1 : i32
      %add3A_430 = vector.broadcast %add3A_429 : i32 to vector<8x512xi32>
      %add3A_431 = arith.addi %select_n3A_427, %add3A_430 : vector<8x512xi32>
      %select_n3A_432 = arith.select %lt3A_428, %add3A_431, %select_n3A_427 : vector<8x512xi1>, vector<8x512xi32>
      %lt3A_433 = arith.cmpi slt, %broadcast_in_dim3A_52, %add3A_394 : vector<8x512xi32>
      %add3A_434 = arith.constant 1 : i32
      %add3A_435 = vector.broadcast %add3A_434 : i32 to vector<8x512xi32>
      %add3A_436 = arith.addi %select_n3A_432, %add3A_435 : vector<8x512xi32>
      %select_n3A_437 = arith.select %lt3A_433, %add3A_436, %select_n3A_432 : vector<8x512xi1>, vector<8x512xi32>
      %swap3A_438 = arith.constant 48 : index
      %swap3A_439 = arith.constant 0 : index
      %swap3A_440 = vector.load %arg4[%swap3A_438, %swap3A_439] : memref<200x512xi32, #tpu.memory_space<vmem>>, vector<8x512xi32>
      tpu.vector_store %arg4[%swap3A_438, %swap3A_439], %select_n3A_437 {strides = array<i32>} : memref<200x512xi32, #tpu.memory_space<vmem>>, vector<8x512xi32>,
      %get3A_441 = arith.constant 56 : index
      %get3A_442 = arith.constant 0 : index
      %get3A_443 = vector.load %arg3[%get3A_441, %get3A_442] : memref<200x512xi32, #tpu.memory_space<vmem>>, vector<8x512xi32>
      %lt3A_444 = arith.constant 7 : i32
      %lt3A_445 = arith.cmpi slt, %scan3A_25, %lt3A_444 : i32
      %jit3A_446 = arith.constant 1 : i32
      %jit3A_447 = arith.constant 0 : i32
      %select_n3A_448 = arith.select %lt3A_445, %jit3A_446, %jit3A_447 : i32
      %add3A_449 = vector.broadcast %select_n3A_448 : i32 to vector<8x512xi32>
      %add3A_450 = arith.addi %get3A_443, %add3A_449 : vector<8x512xi32>
      %get3A_451 = arith.constant 56 : index
      %get3A_452 = arith.constant 0 : index
      %get3A_453 = vector.load %arg4[%get3A_451, %get3A_452] : memref<200x512xi32, #tpu.memory_space<vmem>>, vector<8x512xi32>
      %lt3A_454 = arith.cmpi slt, %broadcast_in_dim3A_31, %add3A_450 : vector<8x512xi32>
      %add3A_455 = arith.constant 1 : i32
      %add3A_456 = vector.broadcast %add3A_455 : i32 to vector<8x512xi32>
      %add3A_457 = arith.addi %get3A_453, %add3A_456 : vector<8x512xi32>
      %select_n3A_458 = arith.select %lt3A_454, %add3A_457, %get3A_453 : vector<8x512xi1>, vector<8x512xi32>
      %lt3A_459 = arith.cmpi slt, %broadcast_in_dim3A_34, %add3A_450 : vector<8x512xi32>
      %add3A_460 = arith.constant 1 : i32
      %add3A_461 = vector.broadcast %add3A_460 : i32 to vector<8x512xi32>
      %add3A_462 = arith.addi %select_n3A_458, %add3A_461 : vector<8x512xi32>
      %select_n3A_463 = arith.select %lt3A_459, %add3A_462, %select_n3A_458 : vector<8x512xi1>, vector<8x512xi32>
      %lt3A_464 = arith.cmpi slt, %broadcast_in_dim3A_37, %add3A_450 : vector<8x512xi32>
      %add3A_465 = arith.constant 1 : i32
      %add3A_466 = vector.broadcast %add3A_465 : i32 to vector<8x512xi32>
      %add3A_467 = arith.addi %select_n3A_463, %add3A_466 : vector<8x512xi32>
      %select_n3A_468 = arith.select %lt3A_464, %add3A_467, %select_n3A_463 : vector<8x512xi1>, vector<8x512xi32>
      %lt3A_469 = arith.cmpi slt, %broadcast_in_dim3A_40, %add3A_450 : vector<8x512xi32>
      %add3A_470 = arith.constant 1 : i32
      %add3A_471 = vector.broadcast %add3A_470 : i32 to vector<8x512xi32>
      %add3A_472 = arith.addi %select_n3A_468, %add3A_471 : vector<8x512xi32>
      %select_n3A_473 = arith.select %lt3A_469, %add3A_472, %select_n3A_468 : vector<8x512xi1>, vector<8x512xi32>
      %lt3A_474 = arith.cmpi slt, %broadcast_in_dim3A_43, %add3A_450 : vector<8x512xi32>
      %add3A_475 = arith.constant 1 : i32
      %add3A_476 = vector.broadcast %add3A_475 : i32 to vector<8x512xi32>
      %add3A_477 = arith.addi %select_n3A_473, %add3A_476 : vector<8x512xi32>
      %select_n3A_478 = arith.select %lt3A_474, %add3A_477, %select_n3A_473 : vector<8x512xi1>, vector<8x512xi32>
      %lt3A_479 = arith.cmpi slt, %broadcast_in_dim3A_46, %add3A_450 : vector<8x512xi32>
      %add3A_480 = arith.constant 1 : i32
      %add3A_481 = vector.broadcast %add3A_480 : i32 to vector<8x512xi32>
      %add3A_482 = arith.addi %select_n3A_478, %add3A_481 : vector<8x512xi32>
      %select_n3A_483 = arith.select %lt3A_479, %add3A_482, %select_n3A_478 : vector<8x512xi1>, vector<8x512xi32>
      %lt3A_484 = arith.cmpi slt, %broadcast_in_dim3A_49, %add3A_450 : vector<8x512xi32>
      %add3A_485 = arith.constant 1 : i32
      %add3A_486 = vector.broadcast %add3A_485 : i32 to vector<8x512xi32>
      %add3A_487 = arith.addi %select_n3A_483, %add3A_486 : vector<8x512xi32>
      %select_n3A_488 = arith.select %lt3A_484, %add3A_487, %select_n3A_483 : vector<8x512xi1>, vector<8x512xi32>
      %lt3A_489 = arith.cmpi slt, %broadcast_in_dim3A_52, %add3A_450 : vector<8x512xi32>
      %add3A_490 = arith.constant 1 : i32
      %add3A_491 = vector.broadcast %add3A_490 : i32 to vector<8x512xi32>
      %add3A_492 = arith.addi %select_n3A_488, %add3A_491 : vector<8x512xi32>
      %select_n3A_493 = arith.select %lt3A_489, %add3A_492, %select_n3A_488 : vector<8x512xi1>, vector<8x512xi32>
      %swap3A_494 = arith.constant 56 : index
      %swap3A_495 = arith.constant 0 : index
      %swap3A_496 = vector.load %arg4[%swap3A_494, %swap3A_495] : memref<200x512xi32, #tpu.memory_space<vmem>>, vector<8x512xi32>
      tpu.vector_store %arg4[%swap3A_494, %swap3A_495], %select_n3A_493 {strides = array<i32>} : memref<200x512xi32, #tpu.memory_space<vmem>>, vector<8x512xi32>,
      %get3A_497 = arith.constant 64 : index
      %get3A_498 = arith.constant 0 : index
      %get3A_499 = vector.load %arg3[%get3A_497, %get3A_498] : memref<200x512xi32, #tpu.memory_space<vmem>>, vector<8x512xi32>
      %lt3A_500 = arith.constant 8 : i32
      %lt3A_501 = arith.cmpi slt, %scan3A_25, %lt3A_500 : i32
      %jit3A_502 = arith.constant 1 : i32
      %jit3A_503 = arith.constant 0 : i32
      %select_n3A_504 = arith.select %lt3A_501, %jit3A_502, %jit3A_503 : i32
      %add3A_505 = vector.broadcast %select_n3A_504 : i32 to vector<8x512xi32>
      %add3A_506 = arith.addi %get3A_499, %add3A_505 : vector<8x512xi32>
      %get3A_507 = arith.constant 64 : index
      %get3A_508 = arith.constant 0 : index
      %get3A_509 = vector.load %arg4[%get3A_507, %get3A_508] : memref<200x512xi32, #tpu.memory_space<vmem>>, vector<8x512xi32>
      %lt3A_510 = arith.cmpi slt, %broadcast_in_dim3A_31, %add3A_506 : vector<8x512xi32>
      %add3A_511 = arith.constant 1 : i32
      %add3A_512 = vector.broadcast %add3A_511 : i32 to vector<8x512xi32>
      %add3A_513 = arith.addi %get3A_509, %add3A_512 : vector<8x512xi32>
      %select_n3A_514 = arith.select %lt3A_510, %add3A_513, %get3A_509 : vector<8x512xi1>, vector<8x512xi32>
      %lt3A_515 = arith.cmpi slt, %broadcast_in_dim3A_34, %add3A_506 : vector<8x512xi32>
      %add3A_516 = arith.constant 1 : i32
      %add3A_517 = vector.broadcast %add3A_516 : i32 to vector<8x512xi32>
      %add3A_518 = arith.addi %select_n3A_514, %add3A_517 : vector<8x512xi32>
      %select_n3A_519 = arith.select %lt3A_515, %add3A_518, %select_n3A_514 : vector<8x512xi1>, vector<8x512xi32>
      %lt3A_520 = arith.cmpi slt, %broadcast_in_dim3A_37, %add3A_506 : vector<8x512xi32>
      %add3A_521 = arith.constant 1 : i32
      %add3A_522 = vector.broadcast %add3A_521 : i32 to vector<8x512xi32>
      %add3A_523 = arith.addi %select_n3A_519, %add3A_522 : vector<8x512xi32>
      %select_n3A_524 = arith.select %lt3A_520, %add3A_523, %select_n3A_519 : vector<8x512xi1>, vector<8x512xi32>
      %lt3A_525 = arith.cmpi slt, %broadcast_in_dim3A_40, %add3A_506 : vector<8x512xi32>
      %add3A_526 = arith.constant 1 : i32
      %add3A_527 = vector.broadcast %add3A_526 : i32 to vector<8x512xi32>
      %add3A_528 = arith.addi %select_n3A_524, %add3A_527 : vector<8x512xi32>
      %select_n3A_529 = arith.select %lt3A_525, %add3A_528, %select_n3A_524 : vector<8x512xi1>, vector<8x512xi32>
      %lt3A_530 = arith.cmpi slt, %broadcast_in_dim3A_43, %add3A_506 : vector<8x512xi32>
      %add3A_531 = arith.constant 1 : i32
      %add3A_532 = vector.broadcast %add3A_531 : i32 to vector<8x512xi32>
      %add3A_533 = arith.addi %select_n3A_529, %add3A_532 : vector<8x512xi32>
      %select_n3A_534 = arith.select %lt3A_530, %add3A_533, %select_n3A_529 : vector<8x512xi1>, vector<8x512xi32>
      %lt3A_535 = arith.cmpi slt, %broadcast_in_dim3A_46, %add3A_506 : vector<8x512xi32>
      %add3A_536 = arith.constant 1 : i32
      %add3A_537 = vector.broadcast %add3A_536 : i32 to vector<8x512xi32>
      %add3A_538 = arith.addi %select_n3A_534, %add3A_537 : vector<8x512xi32>
      %select_n3A_539 = arith.select %lt3A_535, %add3A_538, %select_n3A_534 : vector<8x512xi1>, vector<8x512xi32>
      %lt3A_540 = arith.cmpi slt, %broadcast_in_dim3A_49, %add3A_506 : vector<8x512xi32>
      %add3A_541 = arith.constant 1 : i32
      %add3A_542 = vector.broadcast %add3A_541 : i32 to vector<8x512xi32>
      %add3A_543 = arith.addi %select_n3A_539, %add3A_542 : vector<8x512xi32>
      %select_n3A_544 = arith.select %lt3A_540, %add3A_543, %select_n3A_539 : vector<8x512xi1>, vector<8x512xi32>
      %lt3A_545 = arith.cmpi slt, %broadcast_in_dim3A_52, %add3A_506 : vector<8x512xi32>
      %add3A_546 = arith.constant 1 : i32
      %add3A_547 = vector.broadcast %add3A_546 : i32 to vector<8x512xi32>
      %add3A_548 = arith.addi %select_n3A_544, %add3A_547 : vector<8x512xi32>
      %select_n3A_549 = arith.select %lt3A_545, %add3A_548, %select_n3A_544 : vector<8x512xi1>, vector<8x512xi32>
      %swap3A_550 = arith.constant 64 : index
      %swap3A_551 = arith.constant 0 : index
      %swap3A_552 = vector.load %arg4[%swap3A_550, %swap3A_551] : memref<200x512xi32, #tpu.memory_space<vmem>>, vector<8x512xi32>
      tpu.vector_store %arg4[%swap3A_550, %swap3A_551], %select_n3A_549 {strides = array<i32>} : memref<200x512xi32, #tpu.memory_space<vmem>>, vector<8x512xi32>,
      %get3A_553 = arith.constant 72 : index
      %get3A_554 = arith.constant 0 : index
      %get3A_555 = vector.load %arg3[%get3A_553, %get3A_554] : memref<200x512xi32, #tpu.memory_space<vmem>>, vector<8x512xi32>
      %lt3A_556 = arith.constant 9 : i32
      %lt3A_557 = arith.cmpi slt, %scan3A_25, %lt3A_556 : i32
      %jit3A_558 = arith.constant 1 : i32
      %jit3A_559 = arith.constant 0 : i32
      %select_n3A_560 = arith.select %lt3A_557, %jit3A_558, %jit3A_559 : i32
      %add3A_561 = vector.broadcast %select_n3A_560 : i32 to vector<8x512xi32>
      %add3A_562 = arith.addi %get3A_555, %add3A_561 : vector<8x512xi32>
      %get3A_563 = arith.constant 72 : index
      %get3A_564 = arith.constant 0 : index
      %get3A_565 = vector.load %arg4[%get3A_563, %get3A_564] : memref<200x512xi32, #tpu.memory_space<vmem>>, vector<8x512xi32>
      %lt3A_566 = arith.cmpi slt, %broadcast_in_dim3A_31, %add3A_562 : vector<8x512xi32>
      %add3A_567 = arith.constant 1 : i32
      %add3A_568 = vector.broadcast %add3A_567 : i32 to vector<8x512xi32>
      %add3A_569 = arith.addi %get3A_565, %add3A_568 : vector<8x512xi32>
      %select_n3A_570 = arith.select %lt3A_566, %add3A_569, %get3A_565 : vector<8x512xi1>, vector<8x512xi32>
      %lt3A_571 = arith.cmpi slt, %broadcast_in_dim3A_34, %add3A_562 : vector<8x512xi32>
      %add3A_572 = arith.constant 1 : i32
      %add3A_573 = vector.broadcast %add3A_572 : i32 to vector<8x512xi32>
      %add3A_574 = arith.addi %select_n3A_570, %add3A_573 : vector<8x512xi32>
      %select_n3A_575 = arith.select %lt3A_571, %add3A_574, %select_n3A_570 : vector<8x512xi1>, vector<8x512xi32>
      %lt3A_576 = arith.cmpi slt, %broadcast_in_dim3A_37, %add3A_562 : vector<8x512xi32>
      %add3A_577 = arith.constant 1 : i32
      %add3A_578 = vector.broadcast %add3A_577 : i32 to vector<8x512xi32>
      %add3A_579 = arith.addi %select_n3A_575, %add3A_578 : vector<8x512xi32>
      %select_n3A_580 = arith.select %lt3A_576, %add3A_579, %select_n3A_575 : vector<8x512xi1>, vector<8x512xi32>
      %lt3A_581 = arith.cmpi slt, %broadcast_in_dim3A_40, %add3A_562 : vector<8x512xi32>
      %add3A_582 = arith.constant 1 : i32
      %add3A_583 = vector.broadcast %add3A_582 : i32 to vector<8x512xi32>
      %add3A_584 = arith.addi %select_n3A_580, %add3A_583 : vector<8x512xi32>
      %select_n3A_585 = arith.select %lt3A_581, %add3A_584, %select_n3A_580 : vector<8x512xi1>, vector<8x512xi32>
      %lt3A_586 = arith.cmpi slt, %broadcast_in_dim3A_43, %add3A_562 : vector<8x512xi32>
      %add3A_587 = arith.constant 1 : i32
      %add3A_588 = vector.broadcast %add3A_587 : i32 to vector<8x512xi32>
      %add3A_589 = arith.addi %select_n3A_585, %add3A_588 : vector<8x512xi32>
      %select_n3A_590 = arith.select %lt3A_586, %add3A_589, %select_n3A_585 : vector<8x512xi1>, vector<8x512xi32>
      %lt3A_591 = arith.cmpi slt, %broadcast_in_dim3A_46, %add3A_562 : vector<8x512xi32>
      %add3A_592 = arith.constant 1 : i32
      %add3A_593 = vector.broadcast %add3A_592 : i32 to vector<8x512xi32>
      %add3A_594 = arith.addi %select_n3A_590, %add3A_593 : vector<8x512xi32>
      %select_n3A_595 = arith.select %lt3A_591, %add3A_594, %select_n3A_590 : vector<8x512xi1>, vector<8x512xi32>
      %lt3A_596 = arith.cmpi slt, %broadcast_in_dim3A_49, %add3A_562 : vector<8x512xi32>
      %add3A_597 = arith.constant 1 : i32
      %add3A_598 = vector.broadcast %add3A_597 : i32 to vector<8x512xi32>
      %add3A_599 = arith.addi %select_n3A_595, %add3A_598 : vector<8x512xi32>
      %select_n3A_600 = arith.select %lt3A_596, %add3A_599, %select_n3A_595 : vector<8x512xi1>, vector<8x512xi32>
      %lt3A_601 = arith.cmpi slt, %broadcast_in_dim3A_52, %add3A_562 : vector<8x512xi32>
      %add3A_602 = arith.constant 1 : i32
      %add3A_603 = vector.broadcast %add3A_602 : i32 to vector<8x512xi32>
      %add3A_604 = arith.addi %select_n3A_600, %add3A_603 : vector<8x512xi32>
      %select_n3A_605 = arith.select %lt3A_601, %add3A_604, %select_n3A_600 : vector<8x512xi1>, vector<8x512xi32>
      %swap3A_606 = arith.constant 72 : index
      %swap3A_607 = arith.constant 0 : index
      %swap3A_608 = vector.load %arg4[%swap3A_606, %swap3A_607] : memref<200x512xi32, #tpu.memory_space<vmem>>, vector<8x512xi32>
      tpu.vector_store %arg4[%swap3A_606, %swap3A_607], %select_n3A_605 {strides = array<i32>} : memref<200x512xi32, #tpu.memory_space<vmem>>, vector<8x512xi32>,
      %get3A_609 = arith.constant 80 : index
      %get3A_610 = arith.constant 0 : index
      %get3A_611 = vector.load %arg3[%get3A_609, %get3A_610] : memref<200x512xi32, #tpu.memory_space<vmem>>, vector<8x512xi32>
      %lt3A_612 = arith.constant 10 : i32
      %lt3A_613 = arith.cmpi slt, %scan3A_25, %lt3A_612 : i32
      %jit3A_614 = arith.constant 1 : i32
      %jit3A_615 = arith.constant 0 : i32
      %select_n3A_616 = arith.select %lt3A_613, %jit3A_614, %jit3A_615 : i32
      %add3A_617 = vector.broadcast %select_n3A_616 : i32 to vector<8x512xi32>
      %add3A_618 = arith.addi %get3A_611, %add3A_617 : vector<8x512xi32>
      %get3A_619 = arith.constant 80 : index
      %get3A_620 = arith.constant 0 : index
      %get3A_621 = vector.load %arg4[%get3A_619, %get3A_620] : memref<200x512xi32, #tpu.memory_space<vmem>>, vector<8x512xi32>
      %lt3A_622 = arith.cmpi slt, %broadcast_in_dim3A_31, %add3A_618 : vector<8x512xi32>
      %add3A_623 = arith.constant 1 : i32
      %add3A_624 = vector.broadcast %add3A_623 : i32 to vector<8x512xi32>
      %add3A_625 = arith.addi %get3A_621, %add3A_624 : vector<8x512xi32>
      %select_n3A_626 = arith.select %lt3A_622, %add3A_625, %get3A_621 : vector<8x512xi1>, vector<8x512xi32>
      %lt3A_627 = arith.cmpi slt, %broadcast_in_dim3A_34, %add3A_618 : vector<8x512xi32>
      %add3A_628 = arith.constant 1 : i32
      %add3A_629 = vector.broadcast %add3A_628 : i32 to vector<8x512xi32>
      %add3A_630 = arith.addi %select_n3A_626, %add3A_629 : vector<8x512xi32>
      %select_n3A_631 = arith.select %lt3A_627, %add3A_630, %select_n3A_626 : vector<8x512xi1>, vector<8x512xi32>
      %lt3A_632 = arith.cmpi slt, %broadcast_in_dim3A_37, %add3A_618 : vector<8x512xi32>
      %add3A_633 = arith.constant 1 : i32
      %add3A_634 = vector.broadcast %add3A_633 : i32 to vector<8x512xi32>
      %add3A_635 = arith.addi %select_n3A_631, %add3A_634 : vector<8x512xi32>
      %select_n3A_636 = arith.select %lt3A_632, %add3A_635, %select_n3A_631 : vector<8x512xi1>, vector<8x512xi32>
      %lt3A_637 = arith.cmpi slt, %broadcast_in_dim3A_40, %add3A_618 : vector<8x512xi32>
      %add3A_638 = arith.constant 1 : i32
      %add3A_639 = vector.broadcast %add3A_638 : i32 to vector<8x512xi32>
      %add3A_640 = arith.addi %select_n3A_636, %add3A_639 : vector<8x512xi32>
      %select_n3A_641 = arith.select %lt3A_637, %add3A_640, %select_n3A_636 : vector<8x512xi1>, vector<8x512xi32>
      %lt3A_642 = arith.cmpi slt, %broadcast_in_dim3A_43, %add3A_618 : vector<8x512xi32>
      %add3A_643 = arith.constant 1 : i32
      %add3A_644 = vector.broadcast %add3A_643 : i32 to vector<8x512xi32>
      %add3A_645 = arith.addi %select_n3A_641, %add3A_644 : vector<8x512xi32>
      %select_n3A_646 = arith.select %lt3A_642, %add3A_645, %select_n3A_641 : vector<8x512xi1>, vector<8x512xi32>
      %lt3A_647 = arith.cmpi slt, %broadcast_in_dim3A_46, %add3A_618 : vector<8x512xi32>
      %add3A_648 = arith.constant 1 : i32
      %add3A_649 = vector.broadcast %add3A_648 : i32 to vector<8x512xi32>
      %add3A_650 = arith.addi %select_n3A_646, %add3A_649 : vector<8x512xi32>
      %select_n3A_651 = arith.select %lt3A_647, %add3A_650, %select_n3A_646 : vector<8x512xi1>, vector<8x512xi32>
      %lt3A_652 = arith.cmpi slt, %broadcast_in_dim3A_49, %add3A_618 : vector<8x512xi32>
      %add3A_653 = arith.constant 1 : i32
      %add3A_654 = vector.broadcast %add3A_653 : i32 to vector<8x512xi32>
      %add3A_655 = arith.addi %select_n3A_651, %add3A_654 : vector<8x512xi32>
      %select_n3A_656 = arith.select %lt3A_652, %add3A_655, %select_n3A_651 : vector<8x512xi1>, vector<8x512xi32>
      %lt3A_657 = arith.cmpi slt, %broadcast_in_dim3A_52, %add3A_618 : vector<8x512xi32>
      %add3A_658 = arith.constant 1 : i32
      %add3A_659 = vector.broadcast %add3A_658 : i32 to vector<8x512xi32>
      %add3A_660 = arith.addi %select_n3A_656, %add3A_659 : vector<8x512xi32>
      %select_n3A_661 = arith.select %lt3A_657, %add3A_660, %select_n3A_656 : vector<8x512xi1>, vector<8x512xi32>
      %swap3A_662 = arith.constant 80 : index
      %swap3A_663 = arith.constant 0 : index
      %swap3A_664 = vector.load %arg4[%swap3A_662, %swap3A_663] : memref<200x512xi32, #tpu.memory_space<vmem>>, vector<8x512xi32>
      tpu.vector_store %arg4[%swap3A_662, %swap3A_663], %select_n3A_661 {strides = array<i32>} : memref<200x512xi32, #tpu.memory_space<vmem>>, vector<8x512xi32>,
      %get3A_665 = arith.constant 88 : index
      %get3A_666 = arith.constant 0 : index
      %get3A_667 = vector.load %arg3[%get3A_665, %get3A_666] : memref<200x512xi32, #tpu.memory_space<vmem>>, vector<8x512xi32>
      %lt3A_668 = arith.constant 11 : i32
      %lt3A_669 = arith.cmpi slt, %scan3A_25, %lt3A_668 : i32
      %jit3A_670 = arith.constant 1 : i32
      %jit3A_671 = arith.constant 0 : i32
      %select_n3A_672 = arith.select %lt3A_669, %jit3A_670, %jit3A_671 : i32
      %add3A_673 = vector.broadcast %select_n3A_672 : i32 to vector<8x512xi32>
      %add3A_674 = arith.addi %get3A_667, %add3A_673 : vector<8x512xi32>
      %get3A_675 = arith.constant 88 : index
      %get3A_676 = arith.constant 0 : index
      %get3A_677 = vector.load %arg4[%get3A_675, %get3A_676] : memref<200x512xi32, #tpu.memory_space<vmem>>, vector<8x512xi32>
      %lt3A_678 = arith.cmpi slt, %broadcast_in_dim3A_31, %add3A_674 : vector<8x512xi32>
      %add3A_679 = arith.constant 1 : i32
      %add3A_680 = vector.broadcast %add3A_679 : i32 to vector<8x512xi32>
      %add3A_681 = arith.addi %get3A_677, %add3A_680 : vector<8x512xi32>
      %select_n3A_682 = arith.select %lt3A_678, %add3A_681, %get3A_677 : vector<8x512xi1>, vector<8x512xi32>
      %lt3A_683 = arith.cmpi slt, %broadcast_in_dim3A_34, %add3A_674 : vector<8x512xi32>
      %add3A_684 = arith.constant 1 : i32
      %add3A_685 = vector.broadcast %add3A_684 : i32 to vector<8x512xi32>
      %add3A_686 = arith.addi %select_n3A_682, %add3A_685 : vector<8x512xi32>
      %select_n3A_687 = arith.select %lt3A_683, %add3A_686, %select_n3A_682 : vector<8x512xi1>, vector<8x512xi32>
      %lt3A_688 = arith.cmpi slt, %broadcast_in_dim3A_37, %add3A_674 : vector<8x512xi32>
      %add3A_689 = arith.constant 1 : i32
      %add3A_690 = vector.broadcast %add3A_689 : i32 to vector<8x512xi32>
      %add3A_691 = arith.addi %select_n3A_687, %add3A_690 : vector<8x512xi32>
      %select_n3A_692 = arith.select %lt3A_688, %add3A_691, %select_n3A_687 : vector<8x512xi1>, vector<8x512xi32>
      %lt3A_693 = arith.cmpi slt, %broadcast_in_dim3A_40, %add3A_674 : vector<8x512xi32>
      %add3A_694 = arith.constant 1 : i32
      %add3A_695 = vector.broadcast %add3A_694 : i32 to vector<8x512xi32>
      %add3A_696 = arith.addi %select_n3A_692, %add3A_695 : vector<8x512xi32>
      %select_n3A_697 = arith.select %lt3A_693, %add3A_696, %select_n3A_692 : vector<8x512xi1>, vector<8x512xi32>
      %lt3A_698 = arith.cmpi slt, %broadcast_in_dim3A_43, %add3A_674 : vector<8x512xi32>
      %add3A_699 = arith.constant 1 : i32
      %add3A_700 = vector.broadcast %add3A_699 : i32 to vector<8x512xi32>
      %add3A_701 = arith.addi %select_n3A_697, %add3A_700 : vector<8x512xi32>
      %select_n3A_702 = arith.select %lt3A_698, %add3A_701, %select_n3A_697 : vector<8x512xi1>, vector<8x512xi32>
      %lt3A_703 = arith.cmpi slt, %broadcast_in_dim3A_46, %add3A_674 : vector<8x512xi32>
      %add3A_704 = arith.constant 1 : i32
      %add3A_705 = vector.broadcast %add3A_704 : i32 to vector<8x512xi32>
      %add3A_706 = arith.addi %select_n3A_702, %add3A_705 : vector<8x512xi32>
      %select_n3A_707 = arith.select %lt3A_703, %add3A_706, %select_n3A_702 : vector<8x512xi1>, vector<8x512xi32>
      %lt3A_708 = arith.cmpi slt, %broadcast_in_dim3A_49, %add3A_674 : vector<8x512xi32>
      %add3A_709 = arith.constant 1 : i32
      %add3A_710 = vector.broadcast %add3A_709 : i32 to vector<8x512xi32>
      %add3A_711 = arith.addi %select_n3A_707, %add3A_710 : vector<8x512xi32>
      %select_n3A_712 = arith.select %lt3A_708, %add3A_711, %select_n3A_707 : vector<8x512xi1>, vector<8x512xi32>
      %lt3A_713 = arith.cmpi slt, %broadcast_in_dim3A_52, %add3A_674 : vector<8x512xi32>
      %add3A_714 = arith.constant 1 : i32
      %add3A_715 = vector.broadcast %add3A_714 : i32 to vector<8x512xi32>
      %add3A_716 = arith.addi %select_n3A_712, %add3A_715 : vector<8x512xi32>
      %select_n3A_717 = arith.select %lt3A_713, %add3A_716, %select_n3A_712 : vector<8x512xi1>, vector<8x512xi32>
      %swap3A_718 = arith.constant 88 : index
      %swap3A_719 = arith.constant 0 : index
      %swap3A_720 = vector.load %arg4[%swap3A_718, %swap3A_719] : memref<200x512xi32, #tpu.memory_space<vmem>>, vector<8x512xi32>
      tpu.vector_store %arg4[%swap3A_718, %swap3A_719], %select_n3A_717 {strides = array<i32>} : memref<200x512xi32, #tpu.memory_space<vmem>>, vector<8x512xi32>,
      %get3A_721 = arith.constant 96 : index
      %get3A_722 = arith.constant 0 : index
      %get3A_723 = vector.load %arg3[%get3A_721, %get3A_722] : memref<200x512xi32, #tpu.memory_space<vmem>>, vector<8x512xi32>
      %lt3A_724 = arith.constant 12 : i32
      %lt3A_725 = arith.cmpi slt, %scan3A_25, %lt3A_724 : i32
      %jit3A_726 = arith.constant 1 : i32
      %jit3A_727 = arith.constant 0 : i32
      %select_n3A_728 = arith.select %lt3A_725, %jit3A_726, %jit3A_727 : i32
      %add3A_729 = vector.broadcast %select_n3A_728 : i32 to vector<8x512xi32>
      %add3A_730 = arith.addi %get3A_723, %add3A_729 : vector<8x512xi32>
      %get3A_731 = arith.constant 96 : index
      %get3A_732 = arith.constant 0 : index
      %get3A_733 = vector.load %arg4[%get3A_731, %get3A_732] : memref<200x512xi32, #tpu.memory_space<vmem>>, vector<8x512xi32>
      %lt3A_734 = arith.cmpi slt, %broadcast_in_dim3A_31, %add3A_730 : vector<8x512xi32>
      %add3A_735 = arith.constant 1 : i32
      %add3A_736 = vector.broadcast %add3A_735 : i32 to vector<8x512xi32>
      %add3A_737 = arith.addi %get3A_733, %add3A_736 : vector<8x512xi32>
      %select_n3A_738 = arith.select %lt3A_734, %add3A_737, %get3A_733 : vector<8x512xi1>, vector<8x512xi32>
      %lt3A_739 = arith.cmpi slt, %broadcast_in_dim3A_34, %add3A_730 : vector<8x512xi32>
      %add3A_740 = arith.constant 1 : i32
      %add3A_741 = vector.broadcast %add3A_740 : i32 to vector<8x512xi32>
      %add3A_742 = arith.addi %select_n3A_738, %add3A_741 : vector<8x512xi32>
      %select_n3A_743 = arith.select %lt3A_739, %add3A_742, %select_n3A_738 : vector<8x512xi1>, vector<8x512xi32>
      %lt3A_744 = arith.cmpi slt, %broadcast_in_dim3A_37, %add3A_730 : vector<8x512xi32>
      %add3A_745 = arith.constant 1 : i32
      %add3A_746 = vector.broadcast %add3A_745 : i32 to vector<8x512xi32>
      %add3A_747 = arith.addi %select_n3A_743, %add3A_746 : vector<8x512xi32>
      %select_n3A_748 = arith.select %lt3A_744, %add3A_747, %select_n3A_743 : vector<8x512xi1>, vector<8x512xi32>
      %lt3A_749 = arith.cmpi slt, %broadcast_in_dim3A_40, %add3A_730 : vector<8x512xi32>
      %add3A_750 = arith.constant 1 : i32
      %add3A_751 = vector.broadcast %add3A_750 : i32 to vector<8x512xi32>
      %add3A_752 = arith.addi %select_n3A_748, %add3A_751 : vector<8x512xi32>
      %select_n3A_753 = arith.select %lt3A_749, %add3A_752, %select_n3A_748 : vector<8x512xi1>, vector<8x512xi32>
      %lt3A_754 = arith.cmpi slt, %broadcast_in_dim3A_43, %add3A_730 : vector<8x512xi32>
      %add3A_755 = arith.constant 1 : i32
      %add3A_756 = vector.broadcast %add3A_755 : i32 to vector<8x512xi32>
      %add3A_757 = arith.addi %select_n3A_753, %add3A_756 : vector<8x512xi32>
      %select_n3A_758 = arith.select %lt3A_754, %add3A_757, %select_n3A_753 : vector<8x512xi1>, vector<8x512xi32>
      %lt3A_759 = arith.cmpi slt, %broadcast_in_dim3A_46, %add3A_730 : vector<8x512xi32>
      %add3A_760 = arith.constant 1 : i32
      %add3A_761 = vector.broadcast %add3A_760 : i32 to vector<8x512xi32>
      %add3A_762 = arith.addi %select_n3A_758, %add3A_761 : vector<8x512xi32>
      %select_n3A_763 = arith.select %lt3A_759, %add3A_762, %select_n3A_758 : vector<8x512xi1>, vector<8x512xi32>
      %lt3A_764 = arith.cmpi slt, %broadcast_in_dim3A_49, %add3A_730 : vector<8x512xi32>
      %add3A_765 = arith.constant 1 : i32
      %add3A_766 = vector.broadcast %add3A_765 : i32 to vector<8x512xi32>
      %add3A_767 = arith.addi %select_n3A_763, %add3A_766 : vector<8x512xi32>
      %select_n3A_768 = arith.select %lt3A_764, %add3A_767, %select_n3A_763 : vector<8x512xi1>, vector<8x512xi32>
      %lt3A_769 = arith.cmpi slt, %broadcast_in_dim3A_52, %add3A_730 : vector<8x512xi32>
      %add3A_770 = arith.constant 1 : i32
      %add3A_771 = vector.broadcast %add3A_770 : i32 to vector<8x512xi32>
      %add3A_772 = arith.addi %select_n3A_768, %add3A_771 : vector<8x512xi32>
      %select_n3A_773 = arith.select %lt3A_769, %add3A_772, %select_n3A_768 : vector<8x512xi1>, vector<8x512xi32>
      %swap3A_774 = arith.constant 96 : index
      %swap3A_775 = arith.constant 0 : index
      %swap3A_776 = vector.load %arg4[%swap3A_774, %swap3A_775] : memref<200x512xi32, #tpu.memory_space<vmem>>, vector<8x512xi32>
      tpu.vector_store %arg4[%swap3A_774, %swap3A_775], %select_n3A_773 {strides = array<i32>} : memref<200x512xi32, #tpu.memory_space<vmem>>, vector<8x512xi32>,
      %get3A_777 = arith.constant 104 : index
      %get3A_778 = arith.constant 0 : index
      %get3A_779 = vector.load %arg3[%get3A_777, %get3A_778] : memref<200x512xi32, #tpu.memory_space<vmem>>, vector<8x512xi32>
      %lt3A_780 = arith.constant 13 : i32
      %lt3A_781 = arith.cmpi slt, %scan3A_25, %lt3A_780 : i32
      %jit3A_782 = arith.constant 1 : i32
      %jit3A_783 = arith.constant 0 : i32
      %select_n3A_784 = arith.select %lt3A_781, %jit3A_782, %jit3A_783 : i32
      %add3A_785 = vector.broadcast %select_n3A_784 : i32 to vector<8x512xi32>
      %add3A_786 = arith.addi %get3A_779, %add3A_785 : vector<8x512xi32>
      %get3A_787 = arith.constant 104 : index
      %get3A_788 = arith.constant 0 : index
      %get3A_789 = vector.load %arg4[%get3A_787, %get3A_788] : memref<200x512xi32, #tpu.memory_space<vmem>>, vector<8x512xi32>
      %lt3A_790 = arith.cmpi slt, %broadcast_in_dim3A_31, %add3A_786 : vector<8x512xi32>
      %add3A_791 = arith.constant 1 : i32
      %add3A_792 = vector.broadcast %add3A_791 : i32 to vector<8x512xi32>
      %add3A_793 = arith.addi %get3A_789, %add3A_792 : vector<8x512xi32>
      %select_n3A_794 = arith.select %lt3A_790, %add3A_793, %get3A_789 : vector<8x512xi1>, vector<8x512xi32>
      %lt3A_795 = arith.cmpi slt, %broadcast_in_dim3A_34, %add3A_786 : vector<8x512xi32>
      %add3A_796 = arith.constant 1 : i32
      %add3A_797 = vector.broadcast %add3A_796 : i32 to vector<8x512xi32>
      %add3A_798 = arith.addi %select_n3A_794, %add3A_797 : vector<8x512xi32>
      %select_n3A_799 = arith.select %lt3A_795, %add3A_798, %select_n3A_794 : vector<8x512xi1>, vector<8x512xi32>
      %lt3A_800 = arith.cmpi slt, %broadcast_in_dim3A_37, %add3A_786 : vector<8x512xi32>
      %add3A_801 = arith.constant 1 : i32
      %add3A_802 = vector.broadcast %add3A_801 : i32 to vector<8x512xi32>
      %add3A_803 = arith.addi %select_n3A_799, %add3A_802 : vector<8x512xi32>
      %select_n3A_804 = arith.select %lt3A_800, %add3A_803, %select_n3A_799 : vector<8x512xi1>, vector<8x512xi32>
      %lt3A_805 = arith.cmpi slt, %broadcast_in_dim3A_40, %add3A_786 : vector<8x512xi32>
      %add3A_806 = arith.constant 1 : i32
      %add3A_807 = vector.broadcast %add3A_806 : i32 to vector<8x512xi32>
      %add3A_808 = arith.addi %select_n3A_804, %add3A_807 : vector<8x512xi32>
      %select_n3A_809 = arith.select %lt3A_805, %add3A_808, %select_n3A_804 : vector<8x512xi1>, vector<8x512xi32>
      %lt3A_810 = arith.cmpi slt, %broadcast_in_dim3A_43, %add3A_786 : vector<8x512xi32>
      %add3A_811 = arith.constant 1 : i32
      %add3A_812 = vector.broadcast %add3A_811 : i32 to vector<8x512xi32>
      %add3A_813 = arith.addi %select_n3A_809, %add3A_812 : vector<8x512xi32>
      %select_n3A_814 = arith.select %lt3A_810, %add3A_813, %select_n3A_809 : vector<8x512xi1>, vector<8x512xi32>
      %lt3A_815 = arith.cmpi slt, %broadcast_in_dim3A_46, %add3A_786 : vector<8x512xi32>
      %add3A_816 = arith.constant 1 : i32
      %add3A_817 = vector.broadcast %add3A_816 : i32 to vector<8x512xi32>
      %add3A_818 = arith.addi %select_n3A_814, %add3A_817 : vector<8x512xi32>
      %select_n3A_819 = arith.select %lt3A_815, %add3A_818, %select_n3A_814 : vector<8x512xi1>, vector<8x512xi32>
      %lt3A_820 = arith.cmpi slt, %broadcast_in_dim3A_49, %add3A_786 : vector<8x512xi32>
      %add3A_821 = arith.constant 1 : i32
      %add3A_822 = vector.broadcast %add3A_821 : i32 to vector<8x512xi32>
      %add3A_823 = arith.addi %select_n3A_819, %add3A_822 : vector<8x512xi32>
      %select_n3A_824 = arith.select %lt3A_820, %add3A_823, %select_n3A_819 : vector<8x512xi1>, vector<8x512xi32>
      %lt3A_825 = arith.cmpi slt, %broadcast_in_dim3A_52, %add3A_786 : vector<8x512xi32>
      %add3A_826 = arith.constant 1 : i32
      %add3A_827 = vector.broadcast %add3A_826 : i32 to vector<8x512xi32>
      %add3A_828 = arith.addi %select_n3A_824, %add3A_827 : vector<8x512xi32>
      %select_n3A_829 = arith.select %lt3A_825, %add3A_828, %select_n3A_824 : vector<8x512xi1>, vector<8x512xi32>
      %swap3A_830 = arith.constant 104 : index
      %swap3A_831 = arith.constant 0 : index
      %swap3A_832 = vector.load %arg4[%swap3A_830, %swap3A_831] : memref<200x512xi32, #tpu.memory_space<vmem>>, vector<8x512xi32>
      tpu.vector_store %arg4[%swap3A_830, %swap3A_831], %select_n3A_829 {strides = array<i32>} : memref<200x512xi32, #tpu.memory_space<vmem>>, vector<8x512xi32>,
      %get3A_833 = arith.constant 112 : index
      %get3A_834 = arith.constant 0 : index
      %get3A_835 = vector.load %arg3[%get3A_833, %get3A_834] : memref<200x512xi32, #tpu.memory_space<vmem>>, vector<8x512xi32>
      %lt3A_836 = arith.constant 14 : i32
      %lt3A_837 = arith.cmpi slt, %scan3A_25, %lt3A_836 : i32
      %jit3A_838 = arith.constant 1 : i32
      %jit3A_839 = arith.constant 0 : i32
      %select_n3A_840 = arith.select %lt3A_837, %jit3A_838, %jit3A_839 : i32
      %add3A_841 = vector.broadcast %select_n3A_840 : i32 to vector<8x512xi32>
      %add3A_842 = arith.addi %get3A_835, %add3A_841 : vector<8x512xi32>
      %get3A_843 = arith.constant 112 : index
      %get3A_844 = arith.constant 0 : index
      %get3A_845 = vector.load %arg4[%get3A_843, %get3A_844] : memref<200x512xi32, #tpu.memory_space<vmem>>, vector<8x512xi32>
      %lt3A_846 = arith.cmpi slt, %broadcast_in_dim3A_31, %add3A_842 : vector<8x512xi32>
      %add3A_847 = arith.constant 1 : i32
      %add3A_848 = vector.broadcast %add3A_847 : i32 to vector<8x512xi32>
      %add3A_849 = arith.addi %get3A_845, %add3A_848 : vector<8x512xi32>
      %select_n3A_850 = arith.select %lt3A_846, %add3A_849, %get3A_845 : vector<8x512xi1>, vector<8x512xi32>
      %lt3A_851 = arith.cmpi slt, %broadcast_in_dim3A_34, %add3A_842 : vector<8x512xi32>
      %add3A_852 = arith.constant 1 : i32
      %add3A_853 = vector.broadcast %add3A_852 : i32 to vector<8x512xi32>
      %add3A_854 = arith.addi %select_n3A_850, %add3A_853 : vector<8x512xi32>
      %select_n3A_855 = arith.select %lt3A_851, %add3A_854, %select_n3A_850 : vector<8x512xi1>, vector<8x512xi32>
      %lt3A_856 = arith.cmpi slt, %broadcast_in_dim3A_37, %add3A_842 : vector<8x512xi32>
      %add3A_857 = arith.constant 1 : i32
      %add3A_858 = vector.broadcast %add3A_857 : i32 to vector<8x512xi32>
      %add3A_859 = arith.addi %select_n3A_855, %add3A_858 : vector<8x512xi32>
      %select_n3A_860 = arith.select %lt3A_856, %add3A_859, %select_n3A_855 : vector<8x512xi1>, vector<8x512xi32>
      %lt3A_861 = arith.cmpi slt, %broadcast_in_dim3A_40, %add3A_842 : vector<8x512xi32>
      %add3A_862 = arith.constant 1 : i32
      %add3A_863 = vector.broadcast %add3A_862 : i32 to vector<8x512xi32>
      %add3A_864 = arith.addi %select_n3A_860, %add3A_863 : vector<8x512xi32>
      %select_n3A_865 = arith.select %lt3A_861, %add3A_864, %select_n3A_860 : vector<8x512xi1>, vector<8x512xi32>
      %lt3A_866 = arith.cmpi slt, %broadcast_in_dim3A_43, %add3A_842 : vector<8x512xi32>
      %add3A_867 = arith.constant 1 : i32
      %add3A_868 = vector.broadcast %add3A_867 : i32 to vector<8x512xi32>
      %add3A_869 = arith.addi %select_n3A_865, %add3A_868 : vector<8x512xi32>
      %select_n3A_870 = arith.select %lt3A_866, %add3A_869, %select_n3A_865 : vector<8x512xi1>, vector<8x512xi32>
      %lt3A_871 = arith.cmpi slt, %broadcast_in_dim3A_46, %add3A_842 : vector<8x512xi32>
      %add3A_872 = arith.constant 1 : i32
      %add3A_873 = vector.broadcast %add3A_872 : i32 to vector<8x512xi32>
      %add3A_874 = arith.addi %select_n3A_870, %add3A_873 : vector<8x512xi32>
      %select_n3A_875 = arith.select %lt3A_871, %add3A_874, %select_n3A_870 : vector<8x512xi1>, vector<8x512xi32>
      %lt3A_876 = arith.cmpi slt, %broadcast_in_dim3A_49, %add3A_842 : vector<8x512xi32>
      %add3A_877 = arith.constant 1 : i32
      %add3A_878 = vector.broadcast %add3A_877 : i32 to vector<8x512xi32>
      %add3A_879 = arith.addi %select_n3A_875, %add3A_878 : vector<8x512xi32>
      %select_n3A_880 = arith.select %lt3A_876, %add3A_879, %select_n3A_875 : vector<8x512xi1>, vector<8x512xi32>
      %lt3A_881 = arith.cmpi slt, %broadcast_in_dim3A_52, %add3A_842 : vector<8x512xi32>
      %add3A_882 = arith.constant 1 : i32
      %add3A_883 = vector.broadcast %add3A_882 : i32 to vector<8x512xi32>
      %add3A_884 = arith.addi %select_n3A_880, %add3A_883 : vector<8x512xi32>
      %select_n3A_885 = arith.select %lt3A_881, %add3A_884, %select_n3A_880 : vector<8x512xi1>, vector<8x512xi32>
      %swap3A_886 = arith.constant 112 : index
      %swap3A_887 = arith.constant 0 : index
      %swap3A_888 = vector.load %arg4[%swap3A_886, %swap3A_887] : memref<200x512xi32, #tpu.memory_space<vmem>>, vector<8x512xi32>
      tpu.vector_store %arg4[%swap3A_886, %swap3A_887], %select_n3A_885 {strides = array<i32>} : memref<200x512xi32, #tpu.memory_space<vmem>>, vector<8x512xi32>,
      %get3A_889 = arith.constant 120 : index
      %get3A_890 = arith.constant 0 : index
      %get3A_891 = vector.load %arg3[%get3A_889, %get3A_890] : memref<200x512xi32, #tpu.memory_space<vmem>>, vector<8x512xi32>
      %lt3A_892 = arith.constant 15 : i32
      %lt3A_893 = arith.cmpi slt, %scan3A_25, %lt3A_892 : i32
      %jit3A_894 = arith.constant 1 : i32
      %jit3A_895 = arith.constant 0 : i32
      %select_n3A_896 = arith.select %lt3A_893, %jit3A_894, %jit3A_895 : i32
      %add3A_897 = vector.broadcast %select_n3A_896 : i32 to vector<8x512xi32>
      %add3A_898 = arith.addi %get3A_891, %add3A_897 : vector<8x512xi32>
      %get3A_899 = arith.constant 120 : index
      %get3A_900 = arith.constant 0 : index
      %get3A_901 = vector.load %arg4[%get3A_899, %get3A_900] : memref<200x512xi32, #tpu.memory_space<vmem>>, vector<8x512xi32>
      %lt3A_902 = arith.cmpi slt, %broadcast_in_dim3A_31, %add3A_898 : vector<8x512xi32>
      %add3A_903 = arith.constant 1 : i32
      %add3A_904 = vector.broadcast %add3A_903 : i32 to vector<8x512xi32>
      %add3A_905 = arith.addi %get3A_901, %add3A_904 : vector<8x512xi32>
      %select_n3A_906 = arith.select %lt3A_902, %add3A_905, %get3A_901 : vector<8x512xi1>, vector<8x512xi32>
      %lt3A_907 = arith.cmpi slt, %broadcast_in_dim3A_34, %add3A_898 : vector<8x512xi32>
      %add3A_908 = arith.constant 1 : i32
      %add3A_909 = vector.broadcast %add3A_908 : i32 to vector<8x512xi32>
      %add3A_910 = arith.addi %select_n3A_906, %add3A_909 : vector<8x512xi32>
      %select_n3A_911 = arith.select %lt3A_907, %add3A_910, %select_n3A_906 : vector<8x512xi1>, vector<8x512xi32>
      %lt3A_912 = arith.cmpi slt, %broadcast_in_dim3A_37, %add3A_898 : vector<8x512xi32>
      %add3A_913 = arith.constant 1 : i32
      %add3A_914 = vector.broadcast %add3A_913 : i32 to vector<8x512xi32>
      %add3A_915 = arith.addi %select_n3A_911, %add3A_914 : vector<8x512xi32>
      %select_n3A_916 = arith.select %lt3A_912, %add3A_915, %select_n3A_911 : vector<8x512xi1>, vector<8x512xi32>
      %lt3A_917 = arith.cmpi slt, %broadcast_in_dim3A_40, %add3A_898 : vector<8x512xi32>
      %add3A_918 = arith.constant 1 : i32
      %add3A_919 = vector.broadcast %add3A_918 : i32 to vector<8x512xi32>
      %add3A_920 = arith.addi %select_n3A_916, %add3A_919 : vector<8x512xi32>
      %select_n3A_921 = arith.select %lt3A_917, %add3A_920, %select_n3A_916 : vector<8x512xi1>, vector<8x512xi32>
      %lt3A_922 = arith.cmpi slt, %broadcast_in_dim3A_43, %add3A_898 : vector<8x512xi32>
      %add3A_923 = arith.constant 1 : i32
      %add3A_924 = vector.broadcast %add3A_923 : i32 to vector<8x512xi32>
      %add3A_925 = arith.addi %select_n3A_921, %add3A_924 : vector<8x512xi32>
      %select_n3A_926 = arith.select %lt3A_922, %add3A_925, %select_n3A_921 : vector<8x512xi1>, vector<8x512xi32>
      %lt3A_927 = arith.cmpi slt, %broadcast_in_dim3A_46, %add3A_898 : vector<8x512xi32>
      %add3A_928 = arith.constant 1 : i32
      %add3A_929 = vector.broadcast %add3A_928 : i32 to vector<8x512xi32>
      %add3A_930 = arith.addi %select_n3A_926, %add3A_929 : vector<8x512xi32>
      %select_n3A_931 = arith.select %lt3A_927, %add3A_930, %select_n3A_926 : vector<8x512xi1>, vector<8x512xi32>
      %lt3A_932 = arith.cmpi slt, %broadcast_in_dim3A_49, %add3A_898 : vector<8x512xi32>
      %add3A_933 = arith.constant 1 : i32
      %add3A_934 = vector.broadcast %add3A_933 : i32 to vector<8x512xi32>
      %add3A_935 = arith.addi %select_n3A_931, %add3A_934 : vector<8x512xi32>
      %select_n3A_936 = arith.select %lt3A_932, %add3A_935, %select_n3A_931 : vector<8x512xi1>, vector<8x512xi32>
      %lt3A_937 = arith.cmpi slt, %broadcast_in_dim3A_52, %add3A_898 : vector<8x512xi32>
      %add3A_938 = arith.constant 1 : i32
      %add3A_939 = vector.broadcast %add3A_938 : i32 to vector<8x512xi32>
      %add3A_940 = arith.addi %select_n3A_936, %add3A_939 : vector<8x512xi32>
      %select_n3A_941 = arith.select %lt3A_937, %add3A_940, %select_n3A_936 : vector<8x512xi1>, vector<8x512xi32>
      %swap3A_942 = arith.constant 120 : index
      %swap3A_943 = arith.constant 0 : index
      %swap3A_944 = vector.load %arg4[%swap3A_942, %swap3A_943] : memref<200x512xi32, #tpu.memory_space<vmem>>, vector<8x512xi32>
      tpu.vector_store %arg4[%swap3A_942, %swap3A_943], %select_n3A_941 {strides = array<i32>} : memref<200x512xi32, #tpu.memory_space<vmem>>, vector<8x512xi32>,
      %get3A_945 = arith.constant 128 : index
      %get3A_946 = arith.constant 0 : index
      %get3A_947 = vector.load %arg3[%get3A_945, %get3A_946] : memref<200x512xi32, #tpu.memory_space<vmem>>, vector<8x512xi32>
      %lt3A_948 = arith.constant 16 : i32
      %lt3A_949 = arith.cmpi slt, %scan3A_25, %lt3A_948 : i32
      %jit3A_950 = arith.constant 1 : i32
      %jit3A_951 = arith.constant 0 : i32
      %select_n3A_952 = arith.select %lt3A_949, %jit3A_950, %jit3A_951 : i32
      %add3A_953 = vector.broadcast %select_n3A_952 : i32 to vector<8x512xi32>
      %add3A_954 = arith.addi %get3A_947, %add3A_953 : vector<8x512xi32>
      %get3A_955 = arith.constant 128 : index
      %get3A_956 = arith.constant 0 : index
      %get3A_957 = vector.load %arg4[%get3A_955, %get3A_956] : memref<200x512xi32, #tpu.memory_space<vmem>>, vector<8x512xi32>
      %lt3A_958 = arith.cmpi slt, %broadcast_in_dim3A_31, %add3A_954 : vector<8x512xi32>
      %add3A_959 = arith.constant 1 : i32
      %add3A_960 = vector.broadcast %add3A_959 : i32 to vector<8x512xi32>
      %add3A_961 = arith.addi %get3A_957, %add3A_960 : vector<8x512xi32>
      %select_n3A_962 = arith.select %lt3A_958, %add3A_961, %get3A_957 : vector<8x512xi1>, vector<8x512xi32>
      %lt3A_963 = arith.cmpi slt, %broadcast_in_dim3A_34, %add3A_954 : vector<8x512xi32>
      %add3A_964 = arith.constant 1 : i32
      %add3A_965 = vector.broadcast %add3A_964 : i32 to vector<8x512xi32>
      %add3A_966 = arith.addi %select_n3A_962, %add3A_965 : vector<8x512xi32>
      %select_n3A_967 = arith.select %lt3A_963, %add3A_966, %select_n3A_962 : vector<8x512xi1>, vector<8x512xi32>
      %lt3A_968 = arith.cmpi slt, %broadcast_in_dim3A_37, %add3A_954 : vector<8x512xi32>
      %add3A_969 = arith.constant 1 : i32
      %add3A_970 = vector.broadcast %add3A_969 : i32 to vector<8x512xi32>
      %add3A_971 = arith.addi %select_n3A_967, %add3A_970 : vector<8x512xi32>
      %select_n3A_972 = arith.select %lt3A_968, %add3A_971, %select_n3A_967 : vector<8x512xi1>, vector<8x512xi32>
      %lt3A_973 = arith.cmpi slt, %broadcast_in_dim3A_40, %add3A_954 : vector<8x512xi32>
      %add3A_974 = arith.constant 1 : i32
      %add3A_975 = vector.broadcast %add3A_974 : i32 to vector<8x512xi32>
      %add3A_976 = arith.addi %select_n3A_972, %add3A_975 : vector<8x512xi32>
      %select_n3A_977 = arith.select %lt3A_973, %add3A_976, %select_n3A_972 : vector<8x512xi1>, vector<8x512xi32>
      %lt3A_978 = arith.cmpi slt, %broadcast_in_dim3A_43, %add3A_954 : vector<8x512xi32>
      %add3A_979 = arith.constant 1 : i32
      %add3A_980 = vector.broadcast %add3A_979 : i32 to vector<8x512xi32>
      %add3A_981 = arith.addi %select_n3A_977, %add3A_980 : vector<8x512xi32>
      %select_n3A_982 = arith.select %lt3A_978, %add3A_981, %select_n3A_977 : vector<8x512xi1>, vector<8x512xi32>
      %lt3A_983 = arith.cmpi slt, %broadcast_in_dim3A_46, %add3A_954 : vector<8x512xi32>
      %add3A_984 = arith.constant 1 : i32
      %add3A_985 = vector.broadcast %add3A_984 : i32 to vector<8x512xi32>
      %add3A_986 = arith.addi %select_n3A_982, %add3A_985 : vector<8x512xi32>
      %select_n3A_987 = arith.select %lt3A_983, %add3A_986, %select_n3A_982 : vector<8x512xi1>, vector<8x512xi32>
      %lt3A_988 = arith.cmpi slt, %broadcast_in_dim3A_49, %add3A_954 : vector<8x512xi32>
      %add3A_989 = arith.constant 1 : i32
      %add3A_990 = vector.broadcast %add3A_989 : i32 to vector<8x512xi32>
      %add3A_991 = arith.addi %select_n3A_987, %add3A_990 : vector<8x512xi32>
      %select_n3A_992 = arith.select %lt3A_988, %add3A_991, %select_n3A_987 : vector<8x512xi1>, vector<8x512xi32>
      %lt3A_993 = arith.cmpi slt, %broadcast_in_dim3A_52, %add3A_954 : vector<8x512xi32>
      %add3A_994 = arith.constant 1 : i32
      %add3A_995 = vector.broadcast %add3A_994 : i32 to vector<8x512xi32>
      %add3A_996 = arith.addi %select_n3A_992, %add3A_995 : vector<8x512xi32>
      %select_n3A_997 = arith.select %lt3A_993, %add3A_996, %select_n3A_992 : vector<8x512xi1>, vector<8x512xi32>
      %swap3A_998 = arith.constant 128 : index
      %swap3A_999 = arith.constant 0 : index
      %swap3A_1000 = vector.load %arg4[%swap3A_998, %swap3A_999] : memref<200x512xi32, #tpu.memory_space<vmem>>, vector<8x512xi32>
      tpu.vector_store %arg4[%swap3A_998, %swap3A_999], %select_n3A_997 {strides = array<i32>} : memref<200x512xi32, #tpu.memory_space<vmem>>, vector<8x512xi32>,
      %get3A_1001 = arith.constant 136 : index
      %get3A_1002 = arith.constant 0 : index
      %get3A_1003 = vector.load %arg3[%get3A_1001, %get3A_1002] : memref<200x512xi32, #tpu.memory_space<vmem>>, vector<8x512xi32>
      %lt3A_1004 = arith.constant 17 : i32
      %lt3A_1005 = arith.cmpi slt, %scan3A_25, %lt3A_1004 : i32
      %jit3A_1006 = arith.constant 1 : i32
      %jit3A_1007 = arith.constant 0 : i32
      %select_n3A_1008 = arith.select %lt3A_1005, %jit3A_1006, %jit3A_1007 : i32
      %add3A_1009 = vector.broadcast %select_n3A_1008 : i32 to vector<8x512xi32>
      %add3A_1010 = arith.addi %get3A_1003, %add3A_1009 : vector<8x512xi32>
      %get3A_1011 = arith.constant 136 : index
      %get3A_1012 = arith.constant 0 : index
      %get3A_1013 = vector.load %arg4[%get3A_1011, %get3A_1012] : memref<200x512xi32, #tpu.memory_space<vmem>>, vector<8x512xi32>
      %lt3A_1014 = arith.cmpi slt, %broadcast_in_dim3A_31, %add3A_1010 : vector<8x512xi32>
      %add3A_1015 = arith.constant 1 : i32
      %add3A_1016 = vector.broadcast %add3A_1015 : i32 to vector<8x512xi32>
      %add3A_1017 = arith.addi %get3A_1013, %add3A_1016 : vector<8x512xi32>
      %select_n3A_1018 = arith.select %lt3A_1014, %add3A_1017, %get3A_1013 : vector<8x512xi1>, vector<8x512xi32>
      %lt3A_1019 = arith.cmpi slt, %broadcast_in_dim3A_34, %add3A_1010 : vector<8x512xi32>
      %add3A_1020 = arith.constant 1 : i32
      %add3A_1021 = vector.broadcast %add3A_1020 : i32 to vector<8x512xi32>
      %add3A_1022 = arith.addi %select_n3A_1018, %add3A_1021 : vector<8x512xi32>
      %select_n3A_1023 = arith.select %lt3A_1019, %add3A_1022, %select_n3A_1018 : vector<8x512xi1>, vector<8x512xi32>
      %lt3A_1024 = arith.cmpi slt, %broadcast_in_dim3A_37, %add3A_1010 : vector<8x512xi32>
      %add3A_1025 = arith.constant 1 : i32
      %add3A_1026 = vector.broadcast %add3A_1025 : i32 to vector<8x512xi32>
      %add3A_1027 = arith.addi %select_n3A_1023, %add3A_1026 : vector<8x512xi32>
      %select_n3A_1028 = arith.select %lt3A_1024, %add3A_1027, %select_n3A_1023 : vector<8x512xi1>, vector<8x512xi32>
      %lt3A_1029 = arith.cmpi slt, %broadcast_in_dim3A_40, %add3A_1010 : vector<8x512xi32>
      %add3A_1030 = arith.constant 1 : i32
      %add3A_1031 = vector.broadcast %add3A_1030 : i32 to vector<8x512xi32>
      %add3A_1032 = arith.addi %select_n3A_1028, %add3A_1031 : vector<8x512xi32>
      %select_n3A_1033 = arith.select %lt3A_1029, %add3A_1032, %select_n3A_1028 : vector<8x512xi1>, vector<8x512xi32>
      %lt3A_1034 = arith.cmpi slt, %broadcast_in_dim3A_43, %add3A_1010 : vector<8x512xi32>
      %add3A_1035 = arith.constant 1 : i32
      %add3A_1036 = vector.broadcast %add3A_1035 : i32 to vector<8x512xi32>
      %add3A_1037 = arith.addi %select_n3A_1033, %add3A_1036 : vector<8x512xi32>
      %select_n3A_1038 = arith.select %lt3A_1034, %add3A_1037, %select_n3A_1033 : vector<8x512xi1>, vector<8x512xi32>
      %lt3A_1039 = arith.cmpi slt, %broadcast_in_dim3A_46, %add3A_1010 : vector<8x512xi32>
      %add3A_1040 = arith.constant 1 : i32
      %add3A_1041 = vector.broadcast %add3A_1040 : i32 to vector<8x512xi32>
      %add3A_1042 = arith.addi %select_n3A_1038, %add3A_1041 : vector<8x512xi32>
      %select_n3A_1043 = arith.select %lt3A_1039, %add3A_1042, %select_n3A_1038 : vector<8x512xi1>, vector<8x512xi32>
      %lt3A_1044 = arith.cmpi slt, %broadcast_in_dim3A_49, %add3A_1010 : vector<8x512xi32>
      %add3A_1045 = arith.constant 1 : i32
      %add3A_1046 = vector.broadcast %add3A_1045 : i32 to vector<8x512xi32>
      %add3A_1047 = arith.addi %select_n3A_1043, %add3A_1046 : vector<8x512xi32>
      %select_n3A_1048 = arith.select %lt3A_1044, %add3A_1047, %select_n3A_1043 : vector<8x512xi1>, vector<8x512xi32>
      %lt3A_1049 = arith.cmpi slt, %broadcast_in_dim3A_52, %add3A_1010 : vector<8x512xi32>
      %add3A_1050 = arith.constant 1 : i32
      %add3A_1051 = vector.broadcast %add3A_1050 : i32 to vector<8x512xi32>
      %add3A_1052 = arith.addi %select_n3A_1048, %add3A_1051 : vector<8x512xi32>
      %select_n3A_1053 = arith.select %lt3A_1049, %add3A_1052, %select_n3A_1048 : vector<8x512xi1>, vector<8x512xi32>
      %swap3A_1054 = arith.constant 136 : index
      %swap3A_1055 = arith.constant 0 : index
      %swap3A_1056 = vector.load %arg4[%swap3A_1054, %swap3A_1055] : memref<200x512xi32, #tpu.memory_space<vmem>>, vector<8x512xi32>
      tpu.vector_store %arg4[%swap3A_1054, %swap3A_1055], %select_n3A_1053 {strides = array<i32>} : memref<200x512xi32, #tpu.memory_space<vmem>>, vector<8x512xi32>,
      %get3A_1057 = arith.constant 144 : index
      %get3A_1058 = arith.constant 0 : index
      %get3A_1059 = vector.load %arg3[%get3A_1057, %get3A_1058] : memref<200x512xi32, #tpu.memory_space<vmem>>, vector<8x512xi32>
      %lt3A_1060 = arith.constant 18 : i32
      %lt3A_1061 = arith.cmpi slt, %scan3A_25, %lt3A_1060 : i32
      %jit3A_1062 = arith.constant 1 : i32
      %jit3A_1063 = arith.constant 0 : i32
      %select_n3A_1064 = arith.select %lt3A_1061, %jit3A_1062, %jit3A_1063 : i32
      %add3A_1065 = vector.broadcast %select_n3A_1064 : i32 to vector<8x512xi32>
      %add3A_1066 = arith.addi %get3A_1059, %add3A_1065 : vector<8x512xi32>
      %get3A_1067 = arith.constant 144 : index
      %get3A_1068 = arith.constant 0 : index
      %get3A_1069 = vector.load %arg4[%get3A_1067, %get3A_1068] : memref<200x512xi32, #tpu.memory_space<vmem>>, vector<8x512xi32>
      %lt3A_1070 = arith.cmpi slt, %broadcast_in_dim3A_31, %add3A_1066 : vector<8x512xi32>
      %add3A_1071 = arith.constant 1 : i32
      %add3A_1072 = vector.broadcast %add3A_1071 : i32 to vector<8x512xi32>
      %add3A_1073 = arith.addi %get3A_1069, %add3A_1072 : vector<8x512xi32>
      %select_n3A_1074 = arith.select %lt3A_1070, %add3A_1073, %get3A_1069 : vector<8x512xi1>, vector<8x512xi32>
      %lt3A_1075 = arith.cmpi slt, %broadcast_in_dim3A_34, %add3A_1066 : vector<8x512xi32>
      %add3A_1076 = arith.constant 1 : i32
      %add3A_1077 = vector.broadcast %add3A_1076 : i32 to vector<8x512xi32>
      %add3A_1078 = arith.addi %select_n3A_1074, %add3A_1077 : vector<8x512xi32>
      %select_n3A_1079 = arith.select %lt3A_1075, %add3A_1078, %select_n3A_1074 : vector<8x512xi1>, vector<8x512xi32>
      %lt3A_1080 = arith.cmpi slt, %broadcast_in_dim3A_37, %add3A_1066 : vector<8x512xi32>
      %add3A_1081 = arith.constant 1 : i32
      %add3A_1082 = vector.broadcast %add3A_1081 : i32 to vector<8x512xi32>
      %add3A_1083 = arith.addi %select_n3A_1079, %add3A_1082 : vector<8x512xi32>
      %select_n3A_1084 = arith.select %lt3A_1080, %add3A_1083, %select_n3A_1079 : vector<8x512xi1>, vector<8x512xi32>
      %lt3A_1085 = arith.cmpi slt, %broadcast_in_dim3A_40, %add3A_1066 : vector<8x512xi32>
      %add3A_1086 = arith.constant 1 : i32
      %add3A_1087 = vector.broadcast %add3A_1086 : i32 to vector<8x512xi32>
      %add3A_1088 = arith.addi %select_n3A_1084, %add3A_1087 : vector<8x512xi32>
      %select_n3A_1089 = arith.select %lt3A_1085, %add3A_1088, %select_n3A_1084 : vector<8x512xi1>, vector<8x512xi32>
      %lt3A_1090 = arith.cmpi slt, %broadcast_in_dim3A_43, %add3A_1066 : vector<8x512xi32>
      %add3A_1091 = arith.constant 1 : i32
      %add3A_1092 = vector.broadcast %add3A_1091 : i32 to vector<8x512xi32>
      %add3A_1093 = arith.addi %select_n3A_1089, %add3A_1092 : vector<8x512xi32>
      %select_n3A_1094 = arith.select %lt3A_1090, %add3A_1093, %select_n3A_1089 : vector<8x512xi1>, vector<8x512xi32>
      %lt3A_1095 = arith.cmpi slt, %broadcast_in_dim3A_46, %add3A_1066 : vector<8x512xi32>
      %add3A_1096 = arith.constant 1 : i32
      %add3A_1097 = vector.broadcast %add3A_1096 : i32 to vector<8x512xi32>
      %add3A_1098 = arith.addi %select_n3A_1094, %add3A_1097 : vector<8x512xi32>
      %select_n3A_1099 = arith.select %lt3A_1095, %add3A_1098, %select_n3A_1094 : vector<8x512xi1>, vector<8x512xi32>
      %lt3A_1100 = arith.cmpi slt, %broadcast_in_dim3A_49, %add3A_1066 : vector<8x512xi32>
      %add3A_1101 = arith.constant 1 : i32
      %add3A_1102 = vector.broadcast %add3A_1101 : i32 to vector<8x512xi32>
      %add3A_1103 = arith.addi %select_n3A_1099, %add3A_1102 : vector<8x512xi32>
      %select_n3A_1104 = arith.select %lt3A_1100, %add3A_1103, %select_n3A_1099 : vector<8x512xi1>, vector<8x512xi32>
      %lt3A_1105 = arith.cmpi slt, %broadcast_in_dim3A_52, %add3A_1066 : vector<8x512xi32>
      %add3A_1106 = arith.constant 1 : i32
      %add3A_1107 = vector.broadcast %add3A_1106 : i32 to vector<8x512xi32>
      %add3A_1108 = arith.addi %select_n3A_1104, %add3A_1107 : vector<8x512xi32>
      %select_n3A_1109 = arith.select %lt3A_1105, %add3A_1108, %select_n3A_1104 : vector<8x512xi1>, vector<8x512xi32>
      %swap3A_1110 = arith.constant 144 : index
      %swap3A_1111 = arith.constant 0 : index
      %swap3A_1112 = vector.load %arg4[%swap3A_1110, %swap3A_1111] : memref<200x512xi32, #tpu.memory_space<vmem>>, vector<8x512xi32>
      tpu.vector_store %arg4[%swap3A_1110, %swap3A_1111], %select_n3A_1109 {strides = array<i32>} : memref<200x512xi32, #tpu.memory_space<vmem>>, vector<8x512xi32>,
      %get3A_1113 = arith.constant 152 : index
      %get3A_1114 = arith.constant 0 : index
      %get3A_1115 = vector.load %arg3[%get3A_1113, %get3A_1114] : memref<200x512xi32, #tpu.memory_space<vmem>>, vector<8x512xi32>
      %lt3A_1116 = arith.constant 19 : i32
      %lt3A_1117 = arith.cmpi slt, %scan3A_25, %lt3A_1116 : i32
      %jit3A_1118 = arith.constant 1 : i32
      %jit3A_1119 = arith.constant 0 : i32
      %select_n3A_1120 = arith.select %lt3A_1117, %jit3A_1118, %jit3A_1119 : i32
      %add3A_1121 = vector.broadcast %select_n3A_1120 : i32 to vector<8x512xi32>
      %add3A_1122 = arith.addi %get3A_1115, %add3A_1121 : vector<8x512xi32>
      %get3A_1123 = arith.constant 152 : index
      %get3A_1124 = arith.constant 0 : index
      %get3A_1125 = vector.load %arg4[%get3A_1123, %get3A_1124] : memref<200x512xi32, #tpu.memory_space<vmem>>, vector<8x512xi32>
      %lt3A_1126 = arith.cmpi slt, %broadcast_in_dim3A_31, %add3A_1122 : vector<8x512xi32>
      %add3A_1127 = arith.constant 1 : i32
      %add3A_1128 = vector.broadcast %add3A_1127 : i32 to vector<8x512xi32>
      %add3A_1129 = arith.addi %get3A_1125, %add3A_1128 : vector<8x512xi32>
      %select_n3A_1130 = arith.select %lt3A_1126, %add3A_1129, %get3A_1125 : vector<8x512xi1>, vector<8x512xi32>
      %lt3A_1131 = arith.cmpi slt, %broadcast_in_dim3A_34, %add3A_1122 : vector<8x512xi32>
      %add3A_1132 = arith.constant 1 : i32
      %add3A_1133 = vector.broadcast %add3A_1132 : i32 to vector<8x512xi32>
      %add3A_1134 = arith.addi %select_n3A_1130, %add3A_1133 : vector<8x512xi32>
      %select_n3A_1135 = arith.select %lt3A_1131, %add3A_1134, %select_n3A_1130 : vector<8x512xi1>, vector<8x512xi32>
      %lt3A_1136 = arith.cmpi slt, %broadcast_in_dim3A_37, %add3A_1122 : vector<8x512xi32>
      %add3A_1137 = arith.constant 1 : i32
      %add3A_1138 = vector.broadcast %add3A_1137 : i32 to vector<8x512xi32>
      %add3A_1139 = arith.addi %select_n3A_1135, %add3A_1138 : vector<8x512xi32>
      %select_n3A_1140 = arith.select %lt3A_1136, %add3A_1139, %select_n3A_1135 : vector<8x512xi1>, vector<8x512xi32>
      %lt3A_1141 = arith.cmpi slt, %broadcast_in_dim3A_40, %add3A_1122 : vector<8x512xi32>
      %add3A_1142 = arith.constant 1 : i32
      %add3A_1143 = vector.broadcast %add3A_1142 : i32 to vector<8x512xi32>
      %add3A_1144 = arith.addi %select_n3A_1140, %add3A_1143 : vector<8x512xi32>
      %select_n3A_1145 = arith.select %lt3A_1141, %add3A_1144, %select_n3A_1140 : vector<8x512xi1>, vector<8x512xi32>
      %lt3A_1146 = arith.cmpi slt, %broadcast_in_dim3A_43, %add3A_1122 : vector<8x512xi32>
      %add3A_1147 = arith.constant 1 : i32
      %add3A_1148 = vector.broadcast %add3A_1147 : i32 to vector<8x512xi32>
      %add3A_1149 = arith.addi %select_n3A_1145, %add3A_1148 : vector<8x512xi32>
      %select_n3A_1150 = arith.select %lt3A_1146, %add3A_1149, %select_n3A_1145 : vector<8x512xi1>, vector<8x512xi32>
      %lt3A_1151 = arith.cmpi slt, %broadcast_in_dim3A_46, %add3A_1122 : vector<8x512xi32>
      %add3A_1152 = arith.constant 1 : i32
      %add3A_1153 = vector.broadcast %add3A_1152 : i32 to vector<8x512xi32>
      %add3A_1154 = arith.addi %select_n3A_1150, %add3A_1153 : vector<8x512xi32>
      %select_n3A_1155 = arith.select %lt3A_1151, %add3A_1154, %select_n3A_1150 : vector<8x512xi1>, vector<8x512xi32>
      %lt3A_1156 = arith.cmpi slt, %broadcast_in_dim3A_49, %add3A_1122 : vector<8x512xi32>
      %add3A_1157 = arith.constant 1 : i32
      %add3A_1158 = vector.broadcast %add3A_1157 : i32 to vector<8x512xi32>
      %add3A_1159 = arith.addi %select_n3A_1155, %add3A_1158 : vector<8x512xi32>
      %select_n3A_1160 = arith.select %lt3A_1156, %add3A_1159, %select_n3A_1155 : vector<8x512xi1>, vector<8x512xi32>
      %lt3A_1161 = arith.cmpi slt, %broadcast_in_dim3A_52, %add3A_1122 : vector<8x512xi32>
      %add3A_1162 = arith.constant 1 : i32
      %add3A_1163 = vector.broadcast %add3A_1162 : i32 to vector<8x512xi32>
      %add3A_1164 = arith.addi %select_n3A_1160, %add3A_1163 : vector<8x512xi32>
      %select_n3A_1165 = arith.select %lt3A_1161, %add3A_1164, %select_n3A_1160 : vector<8x512xi1>, vector<8x512xi32>
      %swap3A_1166 = arith.constant 152 : index
      %swap3A_1167 = arith.constant 0 : index
      %swap3A_1168 = vector.load %arg4[%swap3A_1166, %swap3A_1167] : memref<200x512xi32, #tpu.memory_space<vmem>>, vector<8x512xi32>
      tpu.vector_store %arg4[%swap3A_1166, %swap3A_1167], %select_n3A_1165 {strides = array<i32>} : memref<200x512xi32, #tpu.memory_space<vmem>>, vector<8x512xi32>,
      %get3A_1169 = arith.constant 160 : index
      %get3A_1170 = arith.constant 0 : index
      %get3A_1171 = vector.load %arg3[%get3A_1169, %get3A_1170] : memref<200x512xi32, #tpu.memory_space<vmem>>, vector<8x512xi32>
      %lt3A_1172 = arith.constant 20 : i32
      %lt3A_1173 = arith.cmpi slt, %scan3A_25, %lt3A_1172 : i32
      %jit3A_1174 = arith.constant 1 : i32
      %jit3A_1175 = arith.constant 0 : i32
      %select_n3A_1176 = arith.select %lt3A_1173, %jit3A_1174, %jit3A_1175 : i32
      %add3A_1177 = vector.broadcast %select_n3A_1176 : i32 to vector<8x512xi32>
      %add3A_1178 = arith.addi %get3A_1171, %add3A_1177 : vector<8x512xi32>
      %get3A_1179 = arith.constant 160 : index
      %get3A_1180 = arith.constant 0 : index
      %get3A_1181 = vector.load %arg4[%get3A_1179, %get3A_1180] : memref<200x512xi32, #tpu.memory_space<vmem>>, vector<8x512xi32>
      %lt3A_1182 = arith.cmpi slt, %broadcast_in_dim3A_31, %add3A_1178 : vector<8x512xi32>
      %add3A_1183 = arith.constant 1 : i32
      %add3A_1184 = vector.broadcast %add3A_1183 : i32 to vector<8x512xi32>
      %add3A_1185 = arith.addi %get3A_1181, %add3A_1184 : vector<8x512xi32>
      %select_n3A_1186 = arith.select %lt3A_1182, %add3A_1185, %get3A_1181 : vector<8x512xi1>, vector<8x512xi32>
      %lt3A_1187 = arith.cmpi slt, %broadcast_in_dim3A_34, %add3A_1178 : vector<8x512xi32>
      %add3A_1188 = arith.constant 1 : i32
      %add3A_1189 = vector.broadcast %add3A_1188 : i32 to vector<8x512xi32>
      %add3A_1190 = arith.addi %select_n3A_1186, %add3A_1189 : vector<8x512xi32>
      %select_n3A_1191 = arith.select %lt3A_1187, %add3A_1190, %select_n3A_1186 : vector<8x512xi1>, vector<8x512xi32>
      %lt3A_1192 = arith.cmpi slt, %broadcast_in_dim3A_37, %add3A_1178 : vector<8x512xi32>
      %add3A_1193 = arith.constant 1 : i32
      %add3A_1194 = vector.broadcast %add3A_1193 : i32 to vector<8x512xi32>
      %add3A_1195 = arith.addi %select_n3A_1191, %add3A_1194 : vector<8x512xi32>
      %select_n3A_1196 = arith.select %lt3A_1192, %add3A_1195, %select_n3A_1191 : vector<8x512xi1>, vector<8x512xi32>
      %lt3A_1197 = arith.cmpi slt, %broadcast_in_dim3A_40, %add3A_1178 : vector<8x512xi32>
      %add3A_1198 = arith.constant 1 : i32
      %add3A_1199 = vector.broadcast %add3A_1198 : i32 to vector<8x512xi32>
      %add3A_1200 = arith.addi %select_n3A_1196, %add3A_1199 : vector<8x512xi32>
      %select_n3A_1201 = arith.select %lt3A_1197, %add3A_1200, %select_n3A_1196 : vector<8x512xi1>, vector<8x512xi32>
      %lt3A_1202 = arith.cmpi slt, %broadcast_in_dim3A_43, %add3A_1178 : vector<8x512xi32>
      %add3A_1203 = arith.constant 1 : i32
      %add3A_1204 = vector.broadcast %add3A_1203 : i32 to vector<8x512xi32>
      %add3A_1205 = arith.addi %select_n3A_1201, %add3A_1204 : vector<8x512xi32>
      %select_n3A_1206 = arith.select %lt3A_1202, %add3A_1205, %select_n3A_1201 : vector<8x512xi1>, vector<8x512xi32>
      %lt3A_1207 = arith.cmpi slt, %broadcast_in_dim3A_46, %add3A_1178 : vector<8x512xi32>
      %add3A_1208 = arith.constant 1 : i32
      %add3A_1209 = vector.broadcast %add3A_1208 : i32 to vector<8x512xi32>
      %add3A_1210 = arith.addi %select_n3A_1206, %add3A_1209 : vector<8x512xi32>
      %select_n3A_1211 = arith.select %lt3A_1207, %add3A_1210, %select_n3A_1206 : vector<8x512xi1>, vector<8x512xi32>
      %lt3A_1212 = arith.cmpi slt, %broadcast_in_dim3A_49, %add3A_1178 : vector<8x512xi32>
      %add3A_1213 = arith.constant 1 : i32
      %add3A_1214 = vector.broadcast %add3A_1213 : i32 to vector<8x512xi32>
      %add3A_1215 = arith.addi %select_n3A_1211, %add3A_1214 : vector<8x512xi32>
      %select_n3A_1216 = arith.select %lt3A_1212, %add3A_1215, %select_n3A_1211 : vector<8x512xi1>, vector<8x512xi32>
      %lt3A_1217 = arith.cmpi slt, %broadcast_in_dim3A_52, %add3A_1178 : vector<8x512xi32>
      %add3A_1218 = arith.constant 1 : i32
      %add3A_1219 = vector.broadcast %add3A_1218 : i32 to vector<8x512xi32>
      %add3A_1220 = arith.addi %select_n3A_1216, %add3A_1219 : vector<8x512xi32>
      %select_n3A_1221 = arith.select %lt3A_1217, %add3A_1220, %select_n3A_1216 : vector<8x512xi1>, vector<8x512xi32>
      %swap3A_1222 = arith.constant 160 : index
      %swap3A_1223 = arith.constant 0 : index
      %swap3A_1224 = vector.load %arg4[%swap3A_1222, %swap3A_1223] : memref<200x512xi32, #tpu.memory_space<vmem>>, vector<8x512xi32>
      tpu.vector_store %arg4[%swap3A_1222, %swap3A_1223], %select_n3A_1221 {strides = array<i32>} : memref<200x512xi32, #tpu.memory_space<vmem>>, vector<8x512xi32>,
      %get3A_1225 = arith.constant 168 : index
      %get3A_1226 = arith.constant 0 : index
      %get3A_1227 = vector.load %arg3[%get3A_1225, %get3A_1226] : memref<200x512xi32, #tpu.memory_space<vmem>>, vector<8x512xi32>
      %lt3A_1228 = arith.constant 21 : i32
      %lt3A_1229 = arith.cmpi slt, %scan3A_25, %lt3A_1228 : i32
      %jit3A_1230 = arith.constant 1 : i32
      %jit3A_1231 = arith.constant 0 : i32
      %select_n3A_1232 = arith.select %lt3A_1229, %jit3A_1230, %jit3A_1231 : i32
      %add3A_1233 = vector.broadcast %select_n3A_1232 : i32 to vector<8x512xi32>
      %add3A_1234 = arith.addi %get3A_1227, %add3A_1233 : vector<8x512xi32>
      %get3A_1235 = arith.constant 168 : index
      %get3A_1236 = arith.constant 0 : index
      %get3A_1237 = vector.load %arg4[%get3A_1235, %get3A_1236] : memref<200x512xi32, #tpu.memory_space<vmem>>, vector<8x512xi32>
      %lt3A_1238 = arith.cmpi slt, %broadcast_in_dim3A_31, %add3A_1234 : vector<8x512xi32>
      %add3A_1239 = arith.constant 1 : i32
      %add3A_1240 = vector.broadcast %add3A_1239 : i32 to vector<8x512xi32>
      %add3A_1241 = arith.addi %get3A_1237, %add3A_1240 : vector<8x512xi32>
      %select_n3A_1242 = arith.select %lt3A_1238, %add3A_1241, %get3A_1237 : vector<8x512xi1>, vector<8x512xi32>
      %lt3A_1243 = arith.cmpi slt, %broadcast_in_dim3A_34, %add3A_1234 : vector<8x512xi32>
      %add3A_1244 = arith.constant 1 : i32
      %add3A_1245 = vector.broadcast %add3A_1244 : i32 to vector<8x512xi32>
      %add3A_1246 = arith.addi %select_n3A_1242, %add3A_1245 : vector<8x512xi32>
      %select_n3A_1247 = arith.select %lt3A_1243, %add3A_1246, %select_n3A_1242 : vector<8x512xi1>, vector<8x512xi32>
      %lt3A_1248 = arith.cmpi slt, %broadcast_in_dim3A_37, %add3A_1234 : vector<8x512xi32>
      %add3A_1249 = arith.constant 1 : i32
      %add3A_1250 = vector.broadcast %add3A_1249 : i32 to vector<8x512xi32>
      %add3A_1251 = arith.addi %select_n3A_1247, %add3A_1250 : vector<8x512xi32>
      %select_n3A_1252 = arith.select %lt3A_1248, %add3A_1251, %select_n3A_1247 : vector<8x512xi1>, vector<8x512xi32>
      %lt3A_1253 = arith.cmpi slt, %broadcast_in_dim3A_40, %add3A_1234 : vector<8x512xi32>
      %add3A_1254 = arith.constant 1 : i32
      %add3A_1255 = vector.broadcast %add3A_1254 : i32 to vector<8x512xi32>
      %add3A_1256 = arith.addi %select_n3A_1252, %add3A_1255 : vector<8x512xi32>
      %select_n3A_1257 = arith.select %lt3A_1253, %add3A_1256, %select_n3A_1252 : vector<8x512xi1>, vector<8x512xi32>
      %lt3A_1258 = arith.cmpi slt, %broadcast_in_dim3A_43, %add3A_1234 : vector<8x512xi32>
      %add3A_1259 = arith.constant 1 : i32
      %add3A_1260 = vector.broadcast %add3A_1259 : i32 to vector<8x512xi32>
      %add3A_1261 = arith.addi %select_n3A_1257, %add3A_1260 : vector<8x512xi32>
      %select_n3A_1262 = arith.select %lt3A_1258, %add3A_1261, %select_n3A_1257 : vector<8x512xi1>, vector<8x512xi32>
      %lt3A_1263 = arith.cmpi slt, %broadcast_in_dim3A_46, %add3A_1234 : vector<8x512xi32>
      %add3A_1264 = arith.constant 1 : i32
      %add3A_1265 = vector.broadcast %add3A_1264 : i32 to vector<8x512xi32>
      %add3A_1266 = arith.addi %select_n3A_1262, %add3A_1265 : vector<8x512xi32>
      %select_n3A_1267 = arith.select %lt3A_1263, %add3A_1266, %select_n3A_1262 : vector<8x512xi1>, vector<8x512xi32>
      %lt3A_1268 = arith.cmpi slt, %broadcast_in_dim3A_49, %add3A_1234 : vector<8x512xi32>
      %add3A_1269 = arith.constant 1 : i32
      %add3A_1270 = vector.broadcast %add3A_1269 : i32 to vector<8x512xi32>
      %add3A_1271 = arith.addi %select_n3A_1267, %add3A_1270 : vector<8x512xi32>
      %select_n3A_1272 = arith.select %lt3A_1268, %add3A_1271, %select_n3A_1267 : vector<8x512xi1>, vector<8x512xi32>
      %lt3A_1273 = arith.cmpi slt, %broadcast_in_dim3A_52, %add3A_1234 : vector<8x512xi32>
      %add3A_1274 = arith.constant 1 : i32
      %add3A_1275 = vector.broadcast %add3A_1274 : i32 to vector<8x512xi32>
      %add3A_1276 = arith.addi %select_n3A_1272, %add3A_1275 : vector<8x512xi32>
      %select_n3A_1277 = arith.select %lt3A_1273, %add3A_1276, %select_n3A_1272 : vector<8x512xi1>, vector<8x512xi32>
      %swap3A_1278 = arith.constant 168 : index
      %swap3A_1279 = arith.constant 0 : index
      %swap3A_1280 = vector.load %arg4[%swap3A_1278, %swap3A_1279] : memref<200x512xi32, #tpu.memory_space<vmem>>, vector<8x512xi32>
      tpu.vector_store %arg4[%swap3A_1278, %swap3A_1279], %select_n3A_1277 {strides = array<i32>} : memref<200x512xi32, #tpu.memory_space<vmem>>, vector<8x512xi32>,
      %get3A_1281 = arith.constant 176 : index
      %get3A_1282 = arith.constant 0 : index
      %get3A_1283 = vector.load %arg3[%get3A_1281, %get3A_1282] : memref<200x512xi32, #tpu.memory_space<vmem>>, vector<8x512xi32>
      %lt3A_1284 = arith.constant 22 : i32
      %lt3A_1285 = arith.cmpi slt, %scan3A_25, %lt3A_1284 : i32
      %jit3A_1286 = arith.constant 1 : i32
      %jit3A_1287 = arith.constant 0 : i32
      %select_n3A_1288 = arith.select %lt3A_1285, %jit3A_1286, %jit3A_1287 : i32
      %add3A_1289 = vector.broadcast %select_n3A_1288 : i32 to vector<8x512xi32>
      %add3A_1290 = arith.addi %get3A_1283, %add3A_1289 : vector<8x512xi32>
      %get3A_1291 = arith.constant 176 : index
      %get3A_1292 = arith.constant 0 : index
      %get3A_1293 = vector.load %arg4[%get3A_1291, %get3A_1292] : memref<200x512xi32, #tpu.memory_space<vmem>>, vector<8x512xi32>
      %lt3A_1294 = arith.cmpi slt, %broadcast_in_dim3A_31, %add3A_1290 : vector<8x512xi32>
      %add3A_1295 = arith.constant 1 : i32
      %add3A_1296 = vector.broadcast %add3A_1295 : i32 to vector<8x512xi32>
      %add3A_1297 = arith.addi %get3A_1293, %add3A_1296 : vector<8x512xi32>
      %select_n3A_1298 = arith.select %lt3A_1294, %add3A_1297, %get3A_1293 : vector<8x512xi1>, vector<8x512xi32>
      %lt3A_1299 = arith.cmpi slt, %broadcast_in_dim3A_34, %add3A_1290 : vector<8x512xi32>
      %add3A_1300 = arith.constant 1 : i32
      %add3A_1301 = vector.broadcast %add3A_1300 : i32 to vector<8x512xi32>
      %add3A_1302 = arith.addi %select_n3A_1298, %add3A_1301 : vector<8x512xi32>
      %select_n3A_1303 = arith.select %lt3A_1299, %add3A_1302, %select_n3A_1298 : vector<8x512xi1>, vector<8x512xi32>
      %lt3A_1304 = arith.cmpi slt, %broadcast_in_dim3A_37, %add3A_1290 : vector<8x512xi32>
      %add3A_1305 = arith.constant 1 : i32
      %add3A_1306 = vector.broadcast %add3A_1305 : i32 to vector<8x512xi32>
      %add3A_1307 = arith.addi %select_n3A_1303, %add3A_1306 : vector<8x512xi32>
      %select_n3A_1308 = arith.select %lt3A_1304, %add3A_1307, %select_n3A_1303 : vector<8x512xi1>, vector<8x512xi32>
      %lt3A_1309 = arith.cmpi slt, %broadcast_in_dim3A_40, %add3A_1290 : vector<8x512xi32>
      %add3A_1310 = arith.constant 1 : i32
      %add3A_1311 = vector.broadcast %add3A_1310 : i32 to vector<8x512xi32>
      %add3A_1312 = arith.addi %select_n3A_1308, %add3A_1311 : vector<8x512xi32>
      %select_n3A_1313 = arith.select %lt3A_1309, %add3A_1312, %select_n3A_1308 : vector<8x512xi1>, vector<8x512xi32>
      %lt3A_1314 = arith.cmpi slt, %broadcast_in_dim3A_43, %add3A_1290 : vector<8x512xi32>
      %add3A_1315 = arith.constant 1 : i32
      %add3A_1316 = vector.broadcast %add3A_1315 : i32 to vector<8x512xi32>
      %add3A_1317 = arith.addi %select_n3A_1313, %add3A_1316 : vector<8x512xi32>
      %select_n3A_1318 = arith.select %lt3A_1314, %add3A_1317, %select_n3A_1313 : vector<8x512xi1>, vector<8x512xi32>
      %lt3A_1319 = arith.cmpi slt, %broadcast_in_dim3A_46, %add3A_1290 : vector<8x512xi32>
      %add3A_1320 = arith.constant 1 : i32
      %add3A_1321 = vector.broadcast %add3A_1320 : i32 to vector<8x512xi32>
      %add3A_1322 = arith.addi %select_n3A_1318, %add3A_1321 : vector<8x512xi32>
      %select_n3A_1323 = arith.select %lt3A_1319, %add3A_1322, %select_n3A_1318 : vector<8x512xi1>, vector<8x512xi32>
      %lt3A_1324 = arith.cmpi slt, %broadcast_in_dim3A_49, %add3A_1290 : vector<8x512xi32>
      %add3A_1325 = arith.constant 1 : i32
      %add3A_1326 = vector.broadcast %add3A_1325 : i32 to vector<8x512xi32>
      %add3A_1327 = arith.addi %select_n3A_1323, %add3A_1326 : vector<8x512xi32>
      %select_n3A_1328 = arith.select %lt3A_1324, %add3A_1327, %select_n3A_1323 : vector<8x512xi1>, vector<8x512xi32>
      %lt3A_1329 = arith.cmpi slt, %broadcast_in_dim3A_52, %add3A_1290 : vector<8x512xi32>
      %add3A_1330 = arith.constant 1 : i32
      %add3A_1331 = vector.broadcast %add3A_1330 : i32 to vector<8x512xi32>
      %add3A_1332 = arith.addi %select_n3A_1328, %add3A_1331 : vector<8x512xi32>
      %select_n3A_1333 = arith.select %lt3A_1329, %add3A_1332, %select_n3A_1328 : vector<8x512xi1>, vector<8x512xi32>
      %swap3A_1334 = arith.constant 176 : index
      %swap3A_1335 = arith.constant 0 : index
      %swap3A_1336 = vector.load %arg4[%swap3A_1334, %swap3A_1335] : memref<200x512xi32, #tpu.memory_space<vmem>>, vector<8x512xi32>
      tpu.vector_store %arg4[%swap3A_1334, %swap3A_1335], %select_n3A_1333 {strides = array<i32>} : memref<200x512xi32, #tpu.memory_space<vmem>>, vector<8x512xi32>,
      %get3A_1337 = arith.constant 184 : index
      %get3A_1338 = arith.constant 0 : index
      %get3A_1339 = vector.load %arg3[%get3A_1337, %get3A_1338] : memref<200x512xi32, #tpu.memory_space<vmem>>, vector<8x512xi32>
      %lt3A_1340 = arith.constant 23 : i32
      %lt3A_1341 = arith.cmpi slt, %scan3A_25, %lt3A_1340 : i32
      %jit3A_1342 = arith.constant 1 : i32
      %jit3A_1343 = arith.constant 0 : i32
      %select_n3A_1344 = arith.select %lt3A_1341, %jit3A_1342, %jit3A_1343 : i32
      %add3A_1345 = vector.broadcast %select_n3A_1344 : i32 to vector<8x512xi32>
      %add3A_1346 = arith.addi %get3A_1339, %add3A_1345 : vector<8x512xi32>
      %get3A_1347 = arith.constant 184 : index
      %get3A_1348 = arith.constant 0 : index
      %get3A_1349 = vector.load %arg4[%get3A_1347, %get3A_1348] : memref<200x512xi32, #tpu.memory_space<vmem>>, vector<8x512xi32>
      %lt3A_1350 = arith.cmpi slt, %broadcast_in_dim3A_31, %add3A_1346 : vector<8x512xi32>
      %add3A_1351 = arith.constant 1 : i32
      %add3A_1352 = vector.broadcast %add3A_1351 : i32 to vector<8x512xi32>
      %add3A_1353 = arith.addi %get3A_1349, %add3A_1352 : vector<8x512xi32>
      %select_n3A_1354 = arith.select %lt3A_1350, %add3A_1353, %get3A_1349 : vector<8x512xi1>, vector<8x512xi32>
      %lt3A_1355 = arith.cmpi slt, %broadcast_in_dim3A_34, %add3A_1346 : vector<8x512xi32>
      %add3A_1356 = arith.constant 1 : i32
      %add3A_1357 = vector.broadcast %add3A_1356 : i32 to vector<8x512xi32>
      %add3A_1358 = arith.addi %select_n3A_1354, %add3A_1357 : vector<8x512xi32>
      %select_n3A_1359 = arith.select %lt3A_1355, %add3A_1358, %select_n3A_1354 : vector<8x512xi1>, vector<8x512xi32>
      %lt3A_1360 = arith.cmpi slt, %broadcast_in_dim3A_37, %add3A_1346 : vector<8x512xi32>
      %add3A_1361 = arith.constant 1 : i32
      %add3A_1362 = vector.broadcast %add3A_1361 : i32 to vector<8x512xi32>
      %add3A_1363 = arith.addi %select_n3A_1359, %add3A_1362 : vector<8x512xi32>
      %select_n3A_1364 = arith.select %lt3A_1360, %add3A_1363, %select_n3A_1359 : vector<8x512xi1>, vector<8x512xi32>
      %lt3A_1365 = arith.cmpi slt, %broadcast_in_dim3A_40, %add3A_1346 : vector<8x512xi32>
      %add3A_1366 = arith.constant 1 : i32
      %add3A_1367 = vector.broadcast %add3A_1366 : i32 to vector<8x512xi32>
      %add3A_1368 = arith.addi %select_n3A_1364, %add3A_1367 : vector<8x512xi32>
      %select_n3A_1369 = arith.select %lt3A_1365, %add3A_1368, %select_n3A_1364 : vector<8x512xi1>, vector<8x512xi32>
      %lt3A_1370 = arith.cmpi slt, %broadcast_in_dim3A_43, %add3A_1346 : vector<8x512xi32>
      %add3A_1371 = arith.constant 1 : i32
      %add3A_1372 = vector.broadcast %add3A_1371 : i32 to vector<8x512xi32>
      %add3A_1373 = arith.addi %select_n3A_1369, %add3A_1372 : vector<8x512xi32>
      %select_n3A_1374 = arith.select %lt3A_1370, %add3A_1373, %select_n3A_1369 : vector<8x512xi1>, vector<8x512xi32>
      %lt3A_1375 = arith.cmpi slt, %broadcast_in_dim3A_46, %add3A_1346 : vector<8x512xi32>
      %add3A_1376 = arith.constant 1 : i32
      %add3A_1377 = vector.broadcast %add3A_1376 : i32 to vector<8x512xi32>
      %add3A_1378 = arith.addi %select_n3A_1374, %add3A_1377 : vector<8x512xi32>
      %select_n3A_1379 = arith.select %lt3A_1375, %add3A_1378, %select_n3A_1374 : vector<8x512xi1>, vector<8x512xi32>
      %lt3A_1380 = arith.cmpi slt, %broadcast_in_dim3A_49, %add3A_1346 : vector<8x512xi32>
      %add3A_1381 = arith.constant 1 : i32
      %add3A_1382 = vector.broadcast %add3A_1381 : i32 to vector<8x512xi32>
      %add3A_1383 = arith.addi %select_n3A_1379, %add3A_1382 : vector<8x512xi32>
      %select_n3A_1384 = arith.select %lt3A_1380, %add3A_1383, %select_n3A_1379 : vector<8x512xi1>, vector<8x512xi32>
      %lt3A_1385 = arith.cmpi slt, %broadcast_in_dim3A_52, %add3A_1346 : vector<8x512xi32>
      %add3A_1386 = arith.constant 1 : i32
      %add3A_1387 = vector.broadcast %add3A_1386 : i32 to vector<8x512xi32>
      %add3A_1388 = arith.addi %select_n3A_1384, %add3A_1387 : vector<8x512xi32>
      %select_n3A_1389 = arith.select %lt3A_1385, %add3A_1388, %select_n3A_1384 : vector<8x512xi1>, vector<8x512xi32>
      %swap3A_1390 = arith.constant 184 : index
      %swap3A_1391 = arith.constant 0 : index
      %swap3A_1392 = vector.load %arg4[%swap3A_1390, %swap3A_1391] : memref<200x512xi32, #tpu.memory_space<vmem>>, vector<8x512xi32>
      tpu.vector_store %arg4[%swap3A_1390, %swap3A_1391], %select_n3A_1389 {strides = array<i32>} : memref<200x512xi32, #tpu.memory_space<vmem>>, vector<8x512xi32>,
      %get3A_1393 = arith.constant 192 : index
      %get3A_1394 = arith.constant 0 : index
      %get3A_1395 = vector.load %arg3[%get3A_1393, %get3A_1394] : memref<200x512xi32, #tpu.memory_space<vmem>>, vector<8x512xi32>
      %lt3A_1396 = arith.constant 24 : i32
      %lt3A_1397 = arith.cmpi slt, %scan3A_25, %lt3A_1396 : i32
      %jit3A_1398 = arith.constant 1 : i32
      %jit3A_1399 = arith.constant 0 : i32
      %select_n3A_1400 = arith.select %lt3A_1397, %jit3A_1398, %jit3A_1399 : i32
      %add3A_1401 = vector.broadcast %select_n3A_1400 : i32 to vector<8x512xi32>
      %add3A_1402 = arith.addi %get3A_1395, %add3A_1401 : vector<8x512xi32>
      %get3A_1403 = arith.constant 192 : index
      %get3A_1404 = arith.constant 0 : index
      %get3A_1405 = vector.load %arg4[%get3A_1403, %get3A_1404] : memref<200x512xi32, #tpu.memory_space<vmem>>, vector<8x512xi32>
      %lt3A_1406 = arith.cmpi slt, %broadcast_in_dim3A_31, %add3A_1402 : vector<8x512xi32>
      %add3A_1407 = arith.constant 1 : i32
      %add3A_1408 = vector.broadcast %add3A_1407 : i32 to vector<8x512xi32>
      %add3A_1409 = arith.addi %get3A_1405, %add3A_1408 : vector<8x512xi32>
      %select_n3A_1410 = arith.select %lt3A_1406, %add3A_1409, %get3A_1405 : vector<8x512xi1>, vector<8x512xi32>
      %lt3A_1411 = arith.cmpi slt, %broadcast_in_dim3A_34, %add3A_1402 : vector<8x512xi32>
      %add3A_1412 = arith.constant 1 : i32
      %add3A_1413 = vector.broadcast %add3A_1412 : i32 to vector<8x512xi32>
      %add3A_1414 = arith.addi %select_n3A_1410, %add3A_1413 : vector<8x512xi32>
      %select_n3A_1415 = arith.select %lt3A_1411, %add3A_1414, %select_n3A_1410 : vector<8x512xi1>, vector<8x512xi32>
      %lt3A_1416 = arith.cmpi slt, %broadcast_in_dim3A_37, %add3A_1402 : vector<8x512xi32>
      %add3A_1417 = arith.constant 1 : i32
      %add3A_1418 = vector.broadcast %add3A_1417 : i32 to vector<8x512xi32>
      %add3A_1419 = arith.addi %select_n3A_1415, %add3A_1418 : vector<8x512xi32>
      %select_n3A_1420 = arith.select %lt3A_1416, %add3A_1419, %select_n3A_1415 : vector<8x512xi1>, vector<8x512xi32>
      %lt3A_1421 = arith.cmpi slt, %broadcast_in_dim3A_40, %add3A_1402 : vector<8x512xi32>
      %add3A_1422 = arith.constant 1 : i32
      %add3A_1423 = vector.broadcast %add3A_1422 : i32 to vector<8x512xi32>
      %add3A_1424 = arith.addi %select_n3A_1420, %add3A_1423 : vector<8x512xi32>
      %select_n3A_1425 = arith.select %lt3A_1421, %add3A_1424, %select_n3A_1420 : vector<8x512xi1>, vector<8x512xi32>
      %lt3A_1426 = arith.cmpi slt, %broadcast_in_dim3A_43, %add3A_1402 : vector<8x512xi32>
      %add3A_1427 = arith.constant 1 : i32
      %add3A_1428 = vector.broadcast %add3A_1427 : i32 to vector<8x512xi32>
      %add3A_1429 = arith.addi %select_n3A_1425, %add3A_1428 : vector<8x512xi32>
      %select_n3A_1430 = arith.select %lt3A_1426, %add3A_1429, %select_n3A_1425 : vector<8x512xi1>, vector<8x512xi32>
      %lt3A_1431 = arith.cmpi slt, %broadcast_in_dim3A_46, %add3A_1402 : vector<8x512xi32>
      %add3A_1432 = arith.constant 1 : i32
      %add3A_1433 = vector.broadcast %add3A_1432 : i32 to vector<8x512xi32>
      %add3A_1434 = arith.addi %select_n3A_1430, %add3A_1433 : vector<8x512xi32>
      %select_n3A_1435 = arith.select %lt3A_1431, %add3A_1434, %select_n3A_1430 : vector<8x512xi1>, vector<8x512xi32>
      %lt3A_1436 = arith.cmpi slt, %broadcast_in_dim3A_49, %add3A_1402 : vector<8x512xi32>
      %add3A_1437 = arith.constant 1 : i32
      %add3A_1438 = vector.broadcast %add3A_1437 : i32 to vector<8x512xi32>
      %add3A_1439 = arith.addi %select_n3A_1435, %add3A_1438 : vector<8x512xi32>
      %select_n3A_1440 = arith.select %lt3A_1436, %add3A_1439, %select_n3A_1435 : vector<8x512xi1>, vector<8x512xi32>
      %lt3A_1441 = arith.cmpi slt, %broadcast_in_dim3A_52, %add3A_1402 : vector<8x512xi32>
      %add3A_1442 = arith.constant 1 : i32
      %add3A_1443 = vector.broadcast %add3A_1442 : i32 to vector<8x512xi32>
      %add3A_1444 = arith.addi %select_n3A_1440, %add3A_1443 : vector<8x512xi32>
      %select_n3A_1445 = arith.select %lt3A_1441, %add3A_1444, %select_n3A_1440 : vector<8x512xi1>, vector<8x512xi32>
      %swap3A_1446 = arith.constant 192 : index
      %swap3A_1447 = arith.constant 0 : index
      %swap3A_1448 = vector.load %arg4[%swap3A_1446, %swap3A_1447] : memref<200x512xi32, #tpu.memory_space<vmem>>, vector<8x512xi32>
      tpu.vector_store %arg4[%swap3A_1446, %swap3A_1447], %select_n3A_1445 {strides = array<i32>} : memref<200x512xi32, #tpu.memory_space<vmem>>, vector<8x512xi32>,
      %get3A_1449 = arith.index_cast %multiple_of3A : i32 to index
      %get3A_1450 = arith.constant 0 : index
      %get3A_1451 = vector.load %arg4[%get3A_1449, %get3A_1450] : memref<200x512xi32, #tpu.memory_space<vmem>>, vector<8x512xi32>
      %eq3A = arith.cmpi eq, %broadcast_in_dim3A_31, %get3A_29 : vector<8x512xi32>
      %gt3A = arith.constant 0 : i32
      %gt3A_1452 = vector.broadcast %gt3A : i32 to vector<8x512xi32>
      %gt3A_1453 = arith.cmpi sgt, %iota3A, %gt3A_1452 : vector<8x512xi32>
      %and3A = arith.andi %eq3A, %gt3A_1453 : vector<8x512xi1>
      %add3A_1454 = arith.constant 1 : i32
      %add3A_1455 = vector.broadcast %add3A_1454 : i32 to vector<8x512xi32>
      %add3A_1456 = arith.addi %get3A_1451, %add3A_1455 : vector<8x512xi32>
      %select_n3A_1457 = arith.select %and3A, %add3A_1456, %get3A_1451 : vector<8x512xi1>, vector<8x512xi32>
      %eq3A_1458 = arith.cmpi eq, %broadcast_in_dim3A_34, %get3A_29 : vector<8x512xi32>
      %gt3A_1459 = arith.constant 1 : i32
      %gt3A_1460 = vector.broadcast %gt3A_1459 : i32 to vector<8x512xi32>
      %gt3A_1461 = arith.cmpi sgt, %iota3A, %gt3A_1460 : vector<8x512xi32>
      %and3A_1462 = arith.andi %eq3A_1458, %gt3A_1461 : vector<8x512xi1>
      %add3A_1463 = arith.constant 1 : i32
      %add3A_1464 = vector.broadcast %add3A_1463 : i32 to vector<8x512xi32>
      %add3A_1465 = arith.addi %select_n3A_1457, %add3A_1464 : vector<8x512xi32>
      %select_n3A_1466 = arith.select %and3A_1462, %add3A_1465, %select_n3A_1457 : vector<8x512xi1>, vector<8x512xi32>
      %eq3A_1467 = arith.cmpi eq, %broadcast_in_dim3A_37, %get3A_29 : vector<8x512xi32>
      %gt3A_1468 = arith.constant 2 : i32
      %gt3A_1469 = vector.broadcast %gt3A_1468 : i32 to vector<8x512xi32>
      %gt3A_1470 = arith.cmpi sgt, %iota3A, %gt3A_1469 : vector<8x512xi32>
      %and3A_1471 = arith.andi %eq3A_1467, %gt3A_1470 : vector<8x512xi1>
      %add3A_1472 = arith.constant 1 : i32
      %add3A_1473 = vector.broadcast %add3A_1472 : i32 to vector<8x512xi32>
      %add3A_1474 = arith.addi %select_n3A_1466, %add3A_1473 : vector<8x512xi32>
      %select_n3A_1475 = arith.select %and3A_1471, %add3A_1474, %select_n3A_1466 : vector<8x512xi1>, vector<8x512xi32>
      %eq3A_1476 = arith.cmpi eq, %broadcast_in_dim3A_40, %get3A_29 : vector<8x512xi32>
      %gt3A_1477 = arith.constant 3 : i32
      %gt3A_1478 = vector.broadcast %gt3A_1477 : i32 to vector<8x512xi32>
      %gt3A_1479 = arith.cmpi sgt, %iota3A, %gt3A_1478 : vector<8x512xi32>
      %and3A_1480 = arith.andi %eq3A_1476, %gt3A_1479 : vector<8x512xi1>
      %add3A_1481 = arith.constant 1 : i32
      %add3A_1482 = vector.broadcast %add3A_1481 : i32 to vector<8x512xi32>
      %add3A_1483 = arith.addi %select_n3A_1475, %add3A_1482 : vector<8x512xi32>
      %select_n3A_1484 = arith.select %and3A_1480, %add3A_1483, %select_n3A_1475 : vector<8x512xi1>, vector<8x512xi32>
      %eq3A_1485 = arith.cmpi eq, %broadcast_in_dim3A_43, %get3A_29 : vector<8x512xi32>
      %gt3A_1486 = arith.constant 4 : i32
      %gt3A_1487 = vector.broadcast %gt3A_1486 : i32 to vector<8x512xi32>
      %gt3A_1488 = arith.cmpi sgt, %iota3A, %gt3A_1487 : vector<8x512xi32>
      %and3A_1489 = arith.andi %eq3A_1485, %gt3A_1488 : vector<8x512xi1>
      %add3A_1490 = arith.constant 1 : i32
      %add3A_1491 = vector.broadcast %add3A_1490 : i32 to vector<8x512xi32>
      %add3A_1492 = arith.addi %select_n3A_1484, %add3A_1491 : vector<8x512xi32>
      %select_n3A_1493 = arith.select %and3A_1489, %add3A_1492, %select_n3A_1484 : vector<8x512xi1>, vector<8x512xi32>
      %eq3A_1494 = arith.cmpi eq, %broadcast_in_dim3A_46, %get3A_29 : vector<8x512xi32>
      %gt3A_1495 = arith.constant 5 : i32
      %gt3A_1496 = vector.broadcast %gt3A_1495 : i32 to vector<8x512xi32>
      %gt3A_1497 = arith.cmpi sgt, %iota3A, %gt3A_1496 : vector<8x512xi32>
      %and3A_1498 = arith.andi %eq3A_1494, %gt3A_1497 : vector<8x512xi1>
      %add3A_1499 = arith.constant 1 : i32
      %add3A_1500 = vector.broadcast %add3A_1499 : i32 to vector<8x512xi32>
      %add3A_1501 = arith.addi %select_n3A_1493, %add3A_1500 : vector<8x512xi32>
      %select_n3A_1502 = arith.select %and3A_1498, %add3A_1501, %select_n3A_1493 : vector<8x512xi1>, vector<8x512xi32>
      %eq3A_1503 = arith.cmpi eq, %broadcast_in_dim3A_49, %get3A_29 : vector<8x512xi32>
      %gt3A_1504 = arith.constant 6 : i32
      %gt3A_1505 = vector.broadcast %gt3A_1504 : i32 to vector<8x512xi32>
      %gt3A_1506 = arith.cmpi sgt, %iota3A, %gt3A_1505 : vector<8x512xi32>
      %and3A_1507 = arith.andi %eq3A_1503, %gt3A_1506 : vector<8x512xi1>
      %add3A_1508 = arith.constant 1 : i32
      %add3A_1509 = vector.broadcast %add3A_1508 : i32 to vector<8x512xi32>
      %add3A_1510 = arith.addi %select_n3A_1502, %add3A_1509 : vector<8x512xi32>
      %select_n3A_1511 = arith.select %and3A_1507, %add3A_1510, %select_n3A_1502 : vector<8x512xi1>, vector<8x512xi32>
      %eq3A_1512 = arith.cmpi eq, %broadcast_in_dim3A_52, %get3A_29 : vector<8x512xi32>
      %gt3A_1513 = arith.constant 7 : i32
      %gt3A_1514 = vector.broadcast %gt3A_1513 : i32 to vector<8x512xi32>
      %gt3A_1515 = arith.cmpi sgt, %iota3A, %gt3A_1514 : vector<8x512xi32>
      %and3A_1516 = arith.andi %eq3A_1512, %gt3A_1515 : vector<8x512xi1>
      %add3A_1517 = arith.constant 1 : i32
      %add3A_1518 = vector.broadcast %add3A_1517 : i32 to vector<8x512xi32>
      %add3A_1519 = arith.addi %select_n3A_1511, %add3A_1518 : vector<8x512xi32>
      %select_n3A_1520 = arith.select %and3A_1516, %add3A_1519, %select_n3A_1511 : vector<8x512xi1>, vector<8x512xi32>
      %swap3A_1521 = arith.index_cast %multiple_of3A : i32 to index
      %swap3A_1522 = arith.constant 0 : index
      %swap3A_1523 = vector.load %arg4[%swap3A_1521, %swap3A_1522] : memref<200x512xi32, #tpu.memory_space<vmem>>, vector<8x512xi32>
      tpu.vector_store %arg4[%swap3A_1521, %swap3A_1522], %select_n3A_1520 {strides = array<i32>} : memref<200x512xi32, #tpu.memory_space<vmem>>, vector<8x512xi32>,
    }
    %scan3A_15 = arith.constant 25 : i32
    %get3A_16 = arith.constant 0 : index
    %get3A_17 = arith.constant 0 : index
    %get3A_18 = vector.load %arg4[%get3A_16, %get3A_17] : memref<200x512xi32, #tpu.memory_space<vmem>>, vector<200x512xi32>
    %transpose3A_19 = tpu.transpose %get3A_18, [1, 0] : vector<200x512xi32> -> vector<512x200xi32>
    %broadcast_in_dim3A_20 = arith.constant 0 : i32
    %broadcast_in_dim3A_21 = vector.broadcast %broadcast_in_dim3A_20 : i32 to vector<512x56xi32>
    %concatenate3A = tpu.concatenate %transpose3A_19, %broadcast_in_dim3A_21 in 1 : vector<512x200xi32>, vector<512x56xi32> -> vector<512x256xi32>
    %swap3A_22 = arith.constant 0 : index
    %swap3A_23 = arith.constant 0 : index
    %swap3A_24 = vector.load %arg2[%swap3A_22, %swap3A_23] : memref<512x256xi32, #tpu.memory_space<vmem>>, vector<512x256xi32>
    tpu.vector_store %arg2[%swap3A_22, %swap3A_23], %concatenate3A {strides = array<i32>} : memref<512x256xi32, #tpu.memory_space<vmem>>, vector<512x256xi32>,
    return
  }
  func.func @transform_0(%arg0: i32) -> (i32, i32) {
    %c0_i32 = arith.constant 0 : i32
    %c0_i32_0 = arith.constant 0 : i32
    return %arg0, %c0_i32 : i32, i32
  }
  func.func @transform_1(%arg0: i32) -> (i32, i32) {
    %c0_i32 = arith.constant 0 : i32
    %c0_i32_0 = arith.constant 0 : i32
    return %arg0, %c0_i32 : i32, i32
  }
}

</mosaic_0001>

<sc_bundles>
// kernel: kernel.4.cloned.1.call-start
scs
__scs_entry_jumppad:
0x0: {  	(pc) =	sbr.rel $0x88, $3  }
0x1: {  	(tag) =	ssettag $0x0;
	lr =	simm.s32 $0x1  }
0x2: {  	[smem:$0x3F9F] =	sst lr;
	_ =	strace $0xD0000000  }
0x3: {  	_ = 	snop  }
0x4: {  	_ = 	snop  }
0x5: {  	_ = 	snop  }
0x6: {  	_ = 	snop  }
0x7: {  	_ = 	snop  }
__scs_overlays_trampoline_lowered:
0x8: {  	[smem:$0x3FAE] =	sst s0  }
0x9: {  	[smem:$0x3FAF] =	sst s1  }
0xa: {  	[smem:$0x3FB0] =	sst s2  }
0xb: {  	[smem:$0x3FB1] =	sst s3  }
0xc: {  	[smem:$0x3FB2] =	sst s4  }
0xd: {  	[smem:$0x3FB3] =	sst s5  }
0xe: {  	[smem:$0x3FB4] =	sst s6  }
0xf: {  	[smem:$0x3FB5] =	sst s7  }
0x10: {  	[smem:$0x3FB6] =	sst s8  }
0x11: {  	[smem:$0x3FB7] =	sst s9;
	s0 =	simm.s32 @!p0 $0x0  }
0x12: {  	s1 =	sld [smem:$0x3F9D];
	s0 =	simm.s32 @p0 $0x1  }
0x13: {  	[smem:$0x3FB8] =	sst s0;
	s0 =	simm.s32 @!p1 $0x0  }
0x14: {  	s2 =	sld [smem:$0x3F9C];
	s0 =	simm.s32 @p1 $0x1  }
0x15: {  	[smem:$0x3FB9] =	sst s0;
	s0 =	simm.s32 @!p2 $0x0  }
0x16: {  	s3 =	sld [smem:$0x3FDB];
	s0 =	simm.s32 @p2 $0x1  }
0x17: {  	s4 =	simm.s32 $0x1BF5;
	[smem:$0x3FBB] =	sst s0  }
0x18: {  	s0 =	sld [smem:$0x3F9E];
	_ =	swait.ge [sflag:s4], $0x0  }
0x19: {  	s7 =	sld [smem:$0x3F9F]  }
0x1a: {  	s8 =	sadd.s32 $0xFFFFE003, lr  }
0x1b: {  	s9 =	sadd.s32 $0xFFFFFEF7, lr;
	s5 =	simm.s32 $0xFFFFFFFF;
	p2 =	slt.u32 s8, $0xFFFFF086  }
0x1c: {  	p1 =	slt.u32 s9, $0xF7A;
	s5 =	simm.s32 @!p2 $0x0  }
0x1d: {  	s5 =	simm.s32 @p1 $0x1;
	p0 =	seq.s32 s7, s2  }
0x1e: {  	s7 =	smul.u32 @!p0 $0xF7A, s2;
	p2 =	seq.s32 @!p0 s5, $0x0  }
0x1f: {  	s9 =	smul.u32 $0xF7A, s1;
	s8 =	simm.s32 @!p0 $0x1BF5;
	p2 =	por !p2, p0  }
0x20: {  	[sflag:s8] =	ssyncset.s32 @!p0 $0xFFFFF086;
	s6 =	sadd.s32 @!p0 s3, s7;
	s7 =	simm.s32 @!p0 $0x108  }
0x21: {  	s3 =	sadd.s32 s3, s9;
	s6 =	sadd.s32 @!p0 $0x88, s6;
	s7 =	simm.s32 @p2 $0x1082  }
0x22: {  	[simem:s7], [sflag:s8] =	dma.local @!p0 [hbm:s6], $0xF7A  }
0x23: {  	s9 =	sor.u32 $0xD0000000, s2;
	s6 =	simm.s32 $0x108;
	_ =	swait.ge @!p0 [sflag:s8], $0x0  }
0x24: {  	s3 =	sadd.s32 $0x88, s3;
	s6 =	simm.s32 @!p1 $0x1082;
	[sflag:s4] =	ssyncset.s32 $0xFFFFF086  }
0x25: {  	[simem:s6], [sflag:s4] =	dma.local [hbm:s3], $0xF7A  }
0x26: {  	[smem:$0x3F9F] =	sst s1;
	(tag) =	ssettag s2;
	_ =	strace s9  }
0x27: {  	s1 =	sld [smem:$0x3FAF]  }
0x28: {  	s2 =	sld [smem:$0x3FB0]  }
0x29: {  	s4 =	sld [smem:$0x3FB2]  }
0x2a: {  	p0 =	seq.s32 s5, $0x0;
	s5 =	sld [smem:$0x3FB3]  }
0x2b: {  	s6 =	sld [smem:$0x3FB4]  }
0x2c: {  	s7 =	sld [smem:$0x3FB5]  }
0x2d: {  	s3 =	simm.s32 $0x108;
	s8 =	sld [smem:$0x3FB6]  }
0x2e: {  	s3 =	simm.s32 @!p0 $0x1082;
	s9 =	sld [smem:$0x3FB7]  }
0x2f: {  	lr =	sadd.s32 s0, s3;
	s0 =	sld [smem:$0x3FAE]  }
0x30: {  	s3 =	sld [smem:$0x3FB1]  }
0x31: {  	[smem:$0x3FBA] =	sst s10  }
0x32: {  	s10 =	sld [smem:$0x3FB8];
	_ =	sdelay $0x3  }
0x33: {  	p0 =	seq.s32 s10, $0x1;
	s10 =	sld [smem:$0x3FBA];
	_ =	sdelay $0x3  }
0x34: {  	[smem:$0x3FBA] =	sst s10  }
0x35: {  	s10 =	sld [smem:$0x3FB9];
	_ =	sdelay $0x3  }
0x36: {  	p1 =	seq.s32 s10, $0x1;
	s10 =	sld [smem:$0x3FBA];
	_ =	sdelay $0x3  }
0x37: {  	[smem:$0x3FBA] =	sst s10  }
0x38: {  	s10 =	sld [smem:$0x3FBB]  }
0x39: {  	_ = 	snop;
	(pc) =	sbr.ind lr, $3  }
0x3a: {  	_ = 	snop  }
0x3b: {  	_ = 	snop  }
0x3c: {  	p2 =	seq.s32 s10, $0x1;
	s10 =	sld [smem:$0x3FBA]  }
0x3d: {  	_ =	shalt  }
0x3e: {  	_ =	shalt  }
0x3f: {  	_ =	shalt  }
0x40: {  	_ =	shalt  }
0x41: {  	_ =	shalt  }
0x42: {  	_ =	shalt  }
0x43: {  	_ =	shalt  }
0x44: {  	_ =	shalt  }
0x45: {  	_ =	shalt  }
0x46: {  	_ =	shalt  }
0x47: {  	_ =	shalt  }
0x48: {  	_ =	shalt  }
0x49: {  	_ =	shalt  }
0x4a: {  	_ =	shalt  }
0x4b: {  	_ =	shalt  }
0x4c: {  	_ =	shalt  }
0x4d: {  	_ =	shalt  }
0x4e: {  	_ =	shalt  }
0x4f: {  	_ =	shalt  }
0x50: {  	_ =	shalt  }
0x51: {  	_ =	shalt  }
0x52: {  	_ =	shalt  }
0x53: {  	_ =	shalt  }
0x54: {  	_ =	shalt  }
0x55: {  	_ =	shalt  }
0x56: {  	_ =	shalt  }
0x57: {  	_ =	shalt  }
0x58: {  	_ =	shalt  }
0x59: {  	_ =	shalt  }
0x5a: {  	_ =	shalt  }
0x5b: {  	_ =	shalt  }
0x5c: {  	_ =	shalt  }
0x5d: {  	_ =	shalt  }
0x5e: {  	_ =	shalt  }
0x5f: {  	_ =	shalt  }
0x60: {  	_ =	shalt  }
0x61: {  	_ =	shalt  }
0x62: {  	_ =	shalt  }
0x63: {  	_ =	shalt  }
0x64: {  	_ =	shalt  }
0x65: {  	_ =	shalt  }
0x66: {  	_ =	shalt  }
0x67: {  	_ =	shalt  }
0x68: {  	_ =	shalt  }
0x69: {  	_ =	shalt  }
0x6a: {  	_ =	shalt  }
0x6b: {  	_ =	shalt  }
0x6c: {  	_ =	shalt  }
0x6d: {  	_ =	shalt  }
0x6e: {  	_ =	shalt  }
0x6f: {  	_ =	shalt  }
0x70: {  	_ =	shalt  }
0x71: {  	_ =	shalt  }
0x72: {  	_ =	shalt  }
0x73: {  	_ =	shalt  }
0x74: {  	_ =	shalt  }
0x75: {  	_ =	shalt  }
0x76: {  	_ =	shalt  }
0x77: {  	_ =	shalt  }
0x78: {  	_ =	shalt  }
0x79: {  	_ =	shalt  }
0x7a: {  	_ =	shalt  }
0x7b: {  	_ =	shalt  }
0x7c: {  	_ =	shalt  }
0x7d: {  	_ =	shalt  }
0x7e: {  	_ =	shalt  }
0x7f: {  	_ =	shalt  }
0x80: {  	_ =	shalt  }
0x81: {  	_ =	shalt  }
0x82: {  	_ =	shalt  }
0x83: {  	_ =	shalt  }
0x84: {  	_ =	shalt  }
0x85: {  	_ =	shalt  }
0x86: {  	_ =	shalt  }
0x87: {  	_ =	shalt  }
.Lfunc_end0:
.L_simem_size_0:
called_computation.1_lowered:
.L_overlay_start_0:
0x88: {  	s2 =	sld [smem:$0x3FD9]  }
0x89: {  	s3 =	sld [smem:$0x3FFE];
	_ =	sdelay $0x1  }
0x8a: {  	s1 =	srdreg.scid  }
0x8b: {  	s0 =	sand.u32 $0x1, s1  }
0x8c: {  	s17 =	sshll.u32 s0, $0xA;
	s2 =	sadd.s32 s3, s2  }
0x8d: {  	s2 =	sadd.s32 s2, s17  }
0x8e: {  	[smem:$0x3FC6] =	sst s2  }
0x8f: {  	_ = 	snop  }
0x90: {  	s2 =	sld [smem:$0x3FD0];
	(tm) =	ssettm $0x1  }
0x91: {  	s18 =	sld [smem:$0x3FFB];
	_ =	sdelay $0x3  }
0x92: {  	_ =	strace s18  }
0x93: {  	s3 =	sld [smem:$0x3FFC];
	_ =	sdelay $0x3  }
0x94: {  	_ =	strace s3  }
0x95: {  	s3 =	sld [smem:$0x3FFD];
	_ =	sdelay $0x3  }
0x96: {  	_ =	strace s3  }
0x97: {  	_ =	strace $0x8FFFFFFF  }
0x98: {  	s19 =	sld [smem:$0x3FDB];
	_ =	sdelay $0x1  }
0x99: {  	s4 =	simm.s32 $_scs_section_size  }
0x9a: {  	s5 =	simm.s32 $_size__tile_overlayer_lowered;
	s6 =	simm.s32 $_tile_overlayer_lowered  }
0x9b: {  	s22 =	simm.s32 $0x1BFF;
	s21 =	sshll.u32 s6, $0x1;
	s3 =	sadd.s32 s4, s19  }
0x9c: {  	s7 =	simm.s32 $0x0;
	s20 =	sshll.u32 s5, $0x1;
	s5 =	sadd.s32 s21, s3  }
0x9d: {  	[timem:s7], [sflag:s22] =	dma.local [hbm:s5], s20  }
0x9e: {  	_ =	swait.ge [sflag:s22], s20  }
0x9f: {  	s4 =	ssub.s32 $0x0, s20;
	[sflag:s22] =	ssyncset.done $0x0  }
0xa0: {  	[sflag:s22] =	ssyncadd.s32 s4;
	_ =	sdelay $0x1  }
0xa1: {  	s23 =	simm.s32 $0x1B8B  }
0xa2: {  	_ =	swait.ge [sflag:s23], $0x1  }
0xa3: {  	[sflag:s23] =	ssyncset.done $0x0  }
0xa4: {  	s25 =	simm.s32 $0x1B8E;
	s24 =	sld [smem:$0x3FFE];
	[sflag:s23] =	ssyncadd.s32 $0xFFFFFFFF  }
0xa5: {  	s26 =	simm.s32 $execute0_lowered;
	[smem:$0x3FD2] =	sst s25  }
0xa6: {  	s5 =	sshll.u32 s26, $0x1;
	_ =	strace $0x80000046;
	[dreg:$0x1] =	wrdreg $0xFFFFFFFF  }
0xa7: {  	s28 =	simm.s32 $_size_execute0_lowered;
	s3 =	sadd.s32 s3, s5;
	[dreg:$0x0] =	wrdreg $0x0  }
0xa8: {  	s5 =	sshll.u32 s28, $0x1;
	[dreg:$0x2] =	wrdreg s3  }
0xa9: {  	[dreg:$0x3] =	wrdreg s5  }
0xaa: {  	[dreg:$0x4] =	wrdreg $0xC0  }
0xab: {  	_ =	task [dreg:s7], $0x5FFFF  }
0xac: {  	[dreg:$0x1] =	wrdreg $0xFFFFFFFF  }
0xad: {  	[dreg:$0x0] =	wrdreg $0x60  }
0xae: {  	[dreg:$0x2] =	wrdreg s24  }
0xaf: {  	[dreg:$0x3] =	wrdreg s2  }
0xb0: {  	[dreg:$0x4] =	wrdreg $0x0  }
0xb1: {  	[dreg:$0x5] =	wrdreg $0x9  }
0xb2: {  	_ =	task.clear_ibuf [dreg:s7], $0x6FFFF;
	_ =	strace $0x90000046  }
0xb3: {  	s29 =	simm.s32 $0x9;
	_ =	strace $0x80000048  }
0xb4: {  	_ =	swait.ge [sflag:s29], $0x1  }
0xb5: {  	[sflag:s29] =	ssyncadd.s32 $0xFFFFFFFF  }
0xb6: {  	_ =	strace $0x90000048  }
0xb7: {  	_ =	sfence  }
0xb8: {  	s30 =	sld [smem:$0x0];
	_ =	sdelay $0x2  }
0xb9: {  	s31 =	sshll.u32 s1, $0xD;
	s1 =	sshrl.u32 s1, $0x2  }
0xba: {  	s3 =	sand.u32 $0x4000, s31;
	s1 =	sadd.s32 s1, s30  }
0xbb: {  	s0 =	sor.u32 s3, s0;
	s1 =	sshll.u32 s1, $0x11  }
0xbc: {  	s0 =	sor.u32 s1, s0  }
0xbd: {  	s0 =	sadd.s32 $0x8F2B, s0  }
0xbe: {  	[sflag:s0] =	ssyncadd.remote.s32 $0x1  }
0xbf: {  	_ =	sfence.sel $0xFFFF  }
0xc0: {  	[dreg:$0x0] =	wrdreg $0xFFFFFFFF;
	(pc) =	sbr.abs _section_cstart, $3  }
0xc1: {  	[dreg:$0x1] =	wrdreg $0xFFFFFFFF  }
0xc2: {  	_ =	task.clear_ibuf [dreg:s7], $0x2FFFF;
	_ =	strace $0x9FFFFFFF  }
0xc3: {  	(tm) =	ssettm $0x7FFFFFFF  }
tec
execute0_lowered:
.L_overlay_start_1:
0x0: {  	(tag) =	ssettag $0x1  }
0x1: {  	s4 =	rddreg [dreg:$0x0]  }
0x2: {  	s7 =	rddreg [dreg:$0x1]  }
0x3: {  	s1 =	rddreg [dreg:$0x2]  }
0x4: {  	s0 =	rddreg [dreg:$0x3]  }
0x5: {  	s2 =	simm.s32 $0x0;
	s5 =	srdreg.scid;
	s9 =	stileid.u32  }
0x6: {  	s21 =	simm.s32 $0x4320;
	s22 =	simm.s32 $0x5520;
	s24 =	simm.s32 $0x7520  }
0x7: {  	s25 =	simm.s32 $0x8720;
	s26 =	simm.s32 $0xA720;
	[smem:$0x7FF] =	sst s2  }
0x8: {  	s28 =	simm.s32 $0xB920;
	_ =	strace $0x80000047;
	[dreg:$0x4] =	wrdreg s21  }
0x9: {  	s29 =	simm.s32 $0xD920;
	s30 =	simm.s32 $0x10B20;
	[dreg:$0x5] =	wrdreg s22  }
0xa: {  	s31 =	simm.s32 $0x11D20;
	s12 =	simm.s32 $0x13D20;
	[dreg:$0x6] =	wrdreg s24  }
0xb: {  	s13 =	simm.s32 $0x14F20;
	s14 =	simm.s32 $0x16F20;
	[dreg:$0x7] =	wrdreg s25  }
0xc: {  	s15 =	simm.s32 $0x18120;
	s16 =	simm.s32 $0x1A120;
	[dreg:$0x8] =	wrdreg s26  }
0xd: {  	s17 =	simm.s32 $0x3;
	s18 =	simm.s32 $0x4;
	[dreg:$0x9] =	wrdreg s28  }
0xe: {  	s19 =	simm.s32 $0x0;
	s3 =	sadd.s32 $0x800, s4;
	[dreg:$0xa] =	wrdreg s29  }
0xf: {  	s8 =	sand.u32 $0x1, s5;
	s4 =	sadd.s32 $0x1000, s4;
	[dreg:$0xb] =	wrdreg s30  }
0x10: {  	s10 =	sshll.u32 s9, $0xA;
	s23 =	smul.u32 $0x190000, s9;
	[dreg:$0xc] =	wrdreg s31  }
0x11: {  	p0 =	sne.s32 s9, $0x0;
	s9 =	simm.s32 $0x320;
	[dreg:$0xd] =	wrdreg s12  }
0x12: {  	s5 =	ssub.s32 $0x2, s8;
	s11 =	sshll.u32 s8, $0x9;
	[dreg:$0xe] =	wrdreg s13  }
0x13: {  	s8 =	smul.u32 $0xC8000, s8;
	s12 =	simm.s32 $0x2320;
	[dreg:$0xf] =	wrdreg s14  }
0x14: {  	s13 =	simm.s32 $0x48;
	s14 =	simm.s32 $0x1;
	[dreg:$0x10] =	wrdreg s15  }
0x15: {  	s15 =	simm.s32 $0xEB20;
	[dreg:$0x11] =	wrdreg s16;
	s6 =	sshrl.u32 s5, $0x1  }
0x16: {  	s16 =	simm.s32 $0x2;
	s7 =	sadd.s32 s23, s7;
	s6 =	ssub.s32 s5, s6  }
0x17: {  	s5 =	sor.u32 s11, s10;
	s7 =	sadd.s32 s8, s7;
	s8 =	sshrl.u32 @!p0 s1, $0x3  }
0x18: {  	s10 =	simm.s32 $0x5;
	s11 =	simm.s32 $0x80;
	s6 =	smax.u32 s6, $0x1  }
.LBB2_1:
0x19: {  	s20 =	simm.s32 @!p0 $0x1C05  }
0x1a: {  	[spmem:s8], [sflag:s20] =	dma.local @!p0 [hbm:s3], $0x640  }
0x1b: {  	s20 =	simm.s32 @!p0 $0x5  }
0x1c: {  	_ =	swait.ge @!p0 [sflag:s20], $0x640  }
0x1d: {  	[sflag:s20] =	ssyncset.done @!p0 $0x0  }
0x1e: {  	[sflag:s20] =	ssyncadd.s32 @!p0 $0xFFFFF9C0  }
0x1f: {  	s21 =	simm.s32 $0x0;
	s20 =	smov.u32 s7;
	[bflag:$0x0] =	sbarrier.arrive $0xFFFF  }
.LBB2_2:
0x20: {  	s22 =	sshll.u32 s21, $0x5  }
0x21: {  	s22 =	sadd.s32 s5, s22  }
0x22: {  	s22 =	sshll.u32 s22, $0x5  }
0x23: {  	s23 =	simm.s32 $0x0;
	s22 =	sadd.s32 s4, s22  }
0x24: {  	[tilespmem:s9], [sflag:$0x5] =	stream.linear.gather [hbm4b:s22+s23], $0x2000, $0x38;
	[tilespmem:$0x1B320] =	vst v63  }
0x25: {  	s29 =	sor.u32 s21, s23;
	_ =	swait.ge [sflag:s10], $0x2000  }
0x26: {  	p1 =	seq.s32 s29, $0x0;
	[sflag:s10] =	ssyncset.done $0x0  }
0x27: {  	s22 =	simm.s32 @!p1 $0x3;
	[sflag:s10] =	ssyncadd.s32 $0xFFFFE000  }
0x28: {  	_ =	swait.ge @!p1 [sflag:s22], $0xC800  }
0x29: {  	[sflag:s22] =	ssyncset.done @!p1 $0x0  }
0x2a: {  	s30 =	simm.s32 $0x320;
	[sflag:s22] =	ssyncadd.s32 @!p1 $0xFFFF3800  }
0x2b: {  	[tilespmem:s12], [sflag:$0x1] =	stream.indirect.gather [spmem:s1], $0x40, s30, s11, $0xb8;
	[tilespmem:$0x1B320] =	vst v63  }
0x2c: {  	s25 =	simm.s32 $0x3A0;
	s31 =	rddreg [dreg:$0x4]  }
0x2d: {  	[tilespmem:s31], [sflag:$0x1] =	stream.indirect.gather [spmem:s1], $0x40, s25, s13, $0xb8;
	[tilespmem:$0x1B320] =	vst v63  }
0x2e: {  	s26 =	simm.s32 $0x420;
	s24 =	rddreg [dreg:$0x5]  }
0x2f: {  	[tilespmem:s24], [sflag:$0x1] =	stream.indirect.gather [spmem:s1], $0x40, s26, s11, $0xb8;
	[tilespmem:$0x1B320] =	vst v63  }
0x30: {  	s29 =	rddreg [dreg:$0x6];
	s30 =	simm.s32 $0x4A0  }
0x31: {  	[tilespmem:s29], [sflag:$0x1] =	stream.indirect.gather [spmem:s1], $0x40, s30, s13, $0xb8;
	[tilespmem:$0x1B320] =	vst v63  }
0x32: {  	s23 =	simm.s32 $0x520;
	s31 =	rddreg [dreg:$0x7]  }
0x33: {  	[tilespmem:s31], [sflag:$0x1] =	stream.indirect.gather [spmem:s1], $0x40, s23, s11, $0xb8;
	[tilespmem:$0x1B320] =	vst v63  }
0x34: {  	s25 =	rddreg [dreg:$0x8];
	s26 =	simm.s32 $0x5A0  }
0x35: {  	[tilespmem:s25], [sflag:$0x1] =	stream.indirect.gather [spmem:s1], $0x40, s26, s13, $0xb8;
	[tilespmem:$0x1B320] =	vst v63  }
0x36: {  	s29 =	rddreg [dreg:$0x9];
	s30 =	simm.s32 $0x620  }
0x37: {  	[tilespmem:s29], [sflag:$0x1] =	stream.indirect.gather [spmem:s1], $0x40, s30, s11, $0xb8;
	[tilespmem:$0x1B320] =	vst v63  }
0x38: {  	s31 =	rddreg [dreg:$0xa];
	s25 =	simm.s32 $0x6A0  }
0x39: {  	[tilespmem:s31], [sflag:$0x1] =	stream.indirect.gather [spmem:s1], $0x40, s25, s13, $0xb8;
	[tilespmem:$0x1B320] =	vst v63  }
0x3a: {  	_ =	swait.ge [sflag:s14], $0x2000  }
0x3b: {  	[sflag:s14] =	ssyncset.done $0x0  }
0x3c: {  	[sflag:s14] =	ssyncadd.s32 $0xFFFFE000  }
0x3d: {  	_ =	swait.ge [sflag:s14], $0x1200  }
0x3e: {  	[sflag:s14] =	ssyncset.done $0x0  }
0x3f: {  	[sflag:s14] =	ssyncadd.s32 $0xFFFFEE00  }
0x40: {  	_ =	swait.ge [sflag:s14], $0x2000  }
0x41: {  	[sflag:s14] =	ssyncset.done $0x0  }
0x42: {  	[sflag:s14] =	ssyncadd.s32 $0xFFFFE000  }
0x43: {  	_ =	swait.ge [sflag:s14], $0x1200  }
0x44: {  	[sflag:s14] =	ssyncset.done $0x0  }
0x45: {  	[sflag:s14] =	ssyncadd.s32 $0xFFFFEE00  }
0x46: {  	_ =	swait.ge [sflag:s14], $0x2000  }
0x47: {  	[sflag:s14] =	ssyncset.done $0x0  }
0x48: {  	[sflag:s14] =	ssyncadd.s32 $0xFFFFE000  }
0x49: {  	_ =	swait.ge [sflag:s14], $0x1200  }
0x4a: {  	[sflag:s14] =	ssyncset.done $0x0  }
0x4b: {  	[sflag:s14] =	ssyncadd.s32 $0xFFFFEE00  }
0x4c: {  	_ =	swait.ge [sflag:s14], $0x2000  }
0x4d: {  	[sflag:s14] =	ssyncset.done $0x0  }
0x4e: {  	[sflag:s14] =	ssyncadd.s32 $0xFFFFE000  }
0x4f: {  	_ =	swait.ge [sflag:s14], $0x1200  }
0x50: {  	[sflag:s14] =	ssyncset.done $0x0  }
0x51: {  	s22 =	simm.s32 @!p1 $0x4;
	[sflag:s14] =	ssyncadd.s32 $0xFFFFEE00  }
0x52: {  	[hbm4b:s20+s2] =	stream.linear.scatter [tilespmem:s12], [sflag:$0x3], $0xC800, $0x38;
	[tilespmem:$0x1B320] =	vst v63  }
0x53: {  	_ =	swait.ge @!p1 [sflag:s22], $0xC800  }
0x54: {  	[sflag:s22] =	ssyncset.done @!p1 $0x0  }
0x55: {  	s26 =	simm.s32 $0x720;
	[sflag:s22] =	ssyncadd.s32 @!p1 $0xFFFF3800  }
0x56: {  	[tilespmem:s15], [sflag:$0x2] =	stream.indirect.gather [spmem:s1], $0x40, s26, s11, $0xb8;
	[tilespmem:$0x1B320] =	vst v63  }
0x57: {  	s30 =	simm.s32 $0x7A0;
	s29 =	rddreg [dreg:$0xb]  }
0x58: {  	[tilespmem:s29], [sflag:$0x2] =	stream.indirect.gather [spmem:s1], $0x40, s30, s13, $0xb8;
	[tilespmem:$0x1B320] =	vst v63  }
0x59: {  	s23 =	simm.s32 $0x820;
	s31 =	rddreg [dreg:$0xc]  }
0x5a: {  	[tilespmem:s31], [sflag:$0x2] =	stream.indirect.gather [spmem:s1], $0x40, s23, s11, $0xb8;
	[tilespmem:$0x1B320] =	vst v63  }
0x5b: {  	s25 =	rddreg [dreg:$0xd];
	s26 =	simm.s32 $0x8A0  }
0x5c: {  	[tilespmem:s25], [sflag:$0x2] =	stream.indirect.gather [spmem:s1], $0x40, s26, s13, $0xb8;
	[tilespmem:$0x1B320] =	vst v63  }
0x5d: {  	s29 =	rddreg [dreg:$0xe];
	s30 =	simm.s32 $0x920  }
0x5e: {  	[tilespmem:s29], [sflag:$0x2] =	stream.indirect.gather [spmem:s1], $0x40, s30, s11, $0xb8;
	[tilespmem:$0x1B320] =	vst v63  }
0x5f: {  	s31 =	rddreg [dreg:$0xf];
	s25 =	simm.s32 $0x9A0  }
0x60: {  	[tilespmem:s31], [sflag:$0x2] =	stream.indirect.gather [spmem:s1], $0x40, s25, s13, $0xb8;
	[tilespmem:$0x1B320] =	vst v63  }
0x61: {  	s26 =	rddreg [dreg:$0x10];
	s29 =	simm.s32 $0xA20  }
0x62: {  	[tilespmem:s26], [sflag:$0x2] =	stream.indirect.gather [spmem:s1], $0x40, s29, s11, $0xb8;
	[tilespmem:$0x1B320] =	vst v63  }
0x63: {  	s30 =	rddreg [dreg:$0x11];
	s31 =	simm.s32 $0xAA0  }
0x64: {  	[tilespmem:s30], [sflag:$0x2] =	stream.indirect.gather [spmem:s1], $0x40, s31, s13, $0xb8;
	[tilespmem:$0x1B320] =	vst v63  }
0x65: {  	_ =	swait.ge [sflag:s16], $0x2000  }
0x66: {  	[sflag:s16] =	ssyncset.done $0x0  }
0x67: {  	[sflag:s16] =	ssyncadd.s32 $0xFFFFE000  }
0x68: {  	_ =	swait.ge [sflag:s16], $0x1200  }
0x69: {  	[sflag:s16] =	ssyncset.done $0x0  }
0x6a: {  	[sflag:s16] =	ssyncadd.s32 $0xFFFFEE00  }
0x6b: {  	_ =	swait.ge [sflag:s16], $0x2000  }
0x6c: {  	[sflag:s16] =	ssyncset.done $0x0  }
0x6d: {  	[sflag:s16] =	ssyncadd.s32 $0xFFFFE000  }
0x6e: {  	_ =	swait.ge [sflag:s16], $0x1200  }
0x6f: {  	[sflag:s16] =	ssyncset.done $0x0  }
0x70: {  	[sflag:s16] =	ssyncadd.s32 $0xFFFFEE00  }
0x71: {  	_ =	swait.ge [sflag:s16], $0x2000  }
0x72: {  	[sflag:s16] =	ssyncset.done $0x0  }
0x73: {  	[sflag:s16] =	ssyncadd.s32 $0xFFFFE000  }
0x74: {  	_ =	swait.ge [sflag:s16], $0x1200  }
0x75: {  	[sflag:s16] =	ssyncset.done $0x0  }
0x76: {  	[sflag:s16] =	ssyncadd.s32 $0xFFFFEE00  }
0x77: {  	_ =	swait.ge [sflag:s16], $0x2000  }
0x78: {  	s28 =	sadd.s32 $0x1900, s20;
	[sflag:s16] =	ssyncset.done $0x0  }
0x79: {  	s24 =	simm.s32 $0x4000;
	s25 =	simm.s32 $0x1;
	[sflag:s16] =	ssyncadd.s32 $0xFFFFE000  }
0x7a: {  	s22 =	sadd.s32 $0x3200, s20;
	s26 =	sor.u32 s21, s25;
	_ =	swait.ge [sflag:s16], $0x1200  }
0x7b: {  	s23 =	simm.s32 $0x2000;
	p2 =	seq.s32 s26, $0x0;
	[sflag:s16] =	ssyncset.done $0x0  }
.LBB2_3:
0x7c: {  	s29 =	simm.s32 @!p2 $0x3;
	[sflag:s16] =	ssyncadd.s32 $0xFFFFEE00  }
0x7d: {  	[hbm4b:s28+s2] =	stream.linear.scatter [tilespmem:s15], [sflag:$0x4], $0xC800, $0x38;
	[tilespmem:$0x1B320] =	vst v63  }
0x7e: {  	_ =	swait.ge @!p2 [sflag:s29], $0xC800  }
0x7f: {  	s28 =	sshra.s32 s23, $0x2;
	[sflag:s29] =	ssyncset.done @!p2 $0x0  }
0x80: {  	s30 =	smov.u32 s24;
	s31 =	sadd.s32 $0x320, s28;
	[sflag:s29] =	ssyncadd.s32 @!p2 $0xFFFF3800  }
0x81: {  	[tilespmem:s12], [sflag:$0x1] =	stream.indirect.gather [spmem:s1], $0x40, s31, s11, $0xb8;
	[tilespmem:$0x1B320] =	vst v63  }
0x82: {  	s23 =	smov.u32 s30;
	s30 =	rddreg [dreg:$0x4];
	s29 =	sadd.s32 $0x3A0, s28  }
0x83: {  	[tilespmem:s30], [sflag:$0x1] =	stream.indirect.gather [spmem:s1], $0x40, s29, s13, $0xb8;
	[tilespmem:$0x1B320] =	vst v63  }
0x84: {  	s31 =	rddreg [dreg:$0x5];
	s29 =	sadd.s32 $0x420, s28  }
0x85: {  	[tilespmem:s31], [sflag:$0x1] =	stream.indirect.gather [spmem:s1], $0x40, s29, s11, $0xb8;
	[tilespmem:$0x1B320] =	vst v63  }
0x86: {  	s30 =	rddreg [dreg:$0x6];
	s29 =	sadd.s32 $0x4A0, s28  }
0x87: {  	[tilespmem:s30], [sflag:$0x1] =	stream.indirect.gather [spmem:s1], $0x40, s29, s13, $0xb8;
	[tilespmem:$0x1B320] =	vst v63  }
0x88: {  	s31 =	rddreg [dreg:$0x7];
	s29 =	sadd.s32 $0x520, s28  }
0x89: {  	[tilespmem:s31], [sflag:$0x1] =	stream.indirect.gather [spmem:s1], $0x40, s29, s11, $0xb8;
	[tilespmem:$0x1B320] =	vst v63  }
0x8a: {  	s30 =	rddreg [dreg:$0x8];
	s29 =	sadd.s32 $0x5A0, s28  }
0x8b: {  	[tilespmem:s30], [sflag:$0x1] =	stream.indirect.gather [spmem:s1], $0x40, s29, s13, $0xb8;
	[tilespmem:$0x1B320] =	vst v63  }
0x8c: {  	s31 =	rddreg [dreg:$0x9];
	s29 =	sadd.s32 $0x620, s28  }
0x8d: {  	[tilespmem:s31], [sflag:$0x1] =	stream.indirect.gather [spmem:s1], $0x40, s29, s11, $0xb8;
	[tilespmem:$0x1B320] =	vst v63  }
0x8e: {  	s30 =	rddreg [dreg:$0xa];
	s31 =	sadd.s32 $0x6A0, s28  }
0x8f: {  	[tilespmem:s30], [sflag:$0x1] =	stream.indirect.gather [spmem:s1], $0x40, s31, s13, $0xb8;
	[tilespmem:$0x1B320] =	vst v63  }
0x90: {  	_ =	swait.ge [sflag:s14], $0x2000  }
0x91: {  	[sflag:s14] =	ssyncset.done $0x0  }
0x92: {  	[sflag:s14] =	ssyncadd.s32 $0xFFFFE000  }
0x93: {  	_ =	swait.ge [sflag:s14], $0x1200  }
0x94: {  	[sflag:s14] =	ssyncset.done $0x0  }
0x95: {  	[sflag:s14] =	ssyncadd.s32 $0xFFFFEE00  }
0x96: {  	_ =	swait.ge [sflag:s14], $0x2000  }
0x97: {  	[sflag:s14] =	ssyncset.done $0x0  }
0x98: {  	[sflag:s14] =	ssyncadd.s32 $0xFFFFE000  }
0x99: {  	_ =	swait.ge [sflag:s14], $0x1200  }
0x9a: {  	[sflag:s14] =	ssyncset.done $0x0  }
0x9b: {  	[sflag:s14] =	ssyncadd.s32 $0xFFFFEE00  }
0x9c: {  	_ =	swait.ge [sflag:s14], $0x2000  }
0x9d: {  	[sflag:s14] =	ssyncset.done $0x0  }
0x9e: {  	[sflag:s14] =	ssyncadd.s32 $0xFFFFE000  }
0x9f: {  	_ =	swait.ge [sflag:s14], $0x1200  }
0xa0: {  	[sflag:s14] =	ssyncset.done $0x0  }
0xa1: {  	[sflag:s14] =	ssyncadd.s32 $0xFFFFEE00  }
0xa2: {  	_ =	swait.ge [sflag:s14], $0x2000  }
0xa3: {  	[sflag:s14] =	ssyncset.done $0x0  }
0xa4: {  	[sflag:s14] =	ssyncadd.s32 $0xFFFFE000  }
0xa5: {  	_ =	swait.ge [sflag:s14], $0x1200  }
0xa6: {  	[sflag:s14] =	ssyncset.done $0x0  }
0xa7: {  	s29 =	simm.s32 @!p2 $0x4;
	[sflag:s14] =	ssyncadd.s32 $0xFFFFEE00  }
0xa8: {  	[hbm4b:s22+s2] =	stream.linear.scatter [tilespmem:s12], [sflag:$0x3], $0xC800, $0x38;
	[tilespmem:$0x1B320] =	vst v63  }
0xa9: {  	_ =	swait.ge @!p2 [sflag:s29], $0xC800  }
0xaa: {  	[sflag:s29] =	ssyncset.done @!p2 $0x0  }
0xab: {  	s31 =	sadd.s32 $0x720, s28;
	[sflag:s29] =	ssyncadd.s32 @!p2 $0xFFFF3800  }
0xac: {  	[tilespmem:s15], [sflag:$0x2] =	stream.indirect.gather [spmem:s1], $0x40, s31, s11, $0xb8;
	[tilespmem:$0x1B320] =	vst v63  }
0xad: {  	s30 =	rddreg [dreg:$0xb];
	s29 =	sadd.s32 $0x7A0, s28  }
0xae: {  	[tilespmem:s30], [sflag:$0x2] =	stream.indirect.gather [spmem:s1], $0x40, s29, s13, $0xb8;
	[tilespmem:$0x1B320] =	vst v63  }
0xaf: {  	s31 =	rddreg [dreg:$0xc];
	s29 =	sadd.s32 $0x820, s28  }
0xb0: {  	[tilespmem:s31], [sflag:$0x2] =	stream.indirect.gather [spmem:s1], $0x40, s29, s11, $0xb8;
	[tilespmem:$0x1B320] =	vst v63  }
0xb1: {  	s30 =	rddreg [dreg:$0xd];
	s29 =	sadd.s32 $0x8A0, s28  }
0xb2: {  	[tilespmem:s30], [sflag:$0x2] =	stream.indirect.gather [spmem:s1], $0x40, s29, s13, $0xb8;
	[tilespmem:$0x1B320] =	vst v63  }
0xb3: {  	s31 =	rddreg [dreg:$0xe];
	s29 =	sadd.s32 $0x920, s28  }
0xb4: {  	[tilespmem:s31], [sflag:$0x2] =	stream.indirect.gather [spmem:s1], $0x40, s29, s11, $0xb8;
	[tilespmem:$0x1B320] =	vst v63  }
0xb5: {  	s30 =	rddreg [dreg:$0xf];
	s29 =	sadd.s32 $0x9A0, s28  }
0xb6: {  	[tilespmem:s30], [sflag:$0x2] =	stream.indirect.gather [spmem:s1], $0x40, s29, s13, $0xb8;
	[tilespmem:$0x1B320] =	vst v63  }
0xb7: {  	s31 =	rddreg [dreg:$0x10];
	s29 =	sadd.s32 $0xA20, s28  }
0xb8: {  	[tilespmem:s31], [sflag:$0x2] =	stream.indirect.gather [spmem:s1], $0x40, s29, s11, $0xb8;
	[tilespmem:$0x1B320] =	vst v63  }
0xb9: {  	s30 =	rddreg [dreg:$0x11];
	s28 =	sadd.s32 $0xAA0, s28  }
0xba: {  	[tilespmem:s30], [sflag:$0x2] =	stream.indirect.gather [spmem:s1], $0x40, s28, s13, $0xb8;
	[tilespmem:$0x1B320] =	vst v63  }
0xbb: {  	_ =	swait.ge [sflag:s16], $0x2000  }
0xbc: {  	[sflag:s16] =	ssyncset.done $0x0  }
0xbd: {  	[sflag:s16] =	ssyncadd.s32 $0xFFFFE000  }
0xbe: {  	_ =	swait.ge [sflag:s16], $0x1200  }
0xbf: {  	[sflag:s16] =	ssyncset.done $0x0  }
0xc0: {  	[sflag:s16] =	ssyncadd.s32 $0xFFFFEE00  }
0xc1: {  	_ =	swait.ge [sflag:s16], $0x2000  }
0xc2: {  	[sflag:s16] =	ssyncset.done $0x0  }
0xc3: {  	[sflag:s16] =	ssyncadd.s32 $0xFFFFE000  }
0xc4: {  	_ =	swait.ge [sflag:s16], $0x1200  }
0xc5: {  	[sflag:s16] =	ssyncset.done $0x0  }
0xc6: {  	[sflag:s16] =	ssyncadd.s32 $0xFFFFEE00  }
0xc7: {  	_ =	swait.ge [sflag:s16], $0x2000  }
0xc8: {  	[sflag:s16] =	ssyncset.done $0x0  }
0xc9: {  	[sflag:s16] =	ssyncadd.s32 $0xFFFFE000  }
0xca: {  	_ =	swait.ge [sflag:s16], $0x1200  }
0xcb: {  	s24 =	sadd.s32 $0x2000, s24;
	[sflag:s16] =	ssyncset.done $0x0  }
0xcc: {  	p1 =	sne.s32 s24, $0x8000;
	[sflag:s16] =	ssyncadd.s32 $0xFFFFEE00  }
.Ltmp0:
0xcd: {  	_ =	swait.ge [sflag:s16], $0x2000;
	(pc) =	sbr.rel @p1 .LBB2_3-.Ltmp0, $4  }
0xce: {  	[sflag:s16] =	ssyncset.done $0x0  }
0xcf: {  	s26 =	smov.u32 s22;
	s25 =	sadd.s32 $0x1, s25;
	[sflag:s16] =	ssyncadd.s32 $0xFFFFE000  }
0xd0: {  	s22 =	sadd.s32 $0x3200, s22;
	s28 =	sor.u32 s21, s25;
	_ =	swait.ge [sflag:s16], $0x1200  }
0xd1: {  	p2 =	seq.s32 s28, $0x0;
	s28 =	sadd.s32 $0x1900, s26;
	[sflag:s16] =	ssyncset.done $0x0  }
0xd2: {  	s24 =	simm.s32 @!p2 $0x3;
	[sflag:s16] =	ssyncadd.s32 $0xFFFFEE00  }
0xd3: {  	[hbm4b:s28+s2] =	stream.linear.scatter [tilespmem:s15], [sflag:$0x4], $0xC800, $0x38;
	[tilespmem:$0x1B320] =	vst v63  }
0xd4: {  	_ =	swait.ge @!p2 [sflag:s24], $0xC800  }
0xd5: {  	s23 =	sshra.s32 s23, $0x2;
	[sflag:s24] =	ssyncset.done @!p2 $0x0  }
0xd6: {  	s28 =	sadd.s32 $0x320, s23;
	[sflag:s24] =	ssyncadd.s32 @!p2 $0xFFFF3800  }
0xd7: {  	[tilespmem:s12], [sflag:$0x1] =	stream.indirect.gather [spmem:s1], $0x40, s28, s11, $0xb8;
	[tilespmem:$0x1B320] =	vst v63  }
0xd8: {  	s29 =	sadd.s32 $0x3A0, s23;
	s25 =	rddreg [dreg:$0x4]  }
0xd9: {  	[tilespmem:s25], [sflag:$0x1] =	stream.indirect.gather [spmem:s1], $0x40, s29, s13, $0xb8;
	[tilespmem:$0x1B320] =	vst v63  }
0xda: {  	s30 =	sadd.s32 $0x420, s23;
	s26 =	rddreg [dreg:$0x5]  }
0xdb: {  	[tilespmem:s26], [sflag:$0x1] =	stream.indirect.gather [spmem:s1], $0x40, s30, s11, $0xb8;
	[tilespmem:$0x1B320] =	vst v63  }
0xdc: {  	s31 =	rddreg [dreg:$0x6];
	s28 =	sadd.s32 $0x4A0, s23  }
0xdd: {  	[tilespmem:s31], [sflag:$0x1] =	stream.indirect.gather [spmem:s1], $0x40, s28, s13, $0xb8;
	[tilespmem:$0x1B320] =	vst v63  }
0xde: {  	s29 =	rddreg [dreg:$0x7];
	s30 =	sadd.s32 $0x520, s23  }
0xdf: {  	[tilespmem:s29], [sflag:$0x1] =	stream.indirect.gather [spmem:s1], $0x40, s30, s11, $0xb8;
	[tilespmem:$0x1B320] =	vst v63  }
0xe0: {  	s26 =	sadd.s32 $0x5A0, s23;
	s31 =	rddreg [dreg:$0x8]  }
0xe1: {  	[tilespmem:s31], [sflag:$0x1] =	stream.indirect.gather [spmem:s1], $0x40, s26, s13, $0xb8;
	[tilespmem:$0x1B320] =	vst v63  }
0xe2: {  	s28 =	rddreg [dreg:$0x9];
	s29 =	sadd.s32 $0x620, s23  }
0xe3: {  	[tilespmem:s28], [sflag:$0x1] =	stream.indirect.gather [spmem:s1], $0x40, s29, s11, $0xb8;
	[tilespmem:$0x1B320] =	vst v63  }
0xe4: {  	s30 =	rddreg [dreg:$0xa];
	s31 =	sadd.s32 $0x6A0, s23  }
0xe5: {  	[tilespmem:s30], [sflag:$0x1] =	stream.indirect.gather [spmem:s1], $0x40, s31, s13, $0xb8;
	[tilespmem:$0x1B320] =	vst v63  }
0xe6: {  	_ =	swait.ge [sflag:s14], $0x2000  }
0xe7: {  	[sflag:s14] =	ssyncset.done $0x0  }
0xe8: {  	[sflag:s14] =	ssyncadd.s32 $0xFFFFE000  }
0xe9: {  	_ =	swait.ge [sflag:s14], $0x1200  }
0xea: {  	[sflag:s14] =	ssyncset.done $0x0  }
0xeb: {  	[sflag:s14] =	ssyncadd.s32 $0xFFFFEE00  }
0xec: {  	_ =	swait.ge [sflag:s14], $0x2000  }
0xed: {  	[sflag:s14] =	ssyncset.done $0x0  }
0xee: {  	[sflag:s14] =	ssyncadd.s32 $0xFFFFE000  }
0xef: {  	_ =	swait.ge [sflag:s14], $0x1200  }
0xf0: {  	[sflag:s14] =	ssyncset.done $0x0  }
0xf1: {  	[sflag:s14] =	ssyncadd.s32 $0xFFFFEE00  }
0xf2: {  	_ =	swait.ge [sflag:s14], $0x2000  }
0xf3: {  	[sflag:s14] =	ssyncset.done $0x0  }
0xf4: {  	[sflag:s14] =	ssyncadd.s32 $0xFFFFE000  }
0xf5: {  	_ =	swait.ge [sflag:s14], $0x1200  }
0xf6: {  	[sflag:s14] =	ssyncset.done $0x0  }
0xf7: {  	[sflag:s14] =	ssyncadd.s32 $0xFFFFEE00  }
0xf8: {  	_ =	swait.ge [sflag:s14], $0x2000  }
0xf9: {  	[sflag:s14] =	ssyncset.done $0x0  }
0xfa: {  	[sflag:s14] =	ssyncadd.s32 $0xFFFFE000  }
0xfb: {  	_ =	swait.ge [sflag:s14], $0x1200  }
0xfc: {  	[sflag:s14] =	ssyncset.done $0x0  }
0xfd: {  	s24 =	simm.s32 @!p2 $0x4;
	[sflag:s14] =	ssyncadd.s32 $0xFFFFEE00  }
0xfe: {  	[hbm4b:s22+s2] =	stream.linear.scatter [tilespmem:s12], [sflag:$0x3], $0xC800, $0x38;
	[tilespmem:$0x1B320] =	vst v63  }
0xff: {  	_ =	swait.ge @!p2 [sflag:s24], $0xC800  }
0x100: {  	[sflag:s24] =	ssyncset.done @!p2 $0x0  }
0x101: {  	s25 =	sadd.s32 $0x720, s23;
	[sflag:s24] =	ssyncadd.s32 @!p2 $0xFFFF3800  }
0x102: {  	[tilespmem:s15], [sflag:$0x2] =	stream.indirect.gather [spmem:s1], $0x40, s25, s11, $0xb8;
	[tilespmem:$0x1B320] =	vst v63  }
0x103: {  	s28 =	sadd.s32 $0x7A0, s23;
	s26 =	rddreg [dreg:$0xb]  }
0x104: {  	[tilespmem:s26], [sflag:$0x2] =	stream.indirect.gather [spmem:s1], $0x40, s28, s13, $0xb8;
	[tilespmem:$0x1B320] =	vst v63  }
0x105: {  	s30 =	sadd.s32 $0x820, s23;
	s29 =	rddreg [dreg:$0xc]  }
0x106: {  	[tilespmem:s29], [sflag:$0x2] =	stream.indirect.gather [spmem:s1], $0x40, s30, s11, $0xb8;
	[tilespmem:$0x1B320] =	vst v63  }
0x107: {  	s31 =	rddreg [dreg:$0xd];
	s28 =	sadd.s32 $0x8A0, s23  }
0x108: {  	[tilespmem:s31], [sflag:$0x2] =	stream.indirect.gather [spmem:s1], $0x40, s28, s13, $0xb8;
	[tilespmem:$0x1B320] =	vst v63  }
0x109: {  	s29 =	rddreg [dreg:$0xe];
	s30 =	sadd.s32 $0x920, s23  }
0x10a: {  	[tilespmem:s29], [sflag:$0x2] =	stream.indirect.gather [spmem:s1], $0x40, s30, s11, $0xb8;
	[tilespmem:$0x1B320] =	vst v63  }
0x10b: {  	s26 =	sadd.s32 $0x9A0, s23;
	s31 =	rddreg [dreg:$0xf]  }
0x10c: {  	[tilespmem:s31], [sflag:$0x2] =	stream.indirect.gather [spmem:s1], $0x40, s26, s13, $0xb8;
	[tilespmem:$0x1B320] =	vst v63  }
0x10d: {  	s28 =	rddreg [dreg:$0x10];
	s29 =	sadd.s32 $0xA20, s23  }
0x10e: {  	[tilespmem:s28], [sflag:$0x2] =	stream.indirect.gather [spmem:s1], $0x40, s29, s11, $0xb8;
	[tilespmem:$0x1B320] =	vst v63  }
0x10f: {  	s30 =	rddreg [dreg:$0x11];
	s23 =	sadd.s32 $0xAA0, s23  }
0x110: {  	[tilespmem:s30], [sflag:$0x2] =	stream.indirect.gather [spmem:s1], $0x40, s23, s13, $0xb8;
	[tilespmem:$0x1B320] =	vst v63  }
0x111: {  	_ =	swait.ge [sflag:s16], $0x2000  }
0x112: {  	[sflag:s16] =	ssyncset.done $0x0  }
0x113: {  	[sflag:s16] =	ssyncadd.s32 $0xFFFFE000  }
0x114: {  	_ =	swait.ge [sflag:s16], $0x1200  }
0x115: {  	[sflag:s16] =	ssyncset.done $0x0  }
0x116: {  	[sflag:s16] =	ssyncadd.s32 $0xFFFFEE00  }
0x117: {  	_ =	swait.ge [sflag:s16], $0x2000  }
0x118: {  	[sflag:s16] =	ssyncset.done $0x0  }
0x119: {  	[sflag:s16] =	ssyncadd.s32 $0xFFFFE000  }
0x11a: {  	_ =	swait.ge [sflag:s16], $0x1200  }
0x11b: {  	[sflag:s16] =	ssyncset.done $0x0  }
0x11c: {  	[sflag:s16] =	ssyncadd.s32 $0xFFFFEE00  }
0x11d: {  	_ =	swait.ge [sflag:s16], $0x2000  }
0x11e: {  	[sflag:s16] =	ssyncset.done $0x0  }
0x11f: {  	[sflag:s16] =	ssyncadd.s32 $0xFFFFE000  }
0x120: {  	_ =	swait.ge [sflag:s16], $0x1200  }
0x121: {  	[sflag:s16] =	ssyncset.done $0x0  }
0x122: {  	[sflag:s16] =	ssyncadd.s32 $0xFFFFEE00  }
0x123: {  	s21 =	sadd.s32 $0x1, s21;
	_ =	swait.ge [sflag:s16], $0x2000  }
0x124: {  	p1 =	sne.s32 s21, $0x10;
	[sflag:s16] =	ssyncset.done $0x0  }
.Ltmp1:
0x125: {  	[sflag:s16] =	ssyncadd.s32 $0xFFFFE000;
	(pc) =	sbr.rel @p1 .LBB2_2-.Ltmp1, $4  }
0x126: {  	_ =	swait.ge [sflag:s16], $0x1200  }
0x127: {  	[sflag:s16] =	ssyncset.done $0x0  }
0x128: {  	s20 =	sadd.s32 $0xC800, s20;
	s31 =	sadd.s32 $0x1900, s22;
	[sflag:s16] =	ssyncadd.s32 $0xFFFFEE00  }
0x129: {  	[hbm4b:s31+s2] =	stream.linear.scatter [tilespmem:s15], [sflag:$0x4], $0xC800, $0x38;
	[tilespmem:$0x1B320] =	vst v63  }
0x12a: {  	s19 =	sadd.s32 $0x1, s19  }
0x12b: {  	_ =	swait.ge [sflag:s17], $0xC800;
	p1 =	sne.s32 s19, s6  }
.Ltmp2:
0x12c: {  	[sflag:s17] =	ssyncset.done $0x0;
	(pc) =	sbr.rel @p1 .LBB2_1-.Ltmp2, $4  }
0x12d: {  	[sflag:s17] =	ssyncadd.s32 $0xFFFF3800  }
0x12e: {  	_ =	swait.ge [sflag:s18], $0xC800  }
0x12f: {  	[sflag:s18] =	ssyncset.done $0x0  }
0x130: {  	[sflag:s18] =	ssyncadd.s32 $0xFFFF3800  }
0x131: {  	_ =	sfence.sel $0x180000  }
0x132: {  	[bflag:$0x0] =	sbarrier.arrive $0xFFFF  }
0x133: {  	_ =	strace $0x90000047  }
0x134: {  	s0 =	sadd.s32 @!p0 $0x100000, s0;
	[bflag:$0x2] =	sbarrier.arrive $0xFFFF  }
0x135: {  	[sflag:s0] =	ssyncadd.tile.s32 @!p0 $0x1;
	_ =	shalt  }
.Lfunc_end2:
_tile_overlayer_lowered:
.L_overlay_start_2:
0x136: {  	(tag) =	ssettag $0x2  }
0x137: {  	s0 =	rddreg [dreg:$0x0];
	s2 =	stileid.u32  }
0x138: {  	s1 =	rddreg [dreg:$0x1];
	p0 =	sne.s32 s2, $0x0  }
0x139: {  	s3 =	rddreg [dreg:$0x2];
	[bflag:$0x3] =	sbarrier.arrive $0xFFFF;
	s2 =	simm.s32 @!p0 $0x1C05  }
0x13a: {  	[timem:s3], [sflag:s2] =	dma.local @!p0 [hbm:s0], s1  }
0x13b: {  	s0 =	simm.s32 @!p0 $0x5  }
0x13c: {  	_ =	swait.ge @!p0 [sflag:s0], s1  }
0x13d: {  	s1 =	ssub.s32 @!p0 $0x0, s1;
	[sflag:s0] =	ssyncset.done @!p0 $0x0  }
0x13e: {  	[sflag:s0] =	ssyncadd.s32 @!p0 s1  }
0x13f: {  	[bflag:$0x3] =	sbarrier.arrive $0xFFFF  }
0x140: {  	_ =	shalt  }

// kernel: sparse-core-data-format-call.cloned.1.call-start
scs
called_computation_lowered:
.L_overlay_start_0:
0x0: {  	s2 =	sld [smem:$0x3FD9]  }
0x1: {  	s3 =	sld [smem:$0x3FFE];
	_ =	sdelay $0x1  }
0x2: {  	s1 =	srdreg.scid  }
0x3: {  	s0 =	sand.u32 $0x1, s1  }
0x4: {  	s18 =	sshll.u32 s0, $0xA;
	s2 =	sadd.s32 s3, s2  }
0x5: {  	s2 =	sadd.s32 s2, s18  }
0x6: {  	[smem:$0x3FC6] =	sst s2  }
0x7: {  	_ = 	snop  }
0x8: {  	s2 =	sld [smem:$0x3FD0];
	(tm) =	ssettm $0x1  }
0x9: {  	s19 =	sld [smem:$0x3FFB];
	_ =	sdelay $0x3  }
0xa: {  	_ =	strace s19  }
0xb: {  	s3 =	sld [smem:$0x3FFC];
	_ =	sdelay $0x3  }
0xc: {  	_ =	strace s3  }
0xd: {  	s3 =	sld [smem:$0x3FFD];
	_ =	sdelay $0x3  }
0xe: {  	_ =	strace s3  }
0xf: {  	_ =	strace $0x8FFFFFFF  }
0x10: {  	s20 =	sld [smem:$0x3FDB];
	_ =	sdelay $0x1  }
0x11: {  	s4 =	simm.s32 $_scs_section_size  }
0x12: {  	s5 =	simm.s32 $_size__tile_overlayer_lowered;
	s6 =	simm.s32 $_tile_overlayer_lowered  }
0x13: {  	s23 =	simm.s32 $0x1BFF;
	s22 =	sshll.u32 s6, $0x1;
	s3 =	sadd.s32 s4, s20  }
0x14: {  	s7 =	simm.s32 $0x0;
	s21 =	sshll.u32 s5, $0x1;
	s5 =	sadd.s32 s22, s3  }
0x15: {  	[timem:s7], [sflag:s23] =	dma.local [hbm:s5], s21  }
0x16: {  	_ =	swait.ge [sflag:s23], s21  }
0x17: {  	s4 =	ssub.s32 $0x0, s21;
	[sflag:s23] =	ssyncset.done $0x0  }
0x18: {  	[sflag:s23] =	ssyncadd.s32 s4;
	_ =	sdelay $0x1  }
0x19: {  	s24 =	simm.s32 $0x1B8B  }
0x1a: {  	_ =	swait.ge [sflag:s24], $0x1  }
0x1b: {  	[sflag:s24] =	ssyncset.done $0x0  }
0x1c: {  	s26 =	simm.s32 $0x1B8E;
	s25 =	sld [smem:$0x3FFE];
	[sflag:s24] =	ssyncadd.s32 $0xFFFFFFFF  }
0x1d: {  	s27 =	simm.s32 $execute0_lowered;
	[smem:$0x3FD2] =	sst s26  }
0x1e: {  	s5 =	sshll.u32 s27, $0x1;
	_ =	strace $0x80000049;
	[dreg:$0x1] =	wrdreg $0xFFFFFFFF  }
0x1f: {  	s28 =	simm.s32 $_size_execute0_lowered;
	s3 =	sadd.s32 s3, s5;
	[dreg:$0x0] =	wrdreg $0x0  }
0x20: {  	s5 =	sshll.u32 s28, $0x1;
	[dreg:$0x2] =	wrdreg s3  }
0x21: {  	[dreg:$0x3] =	wrdreg s5  }
0x22: {  	[dreg:$0x4] =	wrdreg $0xC0  }
0x23: {  	_ =	task [dreg:s7], $0x5FFFF  }
0x24: {  	[dreg:$0x1] =	wrdreg $0xFFFFFFFF  }
0x25: {  	[dreg:$0x0] =	wrdreg $0x60  }
0x26: {  	[dreg:$0x2] =	wrdreg s25  }
0x27: {  	[dreg:$0x3] =	wrdreg s2  }
0x28: {  	[dreg:$0x4] =	wrdreg $0x9  }
0x29: {  	_ =	task.clear_ibuf [dreg:s7], $0x5FFFF;
	_ =	strace $0x90000049  }
0x2a: {  	s29 =	simm.s32 $0x9;
	_ =	strace $0x8000004B  }
0x2b: {  	_ =	swait.ge [sflag:s29], $0x1  }
0x2c: {  	[sflag:s29] =	ssyncadd.s32 $0xFFFFFFFF  }
0x2d: {  	_ =	strace $0x9000004B  }
0x2e: {  	_ =	sfence  }
0x2f: {  	s30 =	sld [smem:$0x0];
	_ =	sdelay $0x2  }
0x30: {  	s31 =	sshll.u32 s1, $0xD;
	s1 =	sshrl.u32 s1, $0x2  }
0x31: {  	s3 =	sand.u32 $0x4000, s31;
	s1 =	sadd.s32 s1, s30  }
0x32: {  	s0 =	sor.u32 s3, s0;
	s1 =	sshll.u32 s1, $0x11  }
0x33: {  	s0 =	sor.u32 s1, s0  }
0x34: {  	s0 =	sadd.s32 $0x8F2B, s0  }
0x35: {  	[sflag:s0] =	ssyncadd.remote.s32 $0x1  }
0x36: {  	_ =	sfence.sel $0xFFFF  }
0x37: {  	[dreg:$0x0] =	wrdreg $0xFFFFFFFF;
	(pc) =	sbr.abs _section_cstart, $3  }
0x38: {  	[dreg:$0x1] =	wrdreg $0xFFFFFFFF  }
0x39: {  	_ =	task.clear_ibuf [dreg:s7], $0x2FFFF;
	_ =	strace $0x9FFFFFFF  }
0x3a: {  	(tm) =	ssettm $0x7FFFFFFF  }
0x3b: {  	_ =	shalt  }
tec
execute0_lowered:
.L_overlay_start_1:
0x0: {  	(tag) =	ssettag $0x1  }
0x1: {  	s0 =	srdreg.scid  }
0x2: {  	s1 =	sshll.u32 s0, $0x4  }
0x3: {  	s0 =	stileid.u32;
	s1 =	sand.u32 $0x10, s1  }
0x4: {  	s1 =	sor.u32 s0, s1  }
0x5: {  	s6 =	rddreg [dreg:$0x0];
	s4 =	simm.s32 $0x1;
	s2 =	sshll.u32 s1, $0x7  }
0x6: {  	s7 =	simm.s32 $0x2;
	s12 =	simm.s32 $0x0;
	s1 =	ssub.s32 $0x4000, s2  }
0x7: {  	s8 =	simm.s32 $0x20000;
	s13 =	simm.s32 $0x0;
	s3 =	sand.u32 $0xF80, s1  }
0x8: {  	s9 =	simm.s32 $0x0;
	s5 =	sshrl.u32 s1, $0xC;
	p0 =	sne.s32 s3, $0x0  }
.Ltmp0:
0x9: {  	s1 =	rddreg [dreg:$0x2];
	s4 =	simm.s32 @!p0 $0x0;
	(pc) =	sbr.rel .LBB1_1-.Ltmp0, $4  }
0xa: {  	s11 =	simm.s32 $0x0;
	s3 =	rddreg [dreg:$0x1];
	s5 =	sadd.s32 s4, s5  }
0xb: {  	_ =	strace $0x8000004A;
	s4 =	simm.s32 $0x1;
	s5 =	smul.u32 $0xC8, s5  }
0xc: {  	s6 =	sadd.s32 $0x800, s6;
	s10 =	smov.u32 s2;
	[sflag:s4] =	ssyncpa.u1 $0x0  }
0xd: {  	p0 =	por $0x0, $0x0;
	[sflag:s7] =	ssyncpa.u1 $0x0;
	s7 =	sor.u32 $0x1, s5  }
.LBB1_4:
0xe: {  	s16 =	sshll.u32 s13, $0x3;
	s17 =	sand.u32 $0x78, s13  }
0xf: {  	s30 =	sand.u32 $0x1F800, s13;
	s12 =	sshll.u32 s12, $0x11;
	s16 =	sand.u32 $0x3C00, s16  }
0x10: {  	[tilespmem:s15+$0x810 ss:$0x81] =	vst.msk $0xffff, v2;
	s31 =	sand.u32 $0x7, s13;
	s16 =	sor.u32 s17, s16;
	s17 =	sadd.s32 s3, s30  }
0x11: {  	[tilespmem:s15+$0x1020 ss:$0x81] =	vst.msk $0xffff, v0;
	s13 =	sshll.u32 s31, $0x12;
	s12 =	sadd.s32 s12, s17;
	s16 =	sshrl.u32 s16, $0x3  }
0x12: {  	[tilespmem:s15+$0x0 ss:$0x81] =	vst.msk $0xffff, v1;
	s13 =	sor.u32 $0x400, s13;
	s12 =	sadd.s32 s16, s12  }
0x13: {  	[hbm4b:s12+s13] =	stream.strided.scatter [tilespmem:s14], [sflag:$0x2], $0x2000, s8, s13, $0x20;
	[tilespmem:$0x8080] =	vst v63  }
.LBB1_5:
0x14: {  	s14 =	sadd.s32 $0x1, s9  }
0x15: {  	s12 =	sadd.s32 $0x1000, s10;
	s16 =	smov.u32 s10;
	p2 =	sgt.s32 s14, $0xC7  }
0x16: {  	s16 =	smov.u32 @p2 s12  }
0x17: {  	s14 =	simm.s32 @p2 $0x0;
	p2 =	sgt.s32 s16, $0x3FFF  }
0x18: {  	s16 =	smov.u32 @p2 s2;
	p2 =	sne.s32 s11, s7  }
.Ltmp1:
0x19: {  	p1 =	slt.u32 s11, $0x2;
	(pc) =	sbr.rel @!p2 .LBB1_6-.Ltmp1, $4  }
0x1a: {  	s15 =	simm.s32 @!p1 $0x2  }
0x1b: {  	s13 =	smov.u32 s10;
	p0 =	por !p0, !p0;
	_ =	swait.ge @!p1 [sflag:s15], $0x2000  }
0x1c: {  	s12 =	smov.u32 s9;
	[sflag:s15] =	ssyncset.done @!p1 $0x0;
	s9 =	smov.u32 s14  }
0x1d: {  	s11 =	sadd.s32 $0x1, s11;
	[sflag:s15] =	ssyncadd.s32 @!p1 $0xFFFFE000;
	s10 =	smov.u32 s16  }
.LBB1_1:
0x1e: {  	p1 =	sge.u32 s11, s5  }
0x1f: {  	s14 =	sand.u32 @!p1 $0x1FFFFFF, s9  }
0x20: {  	s15 =	smulhi.u32 @!p1 $0x147AE15, s14;
	_ =	sdelay $0x1  }
0x21: {  	s15 =	smul.u32 @!p1 $0xC8, s15  }
0x22: {  	s16 =	sxor.u32 @!p1 $0xFFFFFFFF, s11;
	s17 =	smul.u32 @!p1 $0xC80, s10  }
0x23: {  	s31 =	sadd.s32 $0xFFFFFFFF, s11;
	s16 =	sshll.u32 @!p1 s16, $0xD;
	s14 =	ssub.s32 @!p1 s14, s15  }
0x24: {  	s15 =	sand.u32 @!p1 $0x2000, s16;
	s16 =	sadd.s32 @!p1 s6, s17;
	s14 =	sshll.u32 @!p1 s14, $0x4  }
0x25: {  	s17 =	simm.s32 @!p1 $0x6400;
	s14 =	sadd.s32 @!p1 s14, s16;
	s16 =	simm.s32 @!p1 $0x40  }
0x26: {  	[tilespmem:s15], [sflag:$0x1] =	stream.strided.gather @!p1 [hbm4b:s14+s16], $0x2000, s17, s16, $0x38;
	[tilespmem:$0x8080] =	vst v63  }
0x27: {  	p1 =	sge.u32 s31, s5  }
.Ltmp2:
0x28: {  	_ = 	snop;
	(pc) =	sbr.rel @p1 .LBB1_5-.Ltmp2, $1  }
0x29: {  	_ =	sdelay $0x3  }
0x2a: {  	s14 =	simm.s32 $0x1  }
0x2b: {  	_ =	swait.ge [sflag:s4], $0x2000;
	s14 =	simm.s32 @!p0 $0x0  }
0x2c: {  	[sflag:s4] =	ssyncset.done $0x0;
	s15 =	sshll.u32 s14, $0xD  }
0x2d: {  	[sflag:s4] =	ssyncadd.s32 $0xFFFFE000;
	s18 =	sor.u32 $0x20, s15  }
0x2e: {  	s14 =	smul.u32 $0x8100, s14;
	v3 =	vld [tilespmem:s18+$0x10]  }
0x2f: {  	s30 =	sand.u32 $0x1, s11;
	v2 =	vld [tilespmem:s18+$0xFFFFFFF0]  }
0x30: {  	s15 =	smul.u32 $0x8100, s30;
	s14 =	sshrl.u32 s14, $0x2;
	v0 =	vld [tilespmem:s18+$0x0]  }
0x31: {  	v1 =	vld [tilespmem:s18+$0xFFFFFFE0];
	s16 =	sor.u32 $0x4000, s14  }
0x32: {  	s31 =	sshrl.u32 s15, $0x2;
	s15 =	sadd.s32 $0x0, s16  }
0x33: {  	s17 =	simm.s32 $0x4;
	s18 =	sadd.s32 $0x40, s18;
	s14 =	sor.u32 $0x4000, s31;
	[tilespmem:s15+$0x1830 ss:$0x81] =	vst.msk $0xffff, v3  }
.LBB1_3:
0x34: {  	v3 =	vld [tilespmem:s18+$0x10];
	p1 =	sne.s32 s17, $0x1FC;
	[tilespmem:s15+$0x810 ss:$0x81] =	vst.msk $0xffff, v2;
	s19 =	smov.u32 s17;
	s17 =	sadd.s32 $0x4, s17  }
.Ltmp3:
0x35: {  	v2 =	vld [tilespmem:s18+$0xFFFFFFF0];
	[tilespmem:s15+$0x1020 ss:$0x81] =	vst.msk $0xffff, v0;
	(pc) =	sbr.rel @p1 .LBB1_3-.Ltmp3, $4  }
0x36: {  	v0 =	vld [tilespmem:s18+$0x0];
	[tilespmem:s15+$0x0 ss:$0x81] =	vst.msk $0xffff, v1  }
0x37: {  	s15 =	sshra.s32 s19, $0x2;
	v1 =	vld [tilespmem:s18+$0xFFFFFFE0]  }
0x38: {  	s15 =	sadd.s32 s15, s16  }
0x39: {  	s18 =	sadd.s32 $0x40, s18;
	[tilespmem:s15+$0x1830 ss:$0x81] =	vst.msk $0xffff, v3  }
.Ltmp4:
0x3a: {  	_ = 	snop;
	(pc) =	sbr.rel .LBB1_4-.Ltmp4, $1  }
0x3b: {  	_ =	sdelay $0x3  }
.LBB1_6:
0x3c: {  	_ =	sfence.sel $0x180000  }
0x3d: {  	s2 =	simm.s32 $0x1;
	[bflag:$0x0] =	sbarrier.arrive $0xFFFF  }
0x3e: {  	s31 =	simm.s32 $0x2;
	[sflag:s2] =	ssyncpa.u1 $0x1  }
0x3f: {  	[sflag:s31] =	ssyncpa.u1 $0x1  }
0x40: {  	p0 =	sne.s32 s0, $0x0;
	_ =	strace $0x9000004A  }
0x41: {  	s0 =	sadd.s32 @!p0 $0x100000, s1;
	[bflag:$0x2] =	sbarrier.arrive $0xFFFF  }
0x42: {  	[sflag:s0] =	ssyncadd.tile.s32 @!p0 $0x1;
	_ =	shalt  }
.Lfunc_end1:
_tile_overlayer_lowered:
.L_overlay_start_2:
0x43: {  	(tag) =	ssettag $0x2  }
0x44: {  	s0 =	rddreg [dreg:$0x0];
	s2 =	stileid.u32  }
0x45: {  	s1 =	rddreg [dreg:$0x1];
	p0 =	sne.s32 s2, $0x0  }
0x46: {  	s3 =	rddreg [dreg:$0x2];
	[bflag:$0x3] =	sbarrier.arrive $0xFFFF;
	s2 =	simm.s32 @!p0 $0x1C01  }
0x47: {  	[timem:s3], [sflag:s2] =	dma.local @!p0 [hbm:s0], s1  }
0x48: {  	s0 =	simm.s32 @!p0 $0x1  }
0x49: {  	_ =	swait.ge @!p0 [sflag:s0], s1  }
0x4a: {  	s1 =	ssub.s32 @!p0 $0x0, s1;
	[sflag:s0] =	ssyncset.done @!p0 $0x0  }
0x4b: {  	[sflag:s0] =	ssyncadd.s32 @!p0 s1  }
0x4c: {  	[bflag:$0x3] =	sbarrier.arrive $0xFFFF  }
0x4d: {  	_ =	shalt  }

</sc_bundles>
